<compile_context>
chip_gen: v7x
topology: tpu7x:2x2x1
jax: 0.10.2.dev20260603
libtpu: 0.0.44.dev20260713+nightly
codegen_flags: <defaults>
</compile_context>

<pallas_src>
import functools

import jax
import jax.numpy as jnp
from jax import lax
from jax.experimental import pallas as pl
from jax.experimental.pallas import tpu as pltpu
from jax.experimental.pallas import tpu_sc as plsc

BATCH = 32
SEQ = 256
TOK = BATCH * SEQ
D = 1024
V1 = 1000
EPS = 1e-3
NC = 2
NS = 16
NW = NC * NS
NSPLIT = 4
HTOK = TOK // NSPLIT
HBATCH = BATCH // NSPLIT
TPW = HTOK // NW
C = 32
NCHUNK = TPW // C
NBUF = 3


def _gather_kernel(x0_h, emb0_h, content_h, idx_v, r_v, gsem, osem):
    wid = lax.axis_index("s") * NC + lax.axis_index("c")
    base = wid * TPW

    pltpu.sync_copy(x0_h.at[pl.ds(base, TPW)], idx_v)

    def start(ci, b):
        return pltpu.async_copy(emb0_h.at[idx_v.at[pl.ds(ci * C, C)]],
                                r_v.at[b], gsem[b])

    def drain(ci, b, gcp):
        gcp.wait()
        return pltpu.async_copy(r_v.at[b], content_h.at[pl.ds(base + ci * C, C)],
                                osem[b])

    gcps = {ci: start(ci, ci % NBUF) for ci in range(min(NBUF, NCHUNK))}
    ocps = {}
    for ci in range(NCHUNK):
        b = ci % NBUF
        ocps[ci] = drain(ci, b, gcps.pop(ci))
        nx = ci + NBUF
        if nx < NCHUNK:
            ocps.pop(nx - NBUF).wait()
            gcps[nx] = start(nx, nx % NBUF)
    for ocp in ocps.values():
        ocp.wait()


def _tim_body(pos_ref, tim_ref):
    tim_ref[...] = pos_ref[...]


def _ln_body(*refs):
    if len(refs) == 8:
        refs = refs[1:]
    content_ref, x1_ref, emb1_ref, pos_ref, a2_ref, b2_ref, out_ref = refs
    x1b = x1_ref[0, 0, :]
    iota = lax.broadcasted_iota(jnp.int32, (SEQ, V1), 1)
    onehot = (x1b[:, None] == iota).astype(jnp.bfloat16)
    e1 = emb1_ref[...].astype(jnp.bfloat16)
    emb1_rows = jnp.dot(onehot, e1, preferred_element_type=jnp.float32)
    z = content_ref[...] + emb1_rows + pos_ref[...]
    mu = jnp.mean(z, axis=-1, keepdims=True)
    zc = z - mu
    var = jnp.sum(zc * zc, axis=-1, keepdims=True) * (1.0 / (D - 1))
    y = lax.rsqrt(var + 1e-30)
    for _ in range(3):
        y = y * (1.5 - 0.5 * var * y * y)
    sigma = var * y
    den = sigma + EPS
    r = 1.0 / den
    for _ in range(3):
        r = r * (2.0 - den * r)
    out_ref[...] = zc * r * a2_ref[...] + b2_ref[...]


def kernel(x0, x1, emb0, emb1, position_table, a_2, b_2):
    mesh = plsc.VectorSubcoreMesh(core_axis_name="c", subcore_axis_name="s")
    gather = pl.kernel(
        _gather_kernel,
        out_type=jax.ShapeDtypeStruct((HTOK, D), jnp.float32),
        mesh=mesh,
        scratch_types=[
            pltpu.VMEM((TPW,), jnp.int32),
            pltpu.VMEM((NBUF, C, D), jnp.float32),
            [pltpu.SemaphoreType.DMA] * NBUF,
            [pltpu.SemaphoreType.DMA] * NBUF,
        ],
    )
    x0 = x0.astype(jnp.int32)
    contents = [gather(x0[h * HTOK:(h + 1) * HTOK], emb0)
                for h in range(NSPLIT)]

    pos = position_table[:SEQ]
    tim = pl.pallas_call(
        _tim_body,
        grid=(BATCH,),
        in_specs=[pl.BlockSpec((SEQ, D), lambda i: (0, 0))],
        out_specs=pl.BlockSpec((SEQ, D), lambda i: (i, 0)),
        out_shape=jax.ShapeDtypeStruct((TOK, D), jnp.float32),
    )(pos)

    x1r = x1.astype(jnp.int32).reshape(BATCH, 1, SEQ)
    out = None
    for h in range(NSPLIT):
        main_specs = [
            pl.BlockSpec((SEQ, D), lambda i: (i, 0)),
            pl.BlockSpec((1, 1, SEQ), lambda i, h=h: (h * HBATCH + i, 0, 0)),
            pl.BlockSpec((V1, D), lambda i: (0, 0)),
            pl.BlockSpec((SEQ, D), lambda i: (0, 0)),
            pl.BlockSpec((D,), lambda i: (0,)),
            pl.BlockSpec((D,), lambda i: (0,)),
        ]
        prev_spec = [] if h == 0 else [pl.BlockSpec(memory_space=pl.ANY)]
        ln = pl.pallas_call(
            _ln_body,
            grid=(HBATCH,),
            in_specs=prev_spec + main_specs,
            out_specs=pl.BlockSpec((SEQ, D), lambda i, h=h: (h * HBATCH + i, 0)),
            out_shape=jax.ShapeDtypeStruct((TOK, D), jnp.float32),
            input_output_aliases={} if h == 0 else {0: 0},
        )
        prev = () if h == 0 else (out,)
        out = ln(*prev, contents[h], x1r, emb1, pos, a_2, b_2)
    return (out, tim)

# --- scband reference (transcript-rebuilt; emitter-appended) ---
"""Pipeline reference for scband-multi-level-embedding-24902220382934 (READ-ONLY COPY).

The authoritative reference and input builder live on the scoring server;
editing this copy changes nothing except your own understanding.
"""

import jax, jax.numpy as jnp
import numpy as np

BATCH = 32
SEQ = 256
TOK = BATCH * SEQ
D = 1024
V0 = 100000
V1 = 1000
MAXLEN = 300
EPS = 1e-3


def setup_inputs(seed: int = 0) -> dict:
    key = jax.random.key(seed)
    ks = jax.random.split(key, 6)
    x0 = jax.random.randint(ks[0], (TOK,), 0, V0, dtype=jnp.int64) if jax.config.jax_enable_x64 else jax.random.randint(ks[0], (TOK,), 0, V0)
    x1 = jax.random.randint(ks[1], (TOK,), 0, V1)
    emb0 = jax.random.normal(ks[2], (V0, D), dtype=jnp.float32) * 0.02
    emb1 = jax.random.normal(ks[3], (V1, D), dtype=jnp.float32) * 0.02
    position_table = jax.random.normal(ks[4], (MAXLEN, D), dtype=jnp.float32)
    a_2 = jnp.ones((D,), dtype=jnp.float32)
    b_2 = jnp.zeros((D,), dtype=jnp.float32)
    return {"x0": x0, "x1": x1, "emb0": emb0, "emb1": emb1,
            "position_table": position_table, "a_2": a_2, "b_2": b_2}


def reference(x0, x1, emb0, emb1, position_table, a_2, b_2):
    # eval mode: all FeatureDropouts are identity
    # content annotations: sum of per-level embedding lookups (SparseCore gathers)
    content = jnp.take(emb0, x0, axis=0) + jnp.take(emb1, x1, axis=0)
    # timing signal: concat position_table[:seq_len] per sequence; all seqs have len SEQ
    timing_signal = jnp.tile(position_table[:SEQ, :], (BATCH, 1))
    # not partitioned -> add
    z = content + timing_signal
    # LayerNormalization (torch.std is unbiased, ddof=1)
    mu = jnp.mean(z, axis=-1, keepdims=True)
    sigma = jnp.std(z, axis=-1, keepdims=True, ddof=1)
    ln_out = (z - mu) / (sigma + EPS)
    ln_out = ln_out * a_2 + b_2
    return (ln_out, timing_signal)

if __name__ == "__main__":
    import jax
    _d = setup_inputs()
    print(jax.jit(kernel)(*tuple(_d.values())))

</pallas_src>

<mosaic_0001>
#map = affine_map<(d0, d1) -> (0)>
#map1 = affine_map<(d0, d1) -> (0, 0)>
module attributes {stable_mosaic.version = 14 : i64} {
  func.func @_gather_kernel(%arg0: i32, %arg1: i32, %arg2: memref<2048xi32, #tpu.memory_space<hbm>>, %arg3: memref<100000x1024xf32, #tpu.memory_space<hbm>>, %arg4: memref<2048x1024xf32, #tpu.memory_space<hbm>>, %arg5: memref<64xi32, #tpu.memory_space<vmem>>, %arg6: memref<3x32x1024xf32, #tpu.memory_space<vmem>>, %arg7: memref<!tpu.dma_semaphore, #tpu.memory_space<semaphore_mem>>, %arg8: memref<!tpu.dma_semaphore, #tpu.memory_space<semaphore_mem>>, %arg9: memref<!tpu.dma_semaphore, #tpu.memory_space<semaphore_mem>>, %arg10: memref<!tpu.dma_semaphore, #tpu.memory_space<semaphore_mem>>, %arg11: memref<!tpu.dma_semaphore, #tpu.memory_space<semaphore_mem>>, %arg12: memref<!tpu.dma_semaphore, #tpu.memory_space<semaphore_mem>>) attributes {dimension_semantics = [#tpu.dimension_semantics<core_parallel>, #tpu.dimension_semantics<subcore_parallel>], iteration_bounds = array<i64: 2, 16>, scalar_prefetch = 0 : i64, scratch_operands = 8 : i64, tpu.core_type = #tpu.core_type<sc_vector_subcore>, window_params = [{transform_indices = #map}, {transform_indices = #map1}, {transform_indices = #map1}]} {
    %mul3A = arith.constant 2 : i32
    %mul3A_0 = arith.muli %arg1, %mul3A : i32
    %add3A = arith.addi %mul3A_0, %arg0 : i32
    %mul3A_1 = arith.constant 64 : i32
    %mul3A_2 = arith.muli %add3A, %mul3A_1 : i32
    "tpu.region"() ({
      %run_scoped3A = tpu.sem_alloc : memref<!tpu.dma_semaphore, #tpu.memory_space<semaphore_mem>>
      %dma_start3A_97 = tpu.memref_slice %arg2[%mul3A_2] : memref<2048xi32, #tpu.memory_space<hbm>> -> memref<64xi32, #tpu.memory_space<hbm>>
      %dma_start3A_98 = tpu.memref_slice %arg2[%mul3A_2] : memref<2048xi32, #tpu.memory_space<hbm>> -> memref<64xi32, #tpu.memory_space<hbm>>
      tpu.enqueue_dma source(%dma_start3A_98 : memref<64xi32, #tpu.memory_space<hbm>>) target(%arg5 : memref<64xi32, #tpu.memory_space<vmem>>) target_semaphore(%run_scoped3A : memref<!tpu.dma_semaphore, #tpu.memory_space<semaphore_mem>>)
      %dma_wait3A_99 = tpu.memref_slice %arg2[%mul3A_2] : memref<2048xi32, #tpu.memory_space<hbm>> -> memref<64xi32, #tpu.memory_space<hbm>>
      %dma_wait3A_100 = tpu.memref_slice %arg2[%mul3A_2] : memref<2048xi32, #tpu.memory_space<hbm>> -> memref<64xi32, #tpu.memory_space<hbm>>
      tpu.wait_dma2 semaphore(%run_scoped3A : memref<!tpu.dma_semaphore, #tpu.memory_space<semaphore_mem>>) src(%dma_wait3A_100 : memref<64xi32, #tpu.memory_space<hbm>>) dst(%arg5 : memref<64xi32, #tpu.memory_space<vmem>>)
      tpu.yield
    }) : () -> ()
    %dma_start3A = arith.constant 0 : i32
    %dma_start3A_3 = arith.constant 0 : i32
    %dma_start3A_4 = arith.constant 0 : i32
    %dma_start3A_5 = tpu.memref_slice %arg6[%dma_start3A, %dma_start3A_3, %dma_start3A_4] : memref<3x32x1024xf32, #tpu.memory_space<vmem>> -> memref<1x32x1024xf32, #tpu.memory_space<vmem>>
    %dma_start3A_6 = tpu.memref_squeeze %dma_start3A_5 : memref<1x32x1024xf32, #tpu.memory_space<vmem>> -> memref<32x1024xf32, #tpu.memory_space<vmem>>
    %dma_start3A_7 = arith.constant 0 : i32
    %dma_start3A_8 = tpu.memref_slice %arg5[%dma_start3A_7] : memref<64xi32, #tpu.memory_space<vmem>> -> memref<32xi32, #tpu.memory_space<vmem>>
    %dma_start3A_9 = arith.constant 0 : i32
    %dma_start3A_10 = arith.constant 0 : i32
    %dma_start3A_11 = tpu.memref_slice %arg3[%dma_start3A_9, %dma_start3A_10] : memref<100000x1024xf32, #tpu.memory_space<hbm>> -> memref<100000x1024xf32, #tpu.memory_space<hbm>>
    tpu.enqueue_indirect_dma source(%dma_start3A_11 : memref<100000x1024xf32, #tpu.memory_space<hbm>>) target(%dma_start3A_6 : memref<32x1024xf32, #tpu.memory_space<vmem>>) offsets(%dma_start3A_8 : memref<32xi32, #tpu.memory_space<vmem>>) semaphore(%arg7 : memref<!tpu.dma_semaphore, #tpu.memory_space<semaphore_mem>>)
    %dma_start3A_12 = arith.constant 1 : i32
    %dma_start3A_13 = arith.constant 0 : i32
    %dma_start3A_14 = arith.constant 0 : i32
    %dma_start3A_15 = tpu.memref_slice %arg6[%dma_start3A_12, %dma_start3A_13, %dma_start3A_14] : memref<3x32x1024xf32, #tpu.memory_space<vmem>> -> memref<1x32x1024xf32, #tpu.memory_space<vmem>>
    %dma_start3A_16 = tpu.memref_squeeze %dma_start3A_15 : memref<1x32x1024xf32, #tpu.memory_space<vmem>> -> memref<32x1024xf32, #tpu.memory_space<vmem>>
    %dma_start3A_17 = arith.constant 32 : i32
    %dma_start3A_18 = tpu.memref_slice %arg5[%dma_start3A_17] : memref<64xi32, #tpu.memory_space<vmem>> -> memref<32xi32, #tpu.memory_space<vmem>>
    %dma_start3A_19 = arith.constant 0 : i32
    %dma_start3A_20 = arith.constant 0 : i32
    %dma_start3A_21 = tpu.memref_slice %arg3[%dma_start3A_19, %dma_start3A_20] : memref<100000x1024xf32, #tpu.memory_space<hbm>> -> memref<100000x1024xf32, #tpu.memory_space<hbm>>
    tpu.enqueue_indirect_dma source(%dma_start3A_21 : memref<100000x1024xf32, #tpu.memory_space<hbm>>) target(%dma_start3A_16 : memref<32x1024xf32, #tpu.memory_space<vmem>>) offsets(%dma_start3A_18 : memref<32xi32, #tpu.memory_space<vmem>>) semaphore(%arg8 : memref<!tpu.dma_semaphore, #tpu.memory_space<semaphore_mem>>)
    %dma_wait3A = arith.constant 0 : i32
    %dma_wait3A_22 = arith.constant 0 : i32
    %dma_wait3A_23 = arith.constant 0 : i32
    %dma_wait3A_24 = tpu.memref_slice %arg6[%dma_wait3A, %dma_wait3A_22, %dma_wait3A_23] : memref<3x32x1024xf32, #tpu.memory_space<vmem>> -> memref<1x32x1024xf32, #tpu.memory_space<vmem>>
    %dma_wait3A_25 = tpu.memref_squeeze %dma_wait3A_24 : memref<1x32x1024xf32, #tpu.memory_space<vmem>> -> memref<32x1024xf32, #tpu.memory_space<vmem>>
    %dma_wait3A_26 = arith.constant 0 : i32
    %dma_wait3A_27 = tpu.memref_slice %arg5[%dma_wait3A_26] : memref<64xi32, #tpu.memory_space<vmem>> -> memref<32xi32, #tpu.memory_space<vmem>>
    %dma_wait3A_28 = arith.constant 0 : i32
    %dma_wait3A_29 = arith.constant 0 : i32
    %dma_wait3A_30 = tpu.memref_slice %arg3[%dma_wait3A_28, %dma_wait3A_29] : memref<100000x1024xf32, #tpu.memory_space<hbm>> -> memref<100000x1024xf32, #tpu.memory_space<hbm>>
    tpu.wait_indirect_dma semaphore(%arg7 : memref<!tpu.dma_semaphore, #tpu.memory_space<semaphore_mem>>) src(%dma_wait3A_30 : memref<100000x1024xf32, #tpu.memory_space<hbm>>) dst(%dma_wait3A_25 : memref<32x1024xf32, #tpu.memory_space<vmem>>)
    %add3A_31 = arith.constant 0 : i32
    %add3A_32 = arith.addi %mul3A_2, %add3A_31 : i32
    %dma_start3A_33 = arith.constant 0 : i32
    %dma_start3A_34 = arith.constant 0 : i32
    %dma_start3A_35 = arith.constant 0 : i32
    %dma_start3A_36 = tpu.memref_slice %arg6[%dma_start3A_33, %dma_start3A_34, %dma_start3A_35] : memref<3x32x1024xf32, #tpu.memory_space<vmem>> -> memref<1x32x1024xf32, #tpu.memory_space<vmem>>
    %dma_start3A_37 = tpu.memref_squeeze %dma_start3A_36 : memref<1x32x1024xf32, #tpu.memory_space<vmem>> -> memref<32x1024xf32, #tpu.memory_space<vmem>>
    %dma_start3A_38 = arith.constant 0 : i32
    %dma_start3A_39 = tpu.memref_slice %arg4[%add3A_32, %dma_start3A_38] : memref<2048x1024xf32, #tpu.memory_space<hbm>> -> memref<32x1024xf32, #tpu.memory_space<hbm>>
    %dma_start3A_40 = arith.constant 0 : i32
    %dma_start3A_41 = tpu.memref_slice %arg4[%add3A_32, %dma_start3A_40] : memref<2048x1024xf32, #tpu.memory_space<hbm>> -> memref<32x1024xf32, #tpu.memory_space<hbm>>
    %dma_start3A_42 = arith.constant 0 : i32
    %dma_start3A_43 = arith.constant 0 : i32
    %dma_start3A_44 = tpu.memref_slice %arg6[%dma_start3A_33, %dma_start3A_42, %dma_start3A_43] : memref<3x32x1024xf32, #tpu.memory_space<vmem>> -> memref<1x32x1024xf32, #tpu.memory_space<vmem>>
    %dma_start3A_45 = tpu.memref_squeeze %dma_start3A_44 : memref<1x32x1024xf32, #tpu.memory_space<vmem>> -> memref<32x1024xf32, #tpu.memory_space<vmem>>
    tpu.enqueue_dma source(%dma_start3A_45 : memref<32x1024xf32, #tpu.memory_space<vmem>>) target(%dma_start3A_41 : memref<32x1024xf32, #tpu.memory_space<hbm>>) target_semaphore(%arg10 : memref<!tpu.dma_semaphore, #tpu.memory_space<semaphore_mem>>)
    %dma_wait3A_46 = arith.constant 1 : i32
    %dma_wait3A_47 = arith.constant 0 : i32
    %dma_wait3A_48 = arith.constant 0 : i32
    %dma_wait3A_49 = tpu.memref_slice %arg6[%dma_wait3A_46, %dma_wait3A_47, %dma_wait3A_48] : memref<3x32x1024xf32, #tpu.memory_space<vmem>> -> memref<1x32x1024xf32, #tpu.memory_space<vmem>>
    %dma_wait3A_50 = tpu.memref_squeeze %dma_wait3A_49 : memref<1x32x1024xf32, #tpu.memory_space<vmem>> -> memref<32x1024xf32, #tpu.memory_space<vmem>>
    %dma_wait3A_51 = arith.constant 32 : i32
    %dma_wait3A_52 = tpu.memref_slice %arg5[%dma_wait3A_51] : memref<64xi32, #tpu.memory_space<vmem>> -> memref<32xi32, #tpu.memory_space<vmem>>
    %dma_wait3A_53 = arith.constant 0 : i32
    %dma_wait3A_54 = arith.constant 0 : i32
    %dma_wait3A_55 = tpu.memref_slice %arg3[%dma_wait3A_53, %dma_wait3A_54] : memref<100000x1024xf32, #tpu.memory_space<hbm>> -> memref<100000x1024xf32, #tpu.memory_space<hbm>>
    tpu.wait_indirect_dma semaphore(%arg8 : memref<!tpu.dma_semaphore, #tpu.memory_space<semaphore_mem>>) src(%dma_wait3A_55 : memref<100000x1024xf32, #tpu.memory_space<hbm>>) dst(%dma_wait3A_50 : memref<32x1024xf32, #tpu.memory_space<vmem>>)
    %add3A_56 = arith.constant 32 : i32
    %add3A_57 = arith.addi %mul3A_2, %add3A_56 : i32
    %dma_start3A_58 = arith.constant 1 : i32
    %dma_start3A_59 = arith.constant 0 : i32
    %dma_start3A_60 = arith.constant 0 : i32
    %dma_start3A_61 = tpu.memref_slice %arg6[%dma_start3A_58, %dma_start3A_59, %dma_start3A_60] : memref<3x32x1024xf32, #tpu.memory_space<vmem>> -> memref<1x32x1024xf32, #tpu.memory_space<vmem>>
    %dma_start3A_62 = tpu.memref_squeeze %dma_start3A_61 : memref<1x32x1024xf32, #tpu.memory_space<vmem>> -> memref<32x1024xf32, #tpu.memory_space<vmem>>
    %dma_start3A_63 = arith.constant 0 : i32
    %dma_start3A_64 = tpu.memref_slice %arg4[%add3A_57, %dma_start3A_63] : memref<2048x1024xf32, #tpu.memory_space<hbm>> -> memref<32x1024xf32, #tpu.memory_space<hbm>>
    %dma_start3A_65 = arith.constant 0 : i32
    %dma_start3A_66 = tpu.memref_slice %arg4[%add3A_57, %dma_start3A_65] : memref<2048x1024xf32, #tpu.memory_space<hbm>> -> memref<32x1024xf32, #tpu.memory_space<hbm>>
    %dma_start3A_67 = arith.constant 0 : i32
    %dma_start3A_68 = arith.constant 0 : i32
    %dma_start3A_69 = tpu.memref_slice %arg6[%dma_start3A_58, %dma_start3A_67, %dma_start3A_68] : memref<3x32x1024xf32, #tpu.memory_space<vmem>> -> memref<1x32x1024xf32, #tpu.memory_space<vmem>>
    %dma_start3A_70 = tpu.memref_squeeze %dma_start3A_69 : memref<1x32x1024xf32, #tpu.memory_space<vmem>> -> memref<32x1024xf32, #tpu.memory_space<vmem>>
    tpu.enqueue_dma source(%dma_start3A_70 : memref<32x1024xf32, #tpu.memory_space<vmem>>) target(%dma_start3A_66 : memref<32x1024xf32, #tpu.memory_space<hbm>>) target_semaphore(%arg11 : memref<!tpu.dma_semaphore, #tpu.memory_space<semaphore_mem>>)
    %dma_wait3A_71 = arith.constant 0 : i32
    %dma_wait3A_72 = arith.constant 0 : i32
    %dma_wait3A_73 = arith.constant 0 : i32
    %dma_wait3A_74 = tpu.memref_slice %arg6[%dma_wait3A_71, %dma_wait3A_72, %dma_wait3A_73] : memref<3x32x1024xf32, #tpu.memory_space<vmem>> -> memref<1x32x1024xf32, #tpu.memory_space<vmem>>
    %dma_wait3A_75 = tpu.memref_squeeze %dma_wait3A_74 : memref<1x32x1024xf32, #tpu.memory_space<vmem>> -> memref<32x1024xf32, #tpu.memory_space<vmem>>
    %dma_wait3A_76 = arith.constant 0 : i32
    %dma_wait3A_77 = tpu.memref_slice %arg4[%add3A_32, %dma_wait3A_76] : memref<2048x1024xf32, #tpu.memory_space<hbm>> -> memref<32x1024xf32, #tpu.memory_space<hbm>>
    %dma_wait3A_78 = arith.constant 0 : i32
    %dma_wait3A_79 = tpu.memref_slice %arg4[%add3A_32, %dma_wait3A_78] : memref<2048x1024xf32, #tpu.memory_space<hbm>> -> memref<32x1024xf32, #tpu.memory_space<hbm>>
    %dma_wait3A_80 = arith.constant 0 : i32
    %dma_wait3A_81 = arith.constant 0 : i32
    %dma_wait3A_82 = tpu.memref_slice %arg6[%dma_wait3A_71, %dma_wait3A_80, %dma_wait3A_81] : memref<3x32x1024xf32, #tpu.memory_space<vmem>> -> memref<1x32x1024xf32, #tpu.memory_space<vmem>>
    %dma_wait3A_83 = tpu.memref_squeeze %dma_wait3A_82 : memref<1x32x1024xf32, #tpu.memory_space<vmem>> -> memref<32x1024xf32, #tpu.memory_space<vmem>>
    tpu.wait_dma2 semaphore(%arg10 : memref<!tpu.dma_semaphore, #tpu.memory_space<semaphore_mem>>) src(%dma_wait3A_83 : memref<32x1024xf32, #tpu.memory_space<vmem>>) dst(%dma_wait3A_79 : memref<32x1024xf32, #tpu.memory_space<hbm>>)
    %dma_wait3A_84 = arith.constant 1 : i32
    %dma_wait3A_85 = arith.constant 0 : i32
    %dma_wait3A_86 = arith.constant 0 : i32
    %dma_wait3A_87 = tpu.memref_slice %arg6[%dma_wait3A_84, %dma_wait3A_85, %dma_wait3A_86] : memref<3x32x1024xf32, #tpu.memory_space<vmem>> -> memref<1x32x1024xf32, #tpu.memory_space<vmem>>
    %dma_wait3A_88 = tpu.memref_squeeze %dma_wait3A_87 : memref<1x32x1024xf32, #tpu.memory_space<vmem>> -> memref<32x1024xf32, #tpu.memory_space<vmem>>
    %dma_wait3A_89 = arith.constant 0 : i32
    %dma_wait3A_90 = tpu.memref_slice %arg4[%add3A_57, %dma_wait3A_89] : memref<2048x1024xf32, #tpu.memory_space<hbm>> -> memref<32x1024xf32, #tpu.memory_space<hbm>>
    %dma_wait3A_91 = arith.constant 0 : i32
    %dma_wait3A_92 = tpu.memref_slice %arg4[%add3A_57, %dma_wait3A_91] : memref<2048x1024xf32, #tpu.memory_space<hbm>> -> memref<32x1024xf32, #tpu.memory_space<hbm>>
    %dma_wait3A_93 = arith.constant 0 : i32
    %dma_wait3A_94 = arith.constant 0 : i32
    %dma_wait3A_95 = tpu.memref_slice %arg6[%dma_wait3A_84, %dma_wait3A_93, %dma_wait3A_94] : memref<3x32x1024xf32, #tpu.memory_space<vmem>> -> memref<1x32x1024xf32, #tpu.memory_space<vmem>>
    %dma_wait3A_96 = tpu.memref_squeeze %dma_wait3A_95 : memref<1x32x1024xf32, #tpu.memory_space<vmem>> -> memref<32x1024xf32, #tpu.memory_space<vmem>>
    tpu.wait_dma2 semaphore(%arg11 : memref<!tpu.dma_semaphore, #tpu.memory_space<semaphore_mem>>) src(%dma_wait3A_96 : memref<32x1024xf32, #tpu.memory_space<vmem>>) dst(%dma_wait3A_92 : memref<32x1024xf32, #tpu.memory_space<hbm>>)
    return
  }
}

#map = affine_map<(d0, d1) -> (0)>
#map1 = affine_map<(d0, d1) -> (0, 0)>
module attributes {stable_mosaic.version = 14 : i64} {
  func.func @_gather_kernel(%arg0: i32, %arg1: i32, %arg2: memref<2048xi32, #tpu.memory_space<hbm>>, %arg3: memref<100000x1024xf32, #tpu.memory_space<hbm>>, %arg4: memref<2048x1024xf32, #tpu.memory_space<hbm>>, %arg5: memref<64xi32, #tpu.memory_space<vmem>>, %arg6: memref<3x32x1024xf32, #tpu.memory_space<vmem>>, %arg7: memref<!tpu.dma_semaphore, #tpu.memory_space<semaphore_mem>>, %arg8: memref<!tpu.dma_semaphore, #tpu.memory_space<semaphore_mem>>, %arg9: memref<!tpu.dma_semaphore, #tpu.memory_space<semaphore_mem>>, %arg10: memref<!tpu.dma_semaphore, #tpu.memory_space<semaphore_mem>>, %arg11: memref<!tpu.dma_semaphore, #tpu.memory_space<semaphore_mem>>, %arg12: memref<!tpu.dma_semaphore, #tpu.memory_space<semaphore_mem>>) attributes {dimension_semantics = [#tpu.dimension_semantics<core_parallel>, #tpu.dimension_semantics<subcore_parallel>], iteration_bounds = array<i64: 2, 16>, scalar_prefetch = 0 : i64, scratch_operands = 8 : i64, tpu.core_type = #tpu.core_type<sc_vector_subcore>, window_params = [{transform_indices = #map}, {transform_indices = #map1}, {transform_indices = #map1}]} {
    %mul3A = arith.constant 2 : i32
    %mul3A_0 = arith.muli %arg1, %mul3A : i32
    %add3A = arith.addi %mul3A_0, %arg0 : i32
    %mul3A_1 = arith.constant 64 : i32
    %mul3A_2 = arith.muli %add3A, %mul3A_1 : i32
    "tpu.region"() ({
      %run_scoped3A = tpu.sem_alloc : memref<!tpu.dma_semaphore, #tpu.memory_space<semaphore_mem>>
      %dma_start3A_97 = tpu.memref_slice %arg2[%mul3A_2] : memref<2048xi32, #tpu.memory_space<hbm>> -> memref<64xi32, #tpu.memory_space<hbm>>
      %dma_start3A_98 = tpu.memref_slice %arg2[%mul3A_2] : memref<2048xi32, #tpu.memory_space<hbm>> -> memref<64xi32, #tpu.memory_space<hbm>>
      tpu.enqueue_dma source(%dma_start3A_98 : memref<64xi32, #tpu.memory_space<hbm>>) target(%arg5 : memref<64xi32, #tpu.memory_space<vmem>>) target_semaphore(%run_scoped3A : memref<!tpu.dma_semaphore, #tpu.memory_space<semaphore_mem>>)
      %dma_wait3A_99 = tpu.memref_slice %arg2[%mul3A_2] : memref<2048xi32, #tpu.memory_space<hbm>> -> memref<64xi32, #tpu.memory_space<hbm>>
      %dma_wait3A_100 = tpu.memref_slice %arg2[%mul3A_2] : memref<2048xi32, #tpu.memory_space<hbm>> -> memref<64xi32, #tpu.memory_space<hbm>>
      tpu.wait_dma2 semaphore(%run_scoped3A : memref<!tpu.dma_semaphore, #tpu.memory_space<semaphore_mem>>) src(%dma_wait3A_100 : memref<64xi32, #tpu.memory_space<hbm>>) dst(%arg5 : memref<64xi32, #tpu.memory_space<vmem>>)
      tpu.yield
    }) : () -> ()
    %dma_start3A = arith.constant 0 : i32
    %dma_start3A_3 = arith.constant 0 : i32
    %dma_start3A_4 = arith.constant 0 : i32
    %dma_start3A_5 = tpu.memref_slice %arg6[%dma_start3A, %dma_start3A_3, %dma_start3A_4] : memref<3x32x1024xf32, #tpu.memory_space<vmem>> -> memref<1x32x1024xf32, #tpu.memory_space<vmem>>
    %dma_start3A_6 = tpu.memref_squeeze %dma_start3A_5 : memref<1x32x1024xf32, #tpu.memory_space<vmem>> -> memref<32x1024xf32, #tpu.memory_space<vmem>>
    %dma_start3A_7 = arith.constant 0 : i32
    %dma_start3A_8 = tpu.memref_slice %arg5[%dma_start3A_7] : memref<64xi32, #tpu.memory_space<vmem>> -> memref<32xi32, #tpu.memory_space<vmem>>
    %dma_start3A_9 = arith.constant 0 : i32
    %dma_start3A_10 = arith.constant 0 : i32
    %dma_start3A_11 = tpu.memref_slice %arg3[%dma_start3A_9, %dma_start3A_10] : memref<100000x1024xf32, #tpu.memory_space<hbm>> -> memref<100000x1024xf32, #tpu.memory_space<hbm>>
    tpu.enqueue_indirect_dma source(%dma_start3A_11 : memref<100000x1024xf32, #tpu.memory_space<hbm>>) target(%dma_start3A_6 : memref<32x1024xf32, #tpu.memory_space<vmem>>) offsets(%dma_start3A_8 : memref<32xi32, #tpu.memory_space<vmem>>) semaphore(%arg7 : memref<!tpu.dma_semaphore, #tpu.memory_space<semaphore_mem>>)
    %dma_start3A_12 = arith.constant 1 : i32
    %dma_start3A_13 = arith.constant 0 : i32
    %dma_start3A_14 = arith.constant 0 : i32
    %dma_start3A_15 = tpu.memref_slice %arg6[%dma_start3A_12, %dma_start3A_13, %dma_start3A_14] : memref<3x32x1024xf32, #tpu.memory_space<vmem>> -> memref<1x32x1024xf32, #tpu.memory_space<vmem>>
    %dma_start3A_16 = tpu.memref_squeeze %dma_start3A_15 : memref<1x32x1024xf32, #tpu.memory_space<vmem>> -> memref<32x1024xf32, #tpu.memory_space<vmem>>
    %dma_start3A_17 = arith.constant 32 : i32
    %dma_start3A_18 = tpu.memref_slice %arg5[%dma_start3A_17] : memref<64xi32, #tpu.memory_space<vmem>> -> memref<32xi32, #tpu.memory_space<vmem>>
    %dma_start3A_19 = arith.constant 0 : i32
    %dma_start3A_20 = arith.constant 0 : i32
    %dma_start3A_21 = tpu.memref_slice %arg3[%dma_start3A_19, %dma_start3A_20] : memref<100000x1024xf32, #tpu.memory_space<hbm>> -> memref<100000x1024xf32, #tpu.memory_space<hbm>>
    tpu.enqueue_indirect_dma source(%dma_start3A_21 : memref<100000x1024xf32, #tpu.memory_space<hbm>>) target(%dma_start3A_16 : memref<32x1024xf32, #tpu.memory_space<vmem>>) offsets(%dma_start3A_18 : memref<32xi32, #tpu.memory_space<vmem>>) semaphore(%arg8 : memref<!tpu.dma_semaphore, #tpu.memory_space<semaphore_mem>>)
    %dma_wait3A = arith.constant 0 : i32
    %dma_wait3A_22 = arith.constant 0 : i32
    %dma_wait3A_23 = arith.constant 0 : i32
    %dma_wait3A_24 = tpu.memref_slice %arg6[%dma_wait3A, %dma_wait3A_22, %dma_wait3A_23] : memref<3x32x1024xf32, #tpu.memory_space<vmem>> -> memref<1x32x1024xf32, #tpu.memory_space<vmem>>
    %dma_wait3A_25 = tpu.memref_squeeze %dma_wait3A_24 : memref<1x32x1024xf32, #tpu.memory_space<vmem>> -> memref<32x1024xf32, #tpu.memory_space<vmem>>
    %dma_wait3A_26 = arith.constant 0 : i32
    %dma_wait3A_27 = tpu.memref_slice %arg5[%dma_wait3A_26] : memref<64xi32, #tpu.memory_space<vmem>> -> memref<32xi32, #tpu.memory_space<vmem>>
    %dma_wait3A_28 = arith.constant 0 : i32
    %dma_wait3A_29 = arith.constant 0 : i32
    %dma_wait3A_30 = tpu.memref_slice %arg3[%dma_wait3A_28, %dma_wait3A_29] : memref<100000x1024xf32, #tpu.memory_space<hbm>> -> memref<100000x1024xf32, #tpu.memory_space<hbm>>
    tpu.wait_indirect_dma semaphore(%arg7 : memref<!tpu.dma_semaphore, #tpu.memory_space<semaphore_mem>>) src(%dma_wait3A_30 : memref<100000x1024xf32, #tpu.memory_space<hbm>>) dst(%dma_wait3A_25 : memref<32x1024xf32, #tpu.memory_space<vmem>>)
    %add3A_31 = arith.constant 0 : i32
    %add3A_32 = arith.addi %mul3A_2, %add3A_31 : i32
    %dma_start3A_33 = arith.constant 0 : i32
    %dma_start3A_34 = arith.constant 0 : i32
    %dma_start3A_35 = arith.constant 0 : i32
    %dma_start3A_36 = tpu.memref_slice %arg6[%dma_start3A_33, %dma_start3A_34, %dma_start3A_35] : memref<3x32x1024xf32, #tpu.memory_space<vmem>> -> memref<1x32x1024xf32, #tpu.memory_space<vmem>>
    %dma_start3A_37 = tpu.memref_squeeze %dma_start3A_36 : memref<1x32x1024xf32, #tpu.memory_space<vmem>> -> memref<32x1024xf32, #tpu.memory_space<vmem>>
    %dma_start3A_38 = arith.constant 0 : i32
    %dma_start3A_39 = tpu.memref_slice %arg4[%add3A_32, %dma_start3A_38] : memref<2048x1024xf32, #tpu.memory_space<hbm>> -> memref<32x1024xf32, #tpu.memory_space<hbm>>
    %dma_start3A_40 = arith.constant 0 : i32
    %dma_start3A_41 = tpu.memref_slice %arg4[%add3A_32, %dma_start3A_40] : memref<2048x1024xf32, #tpu.memory_space<hbm>> -> memref<32x1024xf32, #tpu.memory_space<hbm>>
    %dma_start3A_42 = arith.constant 0 : i32
    %dma_start3A_43 = arith.constant 0 : i32
    %dma_start3A_44 = tpu.memref_slice %arg6[%dma_start3A_33, %dma_start3A_42, %dma_start3A_43] : memref<3x32x1024xf32, #tpu.memory_space<vmem>> -> memref<1x32x1024xf32, #tpu.memory_space<vmem>>
    %dma_start3A_45 = tpu.memref_squeeze %dma_start3A_44 : memref<1x32x1024xf32, #tpu.memory_space<vmem>> -> memref<32x1024xf32, #tpu.memory_space<vmem>>
    tpu.enqueue_dma source(%dma_start3A_45 : memref<32x1024xf32, #tpu.memory_space<vmem>>) target(%dma_start3A_41 : memref<32x1024xf32, #tpu.memory_space<hbm>>) target_semaphore(%arg10 : memref<!tpu.dma_semaphore, #tpu.memory_space<semaphore_mem>>)
    %dma_wait3A_46 = arith.constant 1 : i32
    %dma_wait3A_47 = arith.constant 0 : i32
    %dma_wait3A_48 = arith.constant 0 : i32
    %dma_wait3A_49 = tpu.memref_slice %arg6[%dma_wait3A_46, %dma_wait3A_47, %dma_wait3A_48] : memref<3x32x1024xf32, #tpu.memory_space<vmem>> -> memref<1x32x1024xf32, #tpu.memory_space<vmem>>
    %dma_wait3A_50 = tpu.memref_squeeze %dma_wait3A_49 : memref<1x32x1024xf32, #tpu.memory_space<vmem>> -> memref<32x1024xf32, #tpu.memory_space<vmem>>
    %dma_wait3A_51 = arith.constant 32 : i32
    %dma_wait3A_52 = tpu.memref_slice %arg5[%dma_wait3A_51] : memref<64xi32, #tpu.memory_space<vmem>> -> memref<32xi32, #tpu.memory_space<vmem>>
    %dma_wait3A_53 = arith.constant 0 : i32
    %dma_wait3A_54 = arith.constant 0 : i32
    %dma_wait3A_55 = tpu.memref_slice %arg3[%dma_wait3A_53, %dma_wait3A_54] : memref<100000x1024xf32, #tpu.memory_space<hbm>> -> memref<100000x1024xf32, #tpu.memory_space<hbm>>
    tpu.wait_indirect_dma semaphore(%arg8 : memref<!tpu.dma_semaphore, #tpu.memory_space<semaphore_mem>>) src(%dma_wait3A_55 : memref<100000x1024xf32, #tpu.memory_space<hbm>>) dst(%dma_wait3A_50 : memref<32x1024xf32, #tpu.memory_space<vmem>>)
    %add3A_56 = arith.constant 32 : i32
    %add3A_57 = arith.addi %mul3A_2, %add3A_56 : i32
    %dma_start3A_58 = arith.constant 1 : i32
    %dma_start3A_59 = arith.constant 0 : i32
    %dma_start3A_60 = arith.constant 0 : i32
    %dma_start3A_61 = tpu.memref_slice %arg6[%dma_start3A_58, %dma_start3A_59, %dma_start3A_60] : memref<3x32x1024xf32, #tpu.memory_space<vmem>> -> memref<1x32x1024xf32, #tpu.memory_space<vmem>>
    %dma_start3A_62 = tpu.memref_squeeze %dma_start3A_61 : memref<1x32x1024xf32, #tpu.memory_space<vmem>> -> memref<32x1024xf32, #tpu.memory_space<vmem>>
    %dma_start3A_63 = arith.constant 0 : i32
    %dma_start3A_64 = tpu.memref_slice %arg4[%add3A_57, %dma_start3A_63] : memref<2048x1024xf32, #tpu.memory_space<hbm>> -> memref<32x1024xf32, #tpu.memory_space<hbm>>
    %dma_start3A_65 = arith.constant 0 : i32
    %dma_start3A_66 = tpu.memref_slice %arg4[%add3A_57, %dma_start3A_65] : memref<2048x1024xf32, #tpu.memory_space<hbm>> -> memref<32x1024xf32, #tpu.memory_space<hbm>>
    %dma_start3A_67 = arith.constant 0 : i32
    %dma_start3A_68 = arith.constant 0 : i32
    %dma_start3A_69 = tpu.memref_slice %arg6[%dma_start3A_58, %dma_start3A_67, %dma_start3A_68] : memref<3x32x1024xf32, #tpu.memory_space<vmem>> -> memref<1x32x1024xf32, #tpu.memory_space<vmem>>
    %dma_start3A_70 = tpu.memref_squeeze %dma_start3A_69 : memref<1x32x1024xf32, #tpu.memory_space<vmem>> -> memref<32x1024xf32, #tpu.memory_space<vmem>>
    tpu.enqueue_dma source(%dma_start3A_70 : memref<32x1024xf32, #tpu.memory_space<vmem>>) target(%dma_start3A_66 : memref<32x1024xf32, #tpu.memory_space<hbm>>) target_semaphore(%arg11 : memref<!tpu.dma_semaphore, #tpu.memory_space<semaphore_mem>>)
    %dma_wait3A_71 = arith.constant 0 : i32
    %dma_wait3A_72 = arith.constant 0 : i32
    %dma_wait3A_73 = arith.constant 0 : i32
    %dma_wait3A_74 = tpu.memref_slice %arg6[%dma_wait3A_71, %dma_wait3A_72, %dma_wait3A_73] : memref<3x32x1024xf32, #tpu.memory_space<vmem>> -> memref<1x32x1024xf32, #tpu.memory_space<vmem>>
    %dma_wait3A_75 = tpu.memref_squeeze %dma_wait3A_74 : memref<1x32x1024xf32, #tpu.memory_space<vmem>> -> memref<32x1024xf32, #tpu.memory_space<vmem>>
    %dma_wait3A_76 = arith.constant 0 : i32
    %dma_wait3A_77 = tpu.memref_slice %arg4[%add3A_32, %dma_wait3A_76] : memref<2048x1024xf32, #tpu.memory_space<hbm>> -> memref<32x1024xf32, #tpu.memory_space<hbm>>
    %dma_wait3A_78 = arith.constant 0 : i32
    %dma_wait3A_79 = tpu.memref_slice %arg4[%add3A_32, %dma_wait3A_78] : memref<2048x1024xf32, #tpu.memory_space<hbm>> -> memref<32x1024xf32, #tpu.memory_space<hbm>>
    %dma_wait3A_80 = arith.constant 0 : i32
    %dma_wait3A_81 = arith.constant 0 : i32
    %dma_wait3A_82 = tpu.memref_slice %arg6[%dma_wait3A_71, %dma_wait3A_80, %dma_wait3A_81] : memref<3x32x1024xf32, #tpu.memory_space<vmem>> -> memref<1x32x1024xf32, #tpu.memory_space<vmem>>
    %dma_wait3A_83 = tpu.memref_squeeze %dma_wait3A_82 : memref<1x32x1024xf32, #tpu.memory_space<vmem>> -> memref<32x1024xf32, #tpu.memory_space<vmem>>
    tpu.wait_dma2 semaphore(%arg10 : memref<!tpu.dma_semaphore, #tpu.memory_space<semaphore_mem>>) src(%dma_wait3A_83 : memref<32x1024xf32, #tpu.memory_space<vmem>>) dst(%dma_wait3A_79 : memref<32x1024xf32, #tpu.memory_space<hbm>>)
    %dma_wait3A_84 = arith.constant 1 : i32
    %dma_wait3A_85 = arith.constant 0 : i32
    %dma_wait3A_86 = arith.constant 0 : i32
    %dma_wait3A_87 = tpu.memref_slice %arg6[%dma_wait3A_84, %dma_wait3A_85, %dma_wait3A_86] : memref<3x32x1024xf32, #tpu.memory_space<vmem>> -> memref<1x32x1024xf32, #tpu.memory_space<vmem>>
    %dma_wait3A_88 = tpu.memref_squeeze %dma_wait3A_87 : memref<1x32x1024xf32, #tpu.memory_space<vmem>> -> memref<32x1024xf32, #tpu.memory_space<vmem>>
    %dma_wait3A_89 = arith.constant 0 : i32
    %dma_wait3A_90 = tpu.memref_slice %arg4[%add3A_57, %dma_wait3A_89] : memref<2048x1024xf32, #tpu.memory_space<hbm>> -> memref<32x1024xf32, #tpu.memory_space<hbm>>
    %dma_wait3A_91 = arith.constant 0 : i32
    %dma_wait3A_92 = tpu.memref_slice %arg4[%add3A_57, %dma_wait3A_91] : memref<2048x1024xf32, #tpu.memory_space<hbm>> -> memref<32x1024xf32, #tpu.memory_space<hbm>>
    %dma_wait3A_93 = arith.constant 0 : i32
    %dma_wait3A_94 = arith.constant 0 : i32
    %dma_wait3A_95 = tpu.memref_slice %arg6[%dma_wait3A_84, %dma_wait3A_93, %dma_wait3A_94] : memref<3x32x1024xf32, #tpu.memory_space<vmem>> -> memref<1x32x1024xf32, #tpu.memory_space<vmem>>
    %dma_wait3A_96 = tpu.memref_squeeze %dma_wait3A_95 : memref<1x32x1024xf32, #tpu.memory_space<vmem>> -> memref<32x1024xf32, #tpu.memory_space<vmem>>
    tpu.wait_dma2 semaphore(%arg11 : memref<!tpu.dma_semaphore, #tpu.memory_space<semaphore_mem>>) src(%dma_wait3A_96 : memref<32x1024xf32, #tpu.memory_space<vmem>>) dst(%dma_wait3A_92 : memref<32x1024xf32, #tpu.memory_space<hbm>>)
    return
  }
}

#map = affine_map<(d0, d1) -> (0)>
#map1 = affine_map<(d0, d1) -> (0, 0)>
module attributes {stable_mosaic.version = 14 : i64} {
  func.func @_gather_kernel(%arg0: i32, %arg1: i32, %arg2: memref<2048xi32, #tpu.memory_space<hbm>>, %arg3: memref<100000x1024xf32, #tpu.memory_space<hbm>>, %arg4: memref<2048x1024xf32, #tpu.memory_space<hbm>>, %arg5: memref<64xi32, #tpu.memory_space<vmem>>, %arg6: memref<3x32x1024xf32, #tpu.memory_space<vmem>>, %arg7: memref<!tpu.dma_semaphore, #tpu.memory_space<semaphore_mem>>, %arg8: memref<!tpu.dma_semaphore, #tpu.memory_space<semaphore_mem>>, %arg9: memref<!tpu.dma_semaphore, #tpu.memory_space<semaphore_mem>>, %arg10: memref<!tpu.dma_semaphore, #tpu.memory_space<semaphore_mem>>, %arg11: memref<!tpu.dma_semaphore, #tpu.memory_space<semaphore_mem>>, %arg12: memref<!tpu.dma_semaphore, #tpu.memory_space<semaphore_mem>>) attributes {dimension_semantics = [#tpu.dimension_semantics<core_parallel>, #tpu.dimension_semantics<subcore_parallel>], iteration_bounds = array<i64: 2, 16>, scalar_prefetch = 0 : i64, scratch_operands = 8 : i64, tpu.core_type = #tpu.core_type<sc_vector_subcore>, window_params = [{transform_indices = #map}, {transform_indices = #map1}, {transform_indices = #map1}]} {
    %mul3A = arith.constant 2 : i32
    %mul3A_0 = arith.muli %arg1, %mul3A : i32
    %add3A = arith.addi %mul3A_0, %arg0 : i32
    %mul3A_1 = arith.constant 64 : i32
    %mul3A_2 = arith.muli %add3A, %mul3A_1 : i32
    "tpu.region"() ({
      %run_scoped3A = tpu.sem_alloc : memref<!tpu.dma_semaphore, #tpu.memory_space<semaphore_mem>>
      %dma_start3A_97 = tpu.memref_slice %arg2[%mul3A_2] : memref<2048xi32, #tpu.memory_space<hbm>> -> memref<64xi32, #tpu.memory_space<hbm>>
      %dma_start3A_98 = tpu.memref_slice %arg2[%mul3A_2] : memref<2048xi32, #tpu.memory_space<hbm>> -> memref<64xi32, #tpu.memory_space<hbm>>
      tpu.enqueue_dma source(%dma_start3A_98 : memref<64xi32, #tpu.memory_space<hbm>>) target(%arg5 : memref<64xi32, #tpu.memory_space<vmem>>) target_semaphore(%run_scoped3A : memref<!tpu.dma_semaphore, #tpu.memory_space<semaphore_mem>>)
      %dma_wait3A_99 = tpu.memref_slice %arg2[%mul3A_2] : memref<2048xi32, #tpu.memory_space<hbm>> -> memref<64xi32, #tpu.memory_space<hbm>>
      %dma_wait3A_100 = tpu.memref_slice %arg2[%mul3A_2] : memref<2048xi32, #tpu.memory_space<hbm>> -> memref<64xi32, #tpu.memory_space<hbm>>
      tpu.wait_dma2 semaphore(%run_scoped3A : memref<!tpu.dma_semaphore, #tpu.memory_space<semaphore_mem>>) src(%dma_wait3A_100 : memref<64xi32, #tpu.memory_space<hbm>>) dst(%arg5 : memref<64xi32, #tpu.memory_space<vmem>>)
      tpu.yield
    }) : () -> ()
    %dma_start3A = arith.constant 0 : i32
    %dma_start3A_3 = arith.constant 0 : i32
    %dma_start3A_4 = arith.constant 0 : i32
    %dma_start3A_5 = tpu.memref_slice %arg6[%dma_start3A, %dma_start3A_3, %dma_start3A_4] : memref<3x32x1024xf32, #tpu.memory_space<vmem>> -> memref<1x32x1024xf32, #tpu.memory_space<vmem>>
    %dma_start3A_6 = tpu.memref_squeeze %dma_start3A_5 : memref<1x32x1024xf32, #tpu.memory_space<vmem>> -> memref<32x1024xf32, #tpu.memory_space<vmem>>
    %dma_start3A_7 = arith.constant 0 : i32
    %dma_start3A_8 = tpu.memref_slice %arg5[%dma_start3A_7] : memref<64xi32, #tpu.memory_space<vmem>> -> memref<32xi32, #tpu.memory_space<vmem>>
    %dma_start3A_9 = arith.constant 0 : i32
    %dma_start3A_10 = arith.constant 0 : i32
    %dma_start3A_11 = tpu.memref_slice %arg3[%dma_start3A_9, %dma_start3A_10] : memref<100000x1024xf32, #tpu.memory_space<hbm>> -> memref<100000x1024xf32, #tpu.memory_space<hbm>>
    tpu.enqueue_indirect_dma source(%dma_start3A_11 : memref<100000x1024xf32, #tpu.memory_space<hbm>>) target(%dma_start3A_6 : memref<32x1024xf32, #tpu.memory_space<vmem>>) offsets(%dma_start3A_8 : memref<32xi32, #tpu.memory_space<vmem>>) semaphore(%arg7 : memref<!tpu.dma_semaphore, #tpu.memory_space<semaphore_mem>>)
    %dma_start3A_12 = arith.constant 1 : i32
    %dma_start3A_13 = arith.constant 0 : i32
    %dma_start3A_14 = arith.constant 0 : i32
    %dma_start3A_15 = tpu.memref_slice %arg6[%dma_start3A_12, %dma_start3A_13, %dma_start3A_14] : memref<3x32x1024xf32, #tpu.memory_space<vmem>> -> memref<1x32x1024xf32, #tpu.memory_space<vmem>>
    %dma_start3A_16 = tpu.memref_squeeze %dma_start3A_15 : memref<1x32x1024xf32, #tpu.memory_space<vmem>> -> memref<32x1024xf32, #tpu.memory_space<vmem>>
    %dma_start3A_17 = arith.constant 32 : i32
    %dma_start3A_18 = tpu.memref_slice %arg5[%dma_start3A_17] : memref<64xi32, #tpu.memory_space<vmem>> -> memref<32xi32, #tpu.memory_space<vmem>>
    %dma_start3A_19 = arith.constant 0 : i32
    %dma_start3A_20 = arith.constant 0 : i32
    %dma_start3A_21 = tpu.memref_slice %arg3[%dma_start3A_19, %dma_start3A_20] : memref<100000x1024xf32, #tpu.memory_space<hbm>> -> memref<100000x1024xf32, #tpu.memory_space<hbm>>
    tpu.enqueue_indirect_dma source(%dma_start3A_21 : memref<100000x1024xf32, #tpu.memory_space<hbm>>) target(%dma_start3A_16 : memref<32x1024xf32, #tpu.memory_space<vmem>>) offsets(%dma_start3A_18 : memref<32xi32, #tpu.memory_space<vmem>>) semaphore(%arg8 : memref<!tpu.dma_semaphore, #tpu.memory_space<semaphore_mem>>)
    %dma_wait3A = arith.constant 0 : i32
    %dma_wait3A_22 = arith.constant 0 : i32
    %dma_wait3A_23 = arith.constant 0 : i32
    %dma_wait3A_24 = tpu.memref_slice %arg6[%dma_wait3A, %dma_wait3A_22, %dma_wait3A_23] : memref<3x32x1024xf32, #tpu.memory_space<vmem>> -> memref<1x32x1024xf32, #tpu.memory_space<vmem>>
    %dma_wait3A_25 = tpu.memref_squeeze %dma_wait3A_24 : memref<1x32x1024xf32, #tpu.memory_space<vmem>> -> memref<32x1024xf32, #tpu.memory_space<vmem>>
    %dma_wait3A_26 = arith.constant 0 : i32
    %dma_wait3A_27 = tpu.memref_slice %arg5[%dma_wait3A_26] : memref<64xi32, #tpu.memory_space<vmem>> -> memref<32xi32, #tpu.memory_space<vmem>>
    %dma_wait3A_28 = arith.constant 0 : i32
    %dma_wait3A_29 = arith.constant 0 : i32
    %dma_wait3A_30 = tpu.memref_slice %arg3[%dma_wait3A_28, %dma_wait3A_29] : memref<100000x1024xf32, #tpu.memory_space<hbm>> -> memref<100000x1024xf32, #tpu.memory_space<hbm>>
    tpu.wait_indirect_dma semaphore(%arg7 : memref<!tpu.dma_semaphore, #tpu.memory_space<semaphore_mem>>) src(%dma_wait3A_30 : memref<100000x1024xf32, #tpu.memory_space<hbm>>) dst(%dma_wait3A_25 : memref<32x1024xf32, #tpu.memory_space<vmem>>)
    %add3A_31 = arith.constant 0 : i32
    %add3A_32 = arith.addi %mul3A_2, %add3A_31 : i32
    %dma_start3A_33 = arith.constant 0 : i32
    %dma_start3A_34 = arith.constant 0 : i32
    %dma_start3A_35 = arith.constant 0 : i32
    %dma_start3A_36 = tpu.memref_slice %arg6[%dma_start3A_33, %dma_start3A_34, %dma_start3A_35] : memref<3x32x1024xf32, #tpu.memory_space<vmem>> -> memref<1x32x1024xf32, #tpu.memory_space<vmem>>
    %dma_start3A_37 = tpu.memref_squeeze %dma_start3A_36 : memref<1x32x1024xf32, #tpu.memory_space<vmem>> -> memref<32x1024xf32, #tpu.memory_space<vmem>>
    %dma_start3A_38 = arith.constant 0 : i32
    %dma_start3A_39 = tpu.memref_slice %arg4[%add3A_32, %dma_start3A_38] : memref<2048x1024xf32, #tpu.memory_space<hbm>> -> memref<32x1024xf32, #tpu.memory_space<hbm>>
    %dma_start3A_40 = arith.constant 0 : i32
    %dma_start3A_41 = tpu.memref_slice %arg4[%add3A_32, %dma_start3A_40] : memref<2048x1024xf32, #tpu.memory_space<hbm>> -> memref<32x1024xf32, #tpu.memory_space<hbm>>
    %dma_start3A_42 = arith.constant 0 : i32
    %dma_start3A_43 = arith.constant 0 : i32
    %dma_start3A_44 = tpu.memref_slice %arg6[%dma_start3A_33, %dma_start3A_42, %dma_start3A_43] : memref<3x32x1024xf32, #tpu.memory_space<vmem>> -> memref<1x32x1024xf32, #tpu.memory_space<vmem>>
    %dma_start3A_45 = tpu.memref_squeeze %dma_start3A_44 : memref<1x32x1024xf32, #tpu.memory_space<vmem>> -> memref<32x1024xf32, #tpu.memory_space<vmem>>
    tpu.enqueue_dma source(%dma_start3A_45 : memref<32x1024xf32, #tpu.memory_space<vmem>>) target(%dma_start3A_41 : memref<32x1024xf32, #tpu.memory_space<hbm>>) target_semaphore(%arg10 : memref<!tpu.dma_semaphore, #tpu.memory_space<semaphore_mem>>)
    %dma_wait3A_46 = arith.constant 1 : i32
    %dma_wait3A_47 = arith.constant 0 : i32
    %dma_wait3A_48 = arith.constant 0 : i32
    %dma_wait3A_49 = tpu.memref_slice %arg6[%dma_wait3A_46, %dma_wait3A_47, %dma_wait3A_48] : memref<3x32x1024xf32, #tpu.memory_space<vmem>> -> memref<1x32x1024xf32, #tpu.memory_space<vmem>>
    %dma_wait3A_50 = tpu.memref_squeeze %dma_wait3A_49 : memref<1x32x1024xf32, #tpu.memory_space<vmem>> -> memref<32x1024xf32, #tpu.memory_space<vmem>>
    %dma_wait3A_51 = arith.constant 32 : i32
    %dma_wait3A_52 = tpu.memref_slice %arg5[%dma_wait3A_51] : memref<64xi32, #tpu.memory_space<vmem>> -> memref<32xi32, #tpu.memory_space<vmem>>
    %dma_wait3A_53 = arith.constant 0 : i32
    %dma_wait3A_54 = arith.constant 0 : i32
    %dma_wait3A_55 = tpu.memref_slice %arg3[%dma_wait3A_53, %dma_wait3A_54] : memref<100000x1024xf32, #tpu.memory_space<hbm>> -> memref<100000x1024xf32, #tpu.memory_space<hbm>>
    tpu.wait_indirect_dma semaphore(%arg8 : memref<!tpu.dma_semaphore, #tpu.memory_space<semaphore_mem>>) src(%dma_wait3A_55 : memref<100000x1024xf32, #tpu.memory_space<hbm>>) dst(%dma_wait3A_50 : memref<32x1024xf32, #tpu.memory_space<vmem>>)
    %add3A_56 = arith.constant 32 : i32
    %add3A_57 = arith.addi %mul3A_2, %add3A_56 : i32
    %dma_start3A_58 = arith.constant 1 : i32
    %dma_start3A_59 = arith.constant 0 : i32
    %dma_start3A_60 = arith.constant 0 : i32
    %dma_start3A_61 = tpu.memref_slice %arg6[%dma_start3A_58, %dma_start3A_59, %dma_start3A_60] : memref<3x32x1024xf32, #tpu.memory_space<vmem>> -> memref<1x32x1024xf32, #tpu.memory_space<vmem>>
    %dma_start3A_62 = tpu.memref_squeeze %dma_start3A_61 : memref<1x32x1024xf32, #tpu.memory_space<vmem>> -> memref<32x1024xf32, #tpu.memory_space<vmem>>
    %dma_start3A_63 = arith.constant 0 : i32
    %dma_start3A_64 = tpu.memref_slice %arg4[%add3A_57, %dma_start3A_63] : memref<2048x1024xf32, #tpu.memory_space<hbm>> -> memref<32x1024xf32, #tpu.memory_space<hbm>>
    %dma_start3A_65 = arith.constant 0 : i32
    %dma_start3A_66 = tpu.memref_slice %arg4[%add3A_57, %dma_start3A_65] : memref<2048x1024xf32, #tpu.memory_space<hbm>> -> memref<32x1024xf32, #tpu.memory_space<hbm>>
    %dma_start3A_67 = arith.constant 0 : i32
    %dma_start3A_68 = arith.constant 0 : i32
    %dma_start3A_69 = tpu.memref_slice %arg6[%dma_start3A_58, %dma_start3A_67, %dma_start3A_68] : memref<3x32x1024xf32, #tpu.memory_space<vmem>> -> memref<1x32x1024xf32, #tpu.memory_space<vmem>>
    %dma_start3A_70 = tpu.memref_squeeze %dma_start3A_69 : memref<1x32x1024xf32, #tpu.memory_space<vmem>> -> memref<32x1024xf32, #tpu.memory_space<vmem>>
    tpu.enqueue_dma source(%dma_start3A_70 : memref<32x1024xf32, #tpu.memory_space<vmem>>) target(%dma_start3A_66 : memref<32x1024xf32, #tpu.memory_space<hbm>>) target_semaphore(%arg11 : memref<!tpu.dma_semaphore, #tpu.memory_space<semaphore_mem>>)
    %dma_wait3A_71 = arith.constant 0 : i32
    %dma_wait3A_72 = arith.constant 0 : i32
    %dma_wait3A_73 = arith.constant 0 : i32
    %dma_wait3A_74 = tpu.memref_slice %arg6[%dma_wait3A_71, %dma_wait3A_72, %dma_wait3A_73] : memref<3x32x1024xf32, #tpu.memory_space<vmem>> -> memref<1x32x1024xf32, #tpu.memory_space<vmem>>
    %dma_wait3A_75 = tpu.memref_squeeze %dma_wait3A_74 : memref<1x32x1024xf32, #tpu.memory_space<vmem>> -> memref<32x1024xf32, #tpu.memory_space<vmem>>
    %dma_wait3A_76 = arith.constant 0 : i32
    %dma_wait3A_77 = tpu.memref_slice %arg4[%add3A_32, %dma_wait3A_76] : memref<2048x1024xf32, #tpu.memory_space<hbm>> -> memref<32x1024xf32, #tpu.memory_space<hbm>>
    %dma_wait3A_78 = arith.constant 0 : i32
    %dma_wait3A_79 = tpu.memref_slice %arg4[%add3A_32, %dma_wait3A_78] : memref<2048x1024xf32, #tpu.memory_space<hbm>> -> memref<32x1024xf32, #tpu.memory_space<hbm>>
    %dma_wait3A_80 = arith.constant 0 : i32
    %dma_wait3A_81 = arith.constant 0 : i32
    %dma_wait3A_82 = tpu.memref_slice %arg6[%dma_wait3A_71, %dma_wait3A_80, %dma_wait3A_81] : memref<3x32x1024xf32, #tpu.memory_space<vmem>> -> memref<1x32x1024xf32, #tpu.memory_space<vmem>>
    %dma_wait3A_83 = tpu.memref_squeeze %dma_wait3A_82 : memref<1x32x1024xf32, #tpu.memory_space<vmem>> -> memref<32x1024xf32, #tpu.memory_space<vmem>>
    tpu.wait_dma2 semaphore(%arg10 : memref<!tpu.dma_semaphore, #tpu.memory_space<semaphore_mem>>) src(%dma_wait3A_83 : memref<32x1024xf32, #tpu.memory_space<vmem>>) dst(%dma_wait3A_79 : memref<32x1024xf32, #tpu.memory_space<hbm>>)
    %dma_wait3A_84 = arith.constant 1 : i32
    %dma_wait3A_85 = arith.constant 0 : i32
    %dma_wait3A_86 = arith.constant 0 : i32
    %dma_wait3A_87 = tpu.memref_slice %arg6[%dma_wait3A_84, %dma_wait3A_85, %dma_wait3A_86] : memref<3x32x1024xf32, #tpu.memory_space<vmem>> -> memref<1x32x1024xf32, #tpu.memory_space<vmem>>
    %dma_wait3A_88 = tpu.memref_squeeze %dma_wait3A_87 : memref<1x32x1024xf32, #tpu.memory_space<vmem>> -> memref<32x1024xf32, #tpu.memory_space<vmem>>
    %dma_wait3A_89 = arith.constant 0 : i32
    %dma_wait3A_90 = tpu.memref_slice %arg4[%add3A_57, %dma_wait3A_89] : memref<2048x1024xf32, #tpu.memory_space<hbm>> -> memref<32x1024xf32, #tpu.memory_space<hbm>>
    %dma_wait3A_91 = arith.constant 0 : i32
    %dma_wait3A_92 = tpu.memref_slice %arg4[%add3A_57, %dma_wait3A_91] : memref<2048x1024xf32, #tpu.memory_space<hbm>> -> memref<32x1024xf32, #tpu.memory_space<hbm>>
    %dma_wait3A_93 = arith.constant 0 : i32
    %dma_wait3A_94 = arith.constant 0 : i32
    %dma_wait3A_95 = tpu.memref_slice %arg6[%dma_wait3A_84, %dma_wait3A_93, %dma_wait3A_94] : memref<3x32x1024xf32, #tpu.memory_space<vmem>> -> memref<1x32x1024xf32, #tpu.memory_space<vmem>>
    %dma_wait3A_96 = tpu.memref_squeeze %dma_wait3A_95 : memref<1x32x1024xf32, #tpu.memory_space<vmem>> -> memref<32x1024xf32, #tpu.memory_space<vmem>>
    tpu.wait_dma2 semaphore(%arg11 : memref<!tpu.dma_semaphore, #tpu.memory_space<semaphore_mem>>) src(%dma_wait3A_96 : memref<32x1024xf32, #tpu.memory_space<vmem>>) dst(%dma_wait3A_92 : memref<32x1024xf32, #tpu.memory_space<hbm>>)
    return
  }
}

#map = affine_map<(d0, d1) -> (0)>
#map1 = affine_map<(d0, d1) -> (0, 0)>
module attributes {stable_mosaic.version = 14 : i64} {
  func.func @_gather_kernel(%arg0: i32, %arg1: i32, %arg2: memref<2048xi32, #tpu.memory_space<hbm>>, %arg3: memref<100000x1024xf32, #tpu.memory_space<hbm>>, %arg4: memref<2048x1024xf32, #tpu.memory_space<hbm>>, %arg5: memref<64xi32, #tpu.memory_space<vmem>>, %arg6: memref<3x32x1024xf32, #tpu.memory_space<vmem>>, %arg7: memref<!tpu.dma_semaphore, #tpu.memory_space<semaphore_mem>>, %arg8: memref<!tpu.dma_semaphore, #tpu.memory_space<semaphore_mem>>, %arg9: memref<!tpu.dma_semaphore, #tpu.memory_space<semaphore_mem>>, %arg10: memref<!tpu.dma_semaphore, #tpu.memory_space<semaphore_mem>>, %arg11: memref<!tpu.dma_semaphore, #tpu.memory_space<semaphore_mem>>, %arg12: memref<!tpu.dma_semaphore, #tpu.memory_space<semaphore_mem>>) attributes {dimension_semantics = [#tpu.dimension_semantics<core_parallel>, #tpu.dimension_semantics<subcore_parallel>], iteration_bounds = array<i64: 2, 16>, scalar_prefetch = 0 : i64, scratch_operands = 8 : i64, tpu.core_type = #tpu.core_type<sc_vector_subcore>, window_params = [{transform_indices = #map}, {transform_indices = #map1}, {transform_indices = #map1}]} {
    %mul3A = arith.constant 2 : i32
    %mul3A_0 = arith.muli %arg1, %mul3A : i32
    %add3A = arith.addi %mul3A_0, %arg0 : i32
    %mul3A_1 = arith.constant 64 : i32
    %mul3A_2 = arith.muli %add3A, %mul3A_1 : i32
    "tpu.region"() ({
      %run_scoped3A = tpu.sem_alloc : memref<!tpu.dma_semaphore, #tpu.memory_space<semaphore_mem>>
      %dma_start3A_97 = tpu.memref_slice %arg2[%mul3A_2] : memref<2048xi32, #tpu.memory_space<hbm>> -> memref<64xi32, #tpu.memory_space<hbm>>
      %dma_start3A_98 = tpu.memref_slice %arg2[%mul3A_2] : memref<2048xi32, #tpu.memory_space<hbm>> -> memref<64xi32, #tpu.memory_space<hbm>>
      tpu.enqueue_dma source(%dma_start3A_98 : memref<64xi32, #tpu.memory_space<hbm>>) target(%arg5 : memref<64xi32, #tpu.memory_space<vmem>>) target_semaphore(%run_scoped3A : memref<!tpu.dma_semaphore, #tpu.memory_space<semaphore_mem>>)
      %dma_wait3A_99 = tpu.memref_slice %arg2[%mul3A_2] : memref<2048xi32, #tpu.memory_space<hbm>> -> memref<64xi32, #tpu.memory_space<hbm>>
      %dma_wait3A_100 = tpu.memref_slice %arg2[%mul3A_2] : memref<2048xi32, #tpu.memory_space<hbm>> -> memref<64xi32, #tpu.memory_space<hbm>>
      tpu.wait_dma2 semaphore(%run_scoped3A : memref<!tpu.dma_semaphore, #tpu.memory_space<semaphore_mem>>) src(%dma_wait3A_100 : memref<64xi32, #tpu.memory_space<hbm>>) dst(%arg5 : memref<64xi32, #tpu.memory_space<vmem>>)
      tpu.yield
    }) : () -> ()
    %dma_start3A = arith.constant 0 : i32
    %dma_start3A_3 = arith.constant 0 : i32
    %dma_start3A_4 = arith.constant 0 : i32
    %dma_start3A_5 = tpu.memref_slice %arg6[%dma_start3A, %dma_start3A_3, %dma_start3A_4] : memref<3x32x1024xf32, #tpu.memory_space<vmem>> -> memref<1x32x1024xf32, #tpu.memory_space<vmem>>
    %dma_start3A_6 = tpu.memref_squeeze %dma_start3A_5 : memref<1x32x1024xf32, #tpu.memory_space<vmem>> -> memref<32x1024xf32, #tpu.memory_space<vmem>>
    %dma_start3A_7 = arith.constant 0 : i32
    %dma_start3A_8 = tpu.memref_slice %arg5[%dma_start3A_7] : memref<64xi32, #tpu.memory_space<vmem>> -> memref<32xi32, #tpu.memory_space<vmem>>
    %dma_start3A_9 = arith.constant 0 : i32
    %dma_start3A_10 = arith.constant 0 : i32
    %dma_start3A_11 = tpu.memref_slice %arg3[%dma_start3A_9, %dma_start3A_10] : memref<100000x1024xf32, #tpu.memory_space<hbm>> -> memref<100000x1024xf32, #tpu.memory_space<hbm>>
    tpu.enqueue_indirect_dma source(%dma_start3A_11 : memref<100000x1024xf32, #tpu.memory_space<hbm>>) target(%dma_start3A_6 : memref<32x1024xf32, #tpu.memory_space<vmem>>) offsets(%dma_start3A_8 : memref<32xi32, #tpu.memory_space<vmem>>) semaphore(%arg7 : memref<!tpu.dma_semaphore, #tpu.memory_space<semaphore_mem>>)
    %dma_start3A_12 = arith.constant 1 : i32
    %dma_start3A_13 = arith.constant 0 : i32
    %dma_start3A_14 = arith.constant 0 : i32
    %dma_start3A_15 = tpu.memref_slice %arg6[%dma_start3A_12, %dma_start3A_13, %dma_start3A_14] : memref<3x32x1024xf32, #tpu.memory_space<vmem>> -> memref<1x32x1024xf32, #tpu.memory_space<vmem>>
    %dma_start3A_16 = tpu.memref_squeeze %dma_start3A_15 : memref<1x32x1024xf32, #tpu.memory_space<vmem>> -> memref<32x1024xf32, #tpu.memory_space<vmem>>
    %dma_start3A_17 = arith.constant 32 : i32
    %dma_start3A_18 = tpu.memref_slice %arg5[%dma_start3A_17] : memref<64xi32, #tpu.memory_space<vmem>> -> memref<32xi32, #tpu.memory_space<vmem>>
    %dma_start3A_19 = arith.constant 0 : i32
    %dma_start3A_20 = arith.constant 0 : i32
    %dma_start3A_21 = tpu.memref_slice %arg3[%dma_start3A_19, %dma_start3A_20] : memref<100000x1024xf32, #tpu.memory_space<hbm>> -> memref<100000x1024xf32, #tpu.memory_space<hbm>>
    tpu.enqueue_indirect_dma source(%dma_start3A_21 : memref<100000x1024xf32, #tpu.memory_space<hbm>>) target(%dma_start3A_16 : memref<32x1024xf32, #tpu.memory_space<vmem>>) offsets(%dma_start3A_18 : memref<32xi32, #tpu.memory_space<vmem>>) semaphore(%arg8 : memref<!tpu.dma_semaphore, #tpu.memory_space<semaphore_mem>>)
    %dma_wait3A = arith.constant 0 : i32
    %dma_wait3A_22 = arith.constant 0 : i32
    %dma_wait3A_23 = arith.constant 0 : i32
    %dma_wait3A_24 = tpu.memref_slice %arg6[%dma_wait3A, %dma_wait3A_22, %dma_wait3A_23] : memref<3x32x1024xf32, #tpu.memory_space<vmem>> -> memref<1x32x1024xf32, #tpu.memory_space<vmem>>
    %dma_wait3A_25 = tpu.memref_squeeze %dma_wait3A_24 : memref<1x32x1024xf32, #tpu.memory_space<vmem>> -> memref<32x1024xf32, #tpu.memory_space<vmem>>
    %dma_wait3A_26 = arith.constant 0 : i32
    %dma_wait3A_27 = tpu.memref_slice %arg5[%dma_wait3A_26] : memref<64xi32, #tpu.memory_space<vmem>> -> memref<32xi32, #tpu.memory_space<vmem>>
    %dma_wait3A_28 = arith.constant 0 : i32
    %dma_wait3A_29 = arith.constant 0 : i32
    %dma_wait3A_30 = tpu.memref_slice %arg3[%dma_wait3A_28, %dma_wait3A_29] : memref<100000x1024xf32, #tpu.memory_space<hbm>> -> memref<100000x1024xf32, #tpu.memory_space<hbm>>
    tpu.wait_indirect_dma semaphore(%arg7 : memref<!tpu.dma_semaphore, #tpu.memory_space<semaphore_mem>>) src(%dma_wait3A_30 : memref<100000x1024xf32, #tpu.memory_space<hbm>>) dst(%dma_wait3A_25 : memref<32x1024xf32, #tpu.memory_space<vmem>>)
    %add3A_31 = arith.constant 0 : i32
    %add3A_32 = arith.addi %mul3A_2, %add3A_31 : i32
    %dma_start3A_33 = arith.constant 0 : i32
    %dma_start3A_34 = arith.constant 0 : i32
    %dma_start3A_35 = arith.constant 0 : i32
    %dma_start3A_36 = tpu.memref_slice %arg6[%dma_start3A_33, %dma_start3A_34, %dma_start3A_35] : memref<3x32x1024xf32, #tpu.memory_space<vmem>> -> memref<1x32x1024xf32, #tpu.memory_space<vmem>>
    %dma_start3A_37 = tpu.memref_squeeze %dma_start3A_36 : memref<1x32x1024xf32, #tpu.memory_space<vmem>> -> memref<32x1024xf32, #tpu.memory_space<vmem>>
    %dma_start3A_38 = arith.constant 0 : i32
    %dma_start3A_39 = tpu.memref_slice %arg4[%add3A_32, %dma_start3A_38] : memref<2048x1024xf32, #tpu.memory_space<hbm>> -> memref<32x1024xf32, #tpu.memory_space<hbm>>
    %dma_start3A_40 = arith.constant 0 : i32
    %dma_start3A_41 = tpu.memref_slice %arg4[%add3A_32, %dma_start3A_40] : memref<2048x1024xf32, #tpu.memory_space<hbm>> -> memref<32x1024xf32, #tpu.memory_space<hbm>>
    %dma_start3A_42 = arith.constant 0 : i32
    %dma_start3A_43 = arith.constant 0 : i32
    %dma_start3A_44 = tpu.memref_slice %arg6[%dma_start3A_33, %dma_start3A_42, %dma_start3A_43] : memref<3x32x1024xf32, #tpu.memory_space<vmem>> -> memref<1x32x1024xf32, #tpu.memory_space<vmem>>
    %dma_start3A_45 = tpu.memref_squeeze %dma_start3A_44 : memref<1x32x1024xf32, #tpu.memory_space<vmem>> -> memref<32x1024xf32, #tpu.memory_space<vmem>>
    tpu.enqueue_dma source(%dma_start3A_45 : memref<32x1024xf32, #tpu.memory_space<vmem>>) target(%dma_start3A_41 : memref<32x1024xf32, #tpu.memory_space<hbm>>) target_semaphore(%arg10 : memref<!tpu.dma_semaphore, #tpu.memory_space<semaphore_mem>>)
    %dma_wait3A_46 = arith.constant 1 : i32
    %dma_wait3A_47 = arith.constant 0 : i32
    %dma_wait3A_48 = arith.constant 0 : i32
    %dma_wait3A_49 = tpu.memref_slice %arg6[%dma_wait3A_46, %dma_wait3A_47, %dma_wait3A_48] : memref<3x32x1024xf32, #tpu.memory_space<vmem>> -> memref<1x32x1024xf32, #tpu.memory_space<vmem>>
    %dma_wait3A_50 = tpu.memref_squeeze %dma_wait3A_49 : memref<1x32x1024xf32, #tpu.memory_space<vmem>> -> memref<32x1024xf32, #tpu.memory_space<vmem>>
    %dma_wait3A_51 = arith.constant 32 : i32
    %dma_wait3A_52 = tpu.memref_slice %arg5[%dma_wait3A_51] : memref<64xi32, #tpu.memory_space<vmem>> -> memref<32xi32, #tpu.memory_space<vmem>>
    %dma_wait3A_53 = arith.constant 0 : i32
    %dma_wait3A_54 = arith.constant 0 : i32
    %dma_wait3A_55 = tpu.memref_slice %arg3[%dma_wait3A_53, %dma_wait3A_54] : memref<100000x1024xf32, #tpu.memory_space<hbm>> -> memref<100000x1024xf32, #tpu.memory_space<hbm>>
    tpu.wait_indirect_dma semaphore(%arg8 : memref<!tpu.dma_semaphore, #tpu.memory_space<semaphore_mem>>) src(%dma_wait3A_55 : memref<100000x1024xf32, #tpu.memory_space<hbm>>) dst(%dma_wait3A_50 : memref<32x1024xf32, #tpu.memory_space<vmem>>)
    %add3A_56 = arith.constant 32 : i32
    %add3A_57 = arith.addi %mul3A_2, %add3A_56 : i32
    %dma_start3A_58 = arith.constant 1 : i32
    %dma_start3A_59 = arith.constant 0 : i32
    %dma_start3A_60 = arith.constant 0 : i32
    %dma_start3A_61 = tpu.memref_slice %arg6[%dma_start3A_58, %dma_start3A_59, %dma_start3A_60] : memref<3x32x1024xf32, #tpu.memory_space<vmem>> -> memref<1x32x1024xf32, #tpu.memory_space<vmem>>
    %dma_start3A_62 = tpu.memref_squeeze %dma_start3A_61 : memref<1x32x1024xf32, #tpu.memory_space<vmem>> -> memref<32x1024xf32, #tpu.memory_space<vmem>>
    %dma_start3A_63 = arith.constant 0 : i32
    %dma_start3A_64 = tpu.memref_slice %arg4[%add3A_57, %dma_start3A_63] : memref<2048x1024xf32, #tpu.memory_space<hbm>> -> memref<32x1024xf32, #tpu.memory_space<hbm>>
    %dma_start3A_65 = arith.constant 0 : i32
    %dma_start3A_66 = tpu.memref_slice %arg4[%add3A_57, %dma_start3A_65] : memref<2048x1024xf32, #tpu.memory_space<hbm>> -> memref<32x1024xf32, #tpu.memory_space<hbm>>
    %dma_start3A_67 = arith.constant 0 : i32
    %dma_start3A_68 = arith.constant 0 : i32
    %dma_start3A_69 = tpu.memref_slice %arg6[%dma_start3A_58, %dma_start3A_67, %dma_start3A_68] : memref<3x32x1024xf32, #tpu.memory_space<vmem>> -> memref<1x32x1024xf32, #tpu.memory_space<vmem>>
    %dma_start3A_70 = tpu.memref_squeeze %dma_start3A_69 : memref<1x32x1024xf32, #tpu.memory_space<vmem>> -> memref<32x1024xf32, #tpu.memory_space<vmem>>
    tpu.enqueue_dma source(%dma_start3A_70 : memref<32x1024xf32, #tpu.memory_space<vmem>>) target(%dma_start3A_66 : memref<32x1024xf32, #tpu.memory_space<hbm>>) target_semaphore(%arg11 : memref<!tpu.dma_semaphore, #tpu.memory_space<semaphore_mem>>)
    %dma_wait3A_71 = arith.constant 0 : i32
    %dma_wait3A_72 = arith.constant 0 : i32
    %dma_wait3A_73 = arith.constant 0 : i32
    %dma_wait3A_74 = tpu.memref_slice %arg6[%dma_wait3A_71, %dma_wait3A_72, %dma_wait3A_73] : memref<3x32x1024xf32, #tpu.memory_space<vmem>> -> memref<1x32x1024xf32, #tpu.memory_space<vmem>>
    %dma_wait3A_75 = tpu.memref_squeeze %dma_wait3A_74 : memref<1x32x1024xf32, #tpu.memory_space<vmem>> -> memref<32x1024xf32, #tpu.memory_space<vmem>>
    %dma_wait3A_76 = arith.constant 0 : i32
    %dma_wait3A_77 = tpu.memref_slice %arg4[%add3A_32, %dma_wait3A_76] : memref<2048x1024xf32, #tpu.memory_space<hbm>> -> memref<32x1024xf32, #tpu.memory_space<hbm>>
    %dma_wait3A_78 = arith.constant 0 : i32
    %dma_wait3A_79 = tpu.memref_slice %arg4[%add3A_32, %dma_wait3A_78] : memref<2048x1024xf32, #tpu.memory_space<hbm>> -> memref<32x1024xf32, #tpu.memory_space<hbm>>
    %dma_wait3A_80 = arith.constant 0 : i32
    %dma_wait3A_81 = arith.constant 0 : i32
    %dma_wait3A_82 = tpu.memref_slice %arg6[%dma_wait3A_71, %dma_wait3A_80, %dma_wait3A_81] : memref<3x32x1024xf32, #tpu.memory_space<vmem>> -> memref<1x32x1024xf32, #tpu.memory_space<vmem>>
    %dma_wait3A_83 = tpu.memref_squeeze %dma_wait3A_82 : memref<1x32x1024xf32, #tpu.memory_space<vmem>> -> memref<32x1024xf32, #tpu.memory_space<vmem>>
    tpu.wait_dma2 semaphore(%arg10 : memref<!tpu.dma_semaphore, #tpu.memory_space<semaphore_mem>>) src(%dma_wait3A_83 : memref<32x1024xf32, #tpu.memory_space<vmem>>) dst(%dma_wait3A_79 : memref<32x1024xf32, #tpu.memory_space<hbm>>)
    %dma_wait3A_84 = arith.constant 1 : i32
    %dma_wait3A_85 = arith.constant 0 : i32
    %dma_wait3A_86 = arith.constant 0 : i32
    %dma_wait3A_87 = tpu.memref_slice %arg6[%dma_wait3A_84, %dma_wait3A_85, %dma_wait3A_86] : memref<3x32x1024xf32, #tpu.memory_space<vmem>> -> memref<1x32x1024xf32, #tpu.memory_space<vmem>>
    %dma_wait3A_88 = tpu.memref_squeeze %dma_wait3A_87 : memref<1x32x1024xf32, #tpu.memory_space<vmem>> -> memref<32x1024xf32, #tpu.memory_space<vmem>>
    %dma_wait3A_89 = arith.constant 0 : i32
    %dma_wait3A_90 = tpu.memref_slice %arg4[%add3A_57, %dma_wait3A_89] : memref<2048x1024xf32, #tpu.memory_space<hbm>> -> memref<32x1024xf32, #tpu.memory_space<hbm>>
    %dma_wait3A_91 = arith.constant 0 : i32
    %dma_wait3A_92 = tpu.memref_slice %arg4[%add3A_57, %dma_wait3A_91] : memref<2048x1024xf32, #tpu.memory_space<hbm>> -> memref<32x1024xf32, #tpu.memory_space<hbm>>
    %dma_wait3A_93 = arith.constant 0 : i32
    %dma_wait3A_94 = arith.constant 0 : i32
    %dma_wait3A_95 = tpu.memref_slice %arg6[%dma_wait3A_84, %dma_wait3A_93, %dma_wait3A_94] : memref<3x32x1024xf32, #tpu.memory_space<vmem>> -> memref<1x32x1024xf32, #tpu.memory_space<vmem>>
    %dma_wait3A_96 = tpu.memref_squeeze %dma_wait3A_95 : memref<1x32x1024xf32, #tpu.memory_space<vmem>> -> memref<32x1024xf32, #tpu.memory_space<vmem>>
    tpu.wait_dma2 semaphore(%arg11 : memref<!tpu.dma_semaphore, #tpu.memory_space<semaphore_mem>>) src(%dma_wait3A_96 : memref<32x1024xf32, #tpu.memory_space<vmem>>) dst(%dma_wait3A_92 : memref<32x1024xf32, #tpu.memory_space<hbm>>)
    return
  }
}

module attributes {stable_mosaic.version = 14 : i64} {
  func.func @_tim_body(%arg0: i32, %arg1: memref<256x1024xf32, #tpu.memory_space<vmem>>, %arg2: memref<256x1024xf32, #tpu.memory_space<vmem>>) attributes {dimension_semantics = [#tpu.dimension_semantics<arbitrary>], iteration_bounds = array<i64: 32>, scalar_prefetch = 0 : i64, scratch_operands = 0 : i64, tpu.core_type = #tpu.core_type<tc>, window_params = [{pipeline_mode = #tpu.pipeline_mode<synchronous>, transform_indices = @transform_0, window_bounds = array<i64: 256, 1024>}, {transform_indices = @transform_1, window_bounds = array<i64: 256, 1024>}]} {
    %get3A = arith.constant 0 : index
    %get3A_0 = arith.constant 0 : index
    %get3A_1 = vector.load %arg1[%get3A, %get3A_0] : memref<256x1024xf32, #tpu.memory_space<vmem>>, vector<256x1024xf32>
    %swap3A = arith.constant 0 : index
    %swap3A_2 = arith.constant 0 : index
    %swap3A_3 = vector.load %arg2[%swap3A, %swap3A_2] : memref<256x1024xf32, #tpu.memory_space<vmem>>, vector<256x1024xf32>
    tpu.vector_store %arg2[%swap3A, %swap3A_2], %get3A_1 {strides = array<i32>} : memref<256x1024xf32, #tpu.memory_space<vmem>>, vector<256x1024xf32>,
    return
  }
  func.func @transform_0(%arg0: i32) -> (i32, i32) {
    %c0_i32 = arith.constant 0 : i32
    %c0_i32_0 = arith.constant 0 : i32
    %c0_i32_1 = arith.constant 0 : i32
    return %c0_i32, %c0_i32_0 : i32, i32
  }
  func.func @transform_1(%arg0: i32) -> (i32, i32) {
    %c0_i32 = arith.constant 0 : i32
    %c0_i32_0 = arith.constant 0 : i32
    return %arg0, %c0_i32 : i32, i32
  }
}

module attributes {stable_mosaic.version = 14 : i64} {
  func.func @_ln_body(%arg0: i32, %arg1: memref<8192x1024xf32, #tpu.memory_space<any>>, %arg2: memref<256x1024xf32, #tpu.memory_space<vmem>>, %arg3: memref<1x1x256xi32, #tpu.memory_space<vmem>>, %arg4: memref<1000x1024xf32, #tpu.memory_space<vmem>>, %arg5: memref<256x1024xf32, #tpu.memory_space<vmem>>, %arg6: memref<1024xf32, #tpu.memory_space<vmem>>, %arg7: memref<1024xf32, #tpu.memory_space<vmem>>, %arg8: memref<256x1024xf32, #tpu.memory_space<vmem>>) attributes {dimension_semantics = [#tpu.dimension_semantics<arbitrary>], iteration_bounds = array<i64: 8>, scalar_prefetch = 0 : i64, scratch_operands = 0 : i64, tpu.core_type = #tpu.core_type<tc>, window_params = [{}, {transform_indices = @transform_1, window_bounds = array<i64: 256, 1024>}, {transform_indices = @transform_2, window_bounds = array<i64: 1, 1, 256>}, {pipeline_mode = #tpu.pipeline_mode<synchronous>, transform_indices = @transform_3, window_bounds = array<i64: 1000, 1024>}, {pipeline_mode = #tpu.pipeline_mode<synchronous>, transform_indices = @transform_4, window_bounds = array<i64: 256, 1024>}, {pipeline_mode = #tpu.pipeline_mode<synchronous>, transform_indices = @transform_5, window_bounds = array<i64: 1024>}, {pipeline_mode = #tpu.pipeline_mode<synchronous>, transform_indices = @transform_6, window_bounds = array<i64: 1024>}, {transform_indices = @transform_7, window_bounds = array<i64: 256, 1024>}]} {
    %get3A = arith.constant 0 : index
    %get3A_0 = arith.constant 0 : index
    %get3A_1 = arith.constant 0 : index
    %get3A_2 = vector.load %arg3[%get3A, %get3A_0, %get3A_1] : memref<1x1x256xi32, #tpu.memory_space<vmem>>, vector<1x1x256xi32>
    %get3A_3 = vector.shape_cast %get3A_2 : vector<1x1x256xi32> to vector<256xi32>
    %iota3A = tpu.iota {dimensions = array<i32: 1>} : vector<256x1000xi32>
    %broadcast_in_dim3A = vector.shape_cast %get3A_3 : vector<256xi32> to vector<256x1xi32>
    %eq3A = vector.broadcast %broadcast_in_dim3A : vector<256x1xi32> to vector<256x1000xi32>
    %eq3A_4 = arith.cmpi eq, %eq3A, %iota3A : vector<256x1000xi32>
    %convert_element_type3A = arith.extui %eq3A_4 : vector<256x1000xi1> to vector<256x1000xi32>
    %convert_element_type3A_5 = arith.sitofp %convert_element_type3A : vector<256x1000xi32> to vector<256x1000xf32>
    %convert_element_type3A_6 = arith.truncf %convert_element_type3A_5 : vector<256x1000xf32> to vector<256x1000xbf16>
    %get3A_7 = arith.constant 0 : index
    %get3A_8 = arith.constant 0 : index
    %get3A_9 = vector.load %arg4[%get3A_7, %get3A_8] : memref<1000x1024xf32, #tpu.memory_space<vmem>>, vector<1000x1024xf32>
    %convert_element_type3A_10 = arith.truncf %get3A_9 : vector<1000x1024xf32> to vector<1000x1024xbf16>
    %dot_general3A = arith.constant dense<0.000000e+00> : vector<256x1024xf32>
    %dot_general3A_11 = tpu.matmul %convert_element_type3A_6, %convert_element_type3A_10, %dot_general3A {dimension_numbers = #tpu.dot_dimension_numbers<[1], [0], [0], [1], [0, 0, 1, 1], [], []>, transpose_lhs_hint = false} : vector<256x1000xbf16>, vector<1000x1024xbf16>, vector<256x1024xf32> -> vector<256x1024xf32>
    %get3A_12 = arith.constant 0 : index
    %get3A_13 = arith.constant 0 : index
    %get3A_14 = vector.load %arg2[%get3A_12, %get3A_13] : memref<256x1024xf32, #tpu.memory_space<vmem>>, vector<256x1024xf32>
    %add3A = arith.addf %get3A_14, %dot_general3A_11 : vector<256x1024xf32>
    %get3A_15 = arith.constant 0 : index
    %get3A_16 = arith.constant 0 : index
    %get3A_17 = vector.load %arg5[%get3A_15, %get3A_16] : memref<256x1024xf32, #tpu.memory_space<vmem>>, vector<256x1024xf32>
    %add3A_18 = arith.addf %add3A, %get3A_17 : vector<256x1024xf32>
    %reduce_sum3A = arith.constant dense<0.000000e+00> : vector<256xf32>
    %reduce_sum3A_19 = vector.multi_reduction <add>, %add3A_18, %reduce_sum3A [1] : vector<256x1024xf32> to vector<256xf32>
    %broadcast_in_dim3A_20 = vector.shape_cast %reduce_sum3A_19 : vector<256xf32> to vector<256x1xf32>
    %div3A = arith.constant 1.024000e+03 : f32
    %div3A_21 = vector.broadcast %div3A : f32 to vector<256x1xf32>
    %div3A_22 = arith.divf %broadcast_in_dim3A_20, %div3A_21 : vector<256x1xf32>
    %sub3A = vector.broadcast %div3A_22 : vector<256x1xf32> to vector<256x1024xf32>
    %sub3A_23 = arith.subf %add3A_18, %sub3A : vector<256x1024xf32>
    %mul3A = arith.mulf %sub3A_23, %sub3A_23 : vector<256x1024xf32>
    %reduce_sum3A_24 = arith.constant dense<0.000000e+00> : vector<256xf32>
    %reduce_sum3A_25 = vector.multi_reduction <add>, %mul3A, %reduce_sum3A_24 [1] : vector<256x1024xf32> to vector<256xf32>
    %broadcast_in_dim3A_26 = vector.shape_cast %reduce_sum3A_25 : vector<256xf32> to vector<256x1xf32>
    %mul3A_27 = arith.constant 9.77517105E-4 : f32
    %mul3A_28 = vector.broadcast %mul3A_27 : f32 to vector<256x1xf32>
    %mul3A_29 = arith.mulf %broadcast_in_dim3A_26, %mul3A_28 : vector<256x1xf32>
    %add3A_30 = arith.constant 1.000000e-30 : f32
    %add3A_31 = vector.broadcast %add3A_30 : f32 to vector<256x1xf32>
    %add3A_32 = arith.addf %mul3A_29, %add3A_31 : vector<256x1xf32>
    %rsqrt3A = math.rsqrt %add3A_32 : vector<256x1xf32>
    %mul3A_33 = arith.constant 5.000000e-01 : f32
    %mul3A_34 = vector.broadcast %mul3A_33 : f32 to vector<256x1xf32>
    %mul3A_35 = arith.mulf %mul3A_34, %mul3A_29 : vector<256x1xf32>
    %mul3A_36 = arith.mulf %mul3A_35, %rsqrt3A : vector<256x1xf32>
    %mul3A_37 = arith.mulf %mul3A_36, %rsqrt3A : vector<256x1xf32>
    %sub3A_38 = arith.constant 1.500000e+00 : f32
    %sub3A_39 = vector.broadcast %sub3A_38 : f32 to vector<256x1xf32>
    %sub3A_40 = arith.subf %sub3A_39, %mul3A_37 : vector<256x1xf32>
    %mul3A_41 = arith.mulf %rsqrt3A, %sub3A_40 : vector<256x1xf32>
    %mul3A_42 = arith.constant 5.000000e-01 : f32
    %mul3A_43 = vector.broadcast %mul3A_42 : f32 to vector<256x1xf32>
    %mul3A_44 = arith.mulf %mul3A_43, %mul3A_29 : vector<256x1xf32>
    %mul3A_45 = arith.mulf %mul3A_44, %mul3A_41 : vector<256x1xf32>
    %mul3A_46 = arith.mulf %mul3A_45, %mul3A_41 : vector<256x1xf32>
    %sub3A_47 = arith.constant 1.500000e+00 : f32
    %sub3A_48 = vector.broadcast %sub3A_47 : f32 to vector<256x1xf32>
    %sub3A_49 = arith.subf %sub3A_48, %mul3A_46 : vector<256x1xf32>
    %mul3A_50 = arith.mulf %mul3A_41, %sub3A_49 : vector<256x1xf32>
    %mul3A_51 = arith.constant 5.000000e-01 : f32
    %mul3A_52 = vector.broadcast %mul3A_51 : f32 to vector<256x1xf32>
    %mul3A_53 = arith.mulf %mul3A_52, %mul3A_29 : vector<256x1xf32>
    %mul3A_54 = arith.mulf %mul3A_53, %mul3A_50 : vector<256x1xf32>
    %mul3A_55 = arith.mulf %mul3A_54, %mul3A_50 : vector<256x1xf32>
    %sub3A_56 = arith.constant 1.500000e+00 : f32
    %sub3A_57 = vector.broadcast %sub3A_56 : f32 to vector<256x1xf32>
    %sub3A_58 = arith.subf %sub3A_57, %mul3A_55 : vector<256x1xf32>
    %mul3A_59 = arith.mulf %mul3A_50, %sub3A_58 : vector<256x1xf32>
    %mul3A_60 = arith.mulf %mul3A_29, %mul3A_59 : vector<256x1xf32>
    %add3A_61 = arith.constant 1.000000e-03 : f32
    %add3A_62 = vector.broadcast %add3A_61 : f32 to vector<256x1xf32>
    %add3A_63 = arith.addf %mul3A_60, %add3A_62 : vector<256x1xf32>
    %div3A_64 = arith.constant 1.000000e+00 : f32
    %div3A_65 = vector.broadcast %div3A_64 : f32 to vector<256x1xf32>
    %div3A_66 = arith.divf %div3A_65, %add3A_63 : vector<256x1xf32>
    %mul3A_67 = arith.mulf %add3A_63, %div3A_66 : vector<256x1xf32>
    %sub3A_68 = arith.constant 2.000000e+00 : f32
    %sub3A_69 = vector.broadcast %sub3A_68 : f32 to vector<256x1xf32>
    %sub3A_70 = arith.subf %sub3A_69, %mul3A_67 : vector<256x1xf32>
    %mul3A_71 = arith.mulf %div3A_66, %sub3A_70 : vector<256x1xf32>
    %mul3A_72 = arith.mulf %add3A_63, %mul3A_71 : vector<256x1xf32>
    %sub3A_73 = arith.constant 2.000000e+00 : f32
    %sub3A_74 = vector.broadcast %sub3A_73 : f32 to vector<256x1xf32>
    %sub3A_75 = arith.subf %sub3A_74, %mul3A_72 : vector<256x1xf32>
    %mul3A_76 = arith.mulf %mul3A_71, %sub3A_75 : vector<256x1xf32>
    %mul3A_77 = arith.mulf %add3A_63, %mul3A_76 : vector<256x1xf32>
    %sub3A_78 = arith.constant 2.000000e+00 : f32
    %sub3A_79 = vector.broadcast %sub3A_78 : f32 to vector<256x1xf32>
    %sub3A_80 = arith.subf %sub3A_79, %mul3A_77 : vector<256x1xf32>
    %mul3A_81 = arith.mulf %mul3A_76, %sub3A_80 : vector<256x1xf32>
    %mul3A_82 = vector.broadcast %mul3A_81 : vector<256x1xf32> to vector<256x1024xf32>
    %mul3A_83 = arith.mulf %sub3A_23, %mul3A_82 : vector<256x1024xf32>
    %get3A_84 = arith.constant 0 : index
    %get3A_85 = vector.load %arg6[%get3A_84] : memref<1024xf32, #tpu.memory_space<vmem>>, vector<1024xf32>
    %broadcast_in_dim3A_86 = vector.shape_cast %get3A_85 : vector<1024xf32> to vector<1x1024xf32>
    %mul3A_87 = vector.broadcast %broadcast_in_dim3A_86 : vector<1x1024xf32> to vector<256x1024xf32>
    %mul3A_88 = arith.mulf %mul3A_83, %mul3A_87 : vector<256x1024xf32>
    %get3A_89 = arith.constant 0 : index
    %get3A_90 = vector.load %arg7[%get3A_89] : memref<1024xf32, #tpu.memory_space<vmem>>, vector<1024xf32>
    %broadcast_in_dim3A_91 = vector.shape_cast %get3A_90 : vector<1024xf32> to vector<1x1024xf32>
    %add3A_92 = vector.broadcast %broadcast_in_dim3A_91 : vector<1x1024xf32> to vector<256x1024xf32>
    %add3A_93 = arith.addf %mul3A_88, %add3A_92 : vector<256x1024xf32>
    %swap3A = arith.constant 0 : index
    %swap3A_94 = arith.constant 0 : index
    %swap3A_95 = vector.load %arg8[%swap3A, %swap3A_94] : memref<256x1024xf32, #tpu.memory_space<vmem>>, vector<256x1024xf32>
    tpu.vector_store %arg8[%swap3A, %swap3A_94], %add3A_93 {strides = array<i32>} : memref<256x1024xf32, #tpu.memory_space<vmem>>, vector<256x1024xf32>,
    return
  }
  func.func @transform_1(%arg0: i32) -> (i32, i32) {
    %c0_i32 = arith.constant 0 : i32
    %c0_i32_0 = arith.constant 0 : i32
    return %arg0, %c0_i32 : i32, i32
  }
  func.func @transform_2(%arg0: i32) -> (i32, i32, i32) {
    %add3A = arith.constant 8 : i32
    %add3A_0 = arith.addi %add3A, %arg0 : i32
    %c0_i32 = arith.constant 0 : i32
    %c0_i32_1 = arith.constant 0 : i32
    %c0_i32_2 = arith.constant 0 : i32
    return %add3A_0, %c0_i32, %c0_i32_1 : i32, i32, i32
  }
  func.func @transform_3(%arg0: i32) -> (i32, i32) {
    %c0_i32 = arith.constant 0 : i32
    %c0_i32_0 = arith.constant 0 : i32
    %c0_i32_1 = arith.constant 0 : i32
    return %c0_i32, %c0_i32_0 : i32, i32
  }
  func.func @transform_4(%arg0: i32) -> (i32, i32) {
    %c0_i32 = arith.constant 0 : i32
    %c0_i32_0 = arith.constant 0 : i32
    %c0_i32_1 = arith.constant 0 : i32
    return %c0_i32, %c0_i32_0 : i32, i32
  }
  func.func @transform_5(%arg0: i32) -> i32 {
    %c0_i32 = arith.constant 0 : i32
    %c0_i32_0 = arith.constant 0 : i32
    return %c0_i32 : i32
  }
  func.func @transform_6(%arg0: i32) -> i32 {
    %c0_i32 = arith.constant 0 : i32
    %c0_i32_0 = arith.constant 0 : i32
    return %c0_i32 : i32
  }
  func.func @transform_7(%arg0: i32) -> (i32, i32) {
    %add3A = arith.constant 8 : i32
    %add3A_0 = arith.addi %add3A, %arg0 : i32
    %c0_i32 = arith.constant 0 : i32
    %c0_i32_1 = arith.constant 0 : i32
    return %add3A_0, %c0_i32 : i32, i32
  }
}

module attributes {stable_mosaic.version = 14 : i64} {
  func.func @_ln_body(%arg0: i32, %arg1: memref<256x1024xf32, #tpu.memory_space<vmem>>, %arg2: memref<1x1x256xi32, #tpu.memory_space<vmem>>, %arg3: memref<1000x1024xf32, #tpu.memory_space<vmem>>, %arg4: memref<256x1024xf32, #tpu.memory_space<vmem>>, %arg5: memref<1024xf32, #tpu.memory_space<vmem>>, %arg6: memref<1024xf32, #tpu.memory_space<vmem>>, %arg7: memref<256x1024xf32, #tpu.memory_space<vmem>>) attributes {dimension_semantics = [#tpu.dimension_semantics<arbitrary>], iteration_bounds = array<i64: 8>, scalar_prefetch = 0 : i64, scratch_operands = 0 : i64, tpu.core_type = #tpu.core_type<tc>, window_params = [{transform_indices = @transform_0, window_bounds = array<i64: 256, 1024>}, {transform_indices = @transform_1, window_bounds = array<i64: 1, 1, 256>}, {pipeline_mode = #tpu.pipeline_mode<synchronous>, transform_indices = @transform_2, window_bounds = array<i64: 1000, 1024>}, {pipeline_mode = #tpu.pipeline_mode<synchronous>, transform_indices = @transform_3, window_bounds = array<i64: 256, 1024>}, {pipeline_mode = #tpu.pipeline_mode<synchronous>, transform_indices = @transform_4, window_bounds = array<i64: 1024>}, {pipeline_mode = #tpu.pipeline_mode<synchronous>, transform_indices = @transform_5, window_bounds = array<i64: 1024>}, {transform_indices = @transform_6, window_bounds = array<i64: 256, 1024>}]} {
    %get3A = arith.constant 0 : index
    %get3A_0 = arith.constant 0 : index
    %get3A_1 = arith.constant 0 : index
    %get3A_2 = vector.load %arg2[%get3A, %get3A_0, %get3A_1] : memref<1x1x256xi32, #tpu.memory_space<vmem>>, vector<1x1x256xi32>
    %get3A_3 = vector.shape_cast %get3A_2 : vector<1x1x256xi32> to vector<256xi32>
    %iota3A = tpu.iota {dimensions = array<i32: 1>} : vector<256x1000xi32>
    %broadcast_in_dim3A = vector.shape_cast %get3A_3 : vector<256xi32> to vector<256x1xi32>
    %eq3A = vector.broadcast %broadcast_in_dim3A : vector<256x1xi32> to vector<256x1000xi32>
    %eq3A_4 = arith.cmpi eq, %eq3A, %iota3A : vector<256x1000xi32>
    %convert_element_type3A = arith.extui %eq3A_4 : vector<256x1000xi1> to vector<256x1000xi32>
    %convert_element_type3A_5 = arith.sitofp %convert_element_type3A : vector<256x1000xi32> to vector<256x1000xf32>
    %convert_element_type3A_6 = arith.truncf %convert_element_type3A_5 : vector<256x1000xf32> to vector<256x1000xbf16>
    %get3A_7 = arith.constant 0 : index
    %get3A_8 = arith.constant 0 : index
    %get3A_9 = vector.load %arg3[%get3A_7, %get3A_8] : memref<1000x1024xf32, #tpu.memory_space<vmem>>, vector<1000x1024xf32>
    %convert_element_type3A_10 = arith.truncf %get3A_9 : vector<1000x1024xf32> to vector<1000x1024xbf16>
    %dot_general3A = arith.constant dense<0.000000e+00> : vector<256x1024xf32>
    %dot_general3A_11 = tpu.matmul %convert_element_type3A_6, %convert_element_type3A_10, %dot_general3A {dimension_numbers = #tpu.dot_dimension_numbers<[1], [0], [0], [1], [0, 0, 1, 1], [], []>, transpose_lhs_hint = false} : vector<256x1000xbf16>, vector<1000x1024xbf16>, vector<256x1024xf32> -> vector<256x1024xf32>
    %get3A_12 = arith.constant 0 : index
    %get3A_13 = arith.constant 0 : index
    %get3A_14 = vector.load %arg1[%get3A_12, %get3A_13] : memref<256x1024xf32, #tpu.memory_space<vmem>>, vector<256x1024xf32>
    %add3A = arith.addf %get3A_14, %dot_general3A_11 : vector<256x1024xf32>
    %get3A_15 = arith.constant 0 : index
    %get3A_16 = arith.constant 0 : index
    %get3A_17 = vector.load %arg4[%get3A_15, %get3A_16] : memref<256x1024xf32, #tpu.memory_space<vmem>>, vector<256x1024xf32>
    %add3A_18 = arith.addf %add3A, %get3A_17 : vector<256x1024xf32>
    %reduce_sum3A = arith.constant dense<0.000000e+00> : vector<256xf32>
    %reduce_sum3A_19 = vector.multi_reduction <add>, %add3A_18, %reduce_sum3A [1] : vector<256x1024xf32> to vector<256xf32>
    %broadcast_in_dim3A_20 = vector.shape_cast %reduce_sum3A_19 : vector<256xf32> to vector<256x1xf32>
    %div3A = arith.constant 1.024000e+03 : f32
    %div3A_21 = vector.broadcast %div3A : f32 to vector<256x1xf32>
    %div3A_22 = arith.divf %broadcast_in_dim3A_20, %div3A_21 : vector<256x1xf32>
    %sub3A = vector.broadcast %div3A_22 : vector<256x1xf32> to vector<256x1024xf32>
    %sub3A_23 = arith.subf %add3A_18, %sub3A : vector<256x1024xf32>
    %mul3A = arith.mulf %sub3A_23, %sub3A_23 : vector<256x1024xf32>
    %reduce_sum3A_24 = arith.constant dense<0.000000e+00> : vector<256xf32>
    %reduce_sum3A_25 = vector.multi_reduction <add>, %mul3A, %reduce_sum3A_24 [1] : vector<256x1024xf32> to vector<256xf32>
    %broadcast_in_dim3A_26 = vector.shape_cast %reduce_sum3A_25 : vector<256xf32> to vector<256x1xf32>
    %mul3A_27 = arith.constant 9.77517105E-4 : f32
    %mul3A_28 = vector.broadcast %mul3A_27 : f32 to vector<256x1xf32>
    %mul3A_29 = arith.mulf %broadcast_in_dim3A_26, %mul3A_28 : vector<256x1xf32>
    %add3A_30 = arith.constant 1.000000e-30 : f32
    %add3A_31 = vector.broadcast %add3A_30 : f32 to vector<256x1xf32>
    %add3A_32 = arith.addf %mul3A_29, %add3A_31 : vector<256x1xf32>
    %rsqrt3A = math.rsqrt %add3A_32 : vector<256x1xf32>
    %mul3A_33 = arith.constant 5.000000e-01 : f32
    %mul3A_34 = vector.broadcast %mul3A_33 : f32 to vector<256x1xf32>
    %mul3A_35 = arith.mulf %mul3A_34, %mul3A_29 : vector<256x1xf32>
    %mul3A_36 = arith.mulf %mul3A_35, %rsqrt3A : vector<256x1xf32>
    %mul3A_37 = arith.mulf %mul3A_36, %rsqrt3A : vector<256x1xf32>
    %sub3A_38 = arith.constant 1.500000e+00 : f32
    %sub3A_39 = vector.broadcast %sub3A_38 : f32 to vector<256x1xf32>
    %sub3A_40 = arith.subf %sub3A_39, %mul3A_37 : vector<256x1xf32>
    %mul3A_41 = arith.mulf %rsqrt3A, %sub3A_40 : vector<256x1xf32>
    %mul3A_42 = arith.constant 5.000000e-01 : f32
    %mul3A_43 = vector.broadcast %mul3A_42 : f32 to vector<256x1xf32>
    %mul3A_44 = arith.mulf %mul3A_43, %mul3A_29 : vector<256x1xf32>
    %mul3A_45 = arith.mulf %mul3A_44, %mul3A_41 : vector<256x1xf32>
    %mul3A_46 = arith.mulf %mul3A_45, %mul3A_41 : vector<256x1xf32>
    %sub3A_47 = arith.constant 1.500000e+00 : f32
    %sub3A_48 = vector.broadcast %sub3A_47 : f32 to vector<256x1xf32>
    %sub3A_49 = arith.subf %sub3A_48, %mul3A_46 : vector<256x1xf32>
    %mul3A_50 = arith.mulf %mul3A_41, %sub3A_49 : vector<256x1xf32>
    %mul3A_51 = arith.constant 5.000000e-01 : f32
    %mul3A_52 = vector.broadcast %mul3A_51 : f32 to vector<256x1xf32>
    %mul3A_53 = arith.mulf %mul3A_52, %mul3A_29 : vector<256x1xf32>
    %mul3A_54 = arith.mulf %mul3A_53, %mul3A_50 : vector<256x1xf32>
    %mul3A_55 = arith.mulf %mul3A_54, %mul3A_50 : vector<256x1xf32>
    %sub3A_56 = arith.constant 1.500000e+00 : f32
    %sub3A_57 = vector.broadcast %sub3A_56 : f32 to vector<256x1xf32>
    %sub3A_58 = arith.subf %sub3A_57, %mul3A_55 : vector<256x1xf32>
    %mul3A_59 = arith.mulf %mul3A_50, %sub3A_58 : vector<256x1xf32>
    %mul3A_60 = arith.mulf %mul3A_29, %mul3A_59 : vector<256x1xf32>
    %add3A_61 = arith.constant 1.000000e-03 : f32
    %add3A_62 = vector.broadcast %add3A_61 : f32 to vector<256x1xf32>
    %add3A_63 = arith.addf %mul3A_60, %add3A_62 : vector<256x1xf32>
    %div3A_64 = arith.constant 1.000000e+00 : f32
    %div3A_65 = vector.broadcast %div3A_64 : f32 to vector<256x1xf32>
    %div3A_66 = arith.divf %div3A_65, %add3A_63 : vector<256x1xf32>
    %mul3A_67 = arith.mulf %add3A_63, %div3A_66 : vector<256x1xf32>
    %sub3A_68 = arith.constant 2.000000e+00 : f32
    %sub3A_69 = vector.broadcast %sub3A_68 : f32 to vector<256x1xf32>
    %sub3A_70 = arith.subf %sub3A_69, %mul3A_67 : vector<256x1xf32>
    %mul3A_71 = arith.mulf %div3A_66, %sub3A_70 : vector<256x1xf32>
    %mul3A_72 = arith.mulf %add3A_63, %mul3A_71 : vector<256x1xf32>
    %sub3A_73 = arith.constant 2.000000e+00 : f32
    %sub3A_74 = vector.broadcast %sub3A_73 : f32 to vector<256x1xf32>
    %sub3A_75 = arith.subf %sub3A_74, %mul3A_72 : vector<256x1xf32>
    %mul3A_76 = arith.mulf %mul3A_71, %sub3A_75 : vector<256x1xf32>
    %mul3A_77 = arith.mulf %add3A_63, %mul3A_76 : vector<256x1xf32>
    %sub3A_78 = arith.constant 2.000000e+00 : f32
    %sub3A_79 = vector.broadcast %sub3A_78 : f32 to vector<256x1xf32>
    %sub3A_80 = arith.subf %sub3A_79, %mul3A_77 : vector<256x1xf32>
    %mul3A_81 = arith.mulf %mul3A_76, %sub3A_80 : vector<256x1xf32>
    %mul3A_82 = vector.broadcast %mul3A_81 : vector<256x1xf32> to vector<256x1024xf32>
    %mul3A_83 = arith.mulf %sub3A_23, %mul3A_82 : vector<256x1024xf32>
    %get3A_84 = arith.constant 0 : index
    %get3A_85 = vector.load %arg5[%get3A_84] : memref<1024xf32, #tpu.memory_space<vmem>>, vector<1024xf32>
    %broadcast_in_dim3A_86 = vector.shape_cast %get3A_85 : vector<1024xf32> to vector<1x1024xf32>
    %mul3A_87 = vector.broadcast %broadcast_in_dim3A_86 : vector<1x1024xf32> to vector<256x1024xf32>
    %mul3A_88 = arith.mulf %mul3A_83, %mul3A_87 : vector<256x1024xf32>
    %get3A_89 = arith.constant 0 : index
    %get3A_90 = vector.load %arg6[%get3A_89] : memref<1024xf32, #tpu.memory_space<vmem>>, vector<1024xf32>
    %broadcast_in_dim3A_91 = vector.shape_cast %get3A_90 : vector<1024xf32> to vector<1x1024xf32>
    %add3A_92 = vector.broadcast %broadcast_in_dim3A_91 : vector<1x1024xf32> to vector<256x1024xf32>
    %add3A_93 = arith.addf %mul3A_88, %add3A_92 : vector<256x1024xf32>
    %swap3A = arith.constant 0 : index
    %swap3A_94 = arith.constant 0 : index
    %swap3A_95 = vector.load %arg7[%swap3A, %swap3A_94] : memref<256x1024xf32, #tpu.memory_space<vmem>>, vector<256x1024xf32>
    tpu.vector_store %arg7[%swap3A, %swap3A_94], %add3A_93 {strides = array<i32>} : memref<256x1024xf32, #tpu.memory_space<vmem>>, vector<256x1024xf32>,
    return
  }
  func.func @transform_0(%arg0: i32) -> (i32, i32) {
    %c0_i32 = arith.constant 0 : i32
    %c0_i32_0 = arith.constant 0 : i32
    return %arg0, %c0_i32 : i32, i32
  }
  func.func @transform_1(%arg0: i32) -> (i32, i32, i32) {
    %add3A = arith.constant 0 : i32
    %add3A_0 = arith.addi %add3A, %arg0 : i32
    %c0_i32 = arith.constant 0 : i32
    %c0_i32_1 = arith.constant 0 : i32
    %c0_i32_2 = arith.constant 0 : i32
    return %add3A_0, %c0_i32, %c0_i32_1 : i32, i32, i32
  }
  func.func @transform_2(%arg0: i32) -> (i32, i32) {
    %c0_i32 = arith.constant 0 : i32
    %c0_i32_0 = arith.constant 0 : i32
    %c0_i32_1 = arith.constant 0 : i32
    return %c0_i32, %c0_i32_0 : i32, i32
  }
  func.func @transform_3(%arg0: i32) -> (i32, i32) {
    %c0_i32 = arith.constant 0 : i32
    %c0_i32_0 = arith.constant 0 : i32
    %c0_i32_1 = arith.constant 0 : i32
    return %c0_i32, %c0_i32_0 : i32, i32
  }
  func.func @transform_4(%arg0: i32) -> i32 {
    %c0_i32 = arith.constant 0 : i32
    %c0_i32_0 = arith.constant 0 : i32
    return %c0_i32 : i32
  }
  func.func @transform_5(%arg0: i32) -> i32 {
    %c0_i32 = arith.constant 0 : i32
    %c0_i32_0 = arith.constant 0 : i32
    return %c0_i32 : i32
  }
  func.func @transform_6(%arg0: i32) -> (i32, i32) {
    %add3A = arith.constant 0 : i32
    %add3A_0 = arith.addi %add3A, %arg0 : i32
    %c0_i32 = arith.constant 0 : i32
    %c0_i32_1 = arith.constant 0 : i32
    return %add3A_0, %c0_i32 : i32, i32
  }
}

module attributes {stable_mosaic.version = 14 : i64} {
  func.func @_ln_body(%arg0: i32, %arg1: memref<8192x1024xf32, #tpu.memory_space<any>>, %arg2: memref<256x1024xf32, #tpu.memory_space<vmem>>, %arg3: memref<1x1x256xi32, #tpu.memory_space<vmem>>, %arg4: memref<1000x1024xf32, #tpu.memory_space<vmem>>, %arg5: memref<256x1024xf32, #tpu.memory_space<vmem>>, %arg6: memref<1024xf32, #tpu.memory_space<vmem>>, %arg7: memref<1024xf32, #tpu.memory_space<vmem>>, %arg8: memref<256x1024xf32, #tpu.memory_space<vmem>>) attributes {dimension_semantics = [#tpu.dimension_semantics<arbitrary>], iteration_bounds = array<i64: 8>, scalar_prefetch = 0 : i64, scratch_operands = 0 : i64, tpu.core_type = #tpu.core_type<tc>, window_params = [{}, {transform_indices = @transform_1, window_bounds = array<i64: 256, 1024>}, {transform_indices = @transform_2, window_bounds = array<i64: 1, 1, 256>}, {pipeline_mode = #tpu.pipeline_mode<synchronous>, transform_indices = @transform_3, window_bounds = array<i64: 1000, 1024>}, {pipeline_mode = #tpu.pipeline_mode<synchronous>, transform_indices = @transform_4, window_bounds = array<i64: 256, 1024>}, {pipeline_mode = #tpu.pipeline_mode<synchronous>, transform_indices = @transform_5, window_bounds = array<i64: 1024>}, {pipeline_mode = #tpu.pipeline_mode<synchronous>, transform_indices = @transform_6, window_bounds = array<i64: 1024>}, {transform_indices = @transform_7, window_bounds = array<i64: 256, 1024>}]} {
    %get3A = arith.constant 0 : index
    %get3A_0 = arith.constant 0 : index
    %get3A_1 = arith.constant 0 : index
    %get3A_2 = vector.load %arg3[%get3A, %get3A_0, %get3A_1] : memref<1x1x256xi32, #tpu.memory_space<vmem>>, vector<1x1x256xi32>
    %get3A_3 = vector.shape_cast %get3A_2 : vector<1x1x256xi32> to vector<256xi32>
    %iota3A = tpu.iota {dimensions = array<i32: 1>} : vector<256x1000xi32>
    %broadcast_in_dim3A = vector.shape_cast %get3A_3 : vector<256xi32> to vector<256x1xi32>
    %eq3A = vector.broadcast %broadcast_in_dim3A : vector<256x1xi32> to vector<256x1000xi32>
    %eq3A_4 = arith.cmpi eq, %eq3A, %iota3A : vector<256x1000xi32>
    %convert_element_type3A = arith.extui %eq3A_4 : vector<256x1000xi1> to vector<256x1000xi32>
    %convert_element_type3A_5 = arith.sitofp %convert_element_type3A : vector<256x1000xi32> to vector<256x1000xf32>
    %convert_element_type3A_6 = arith.truncf %convert_element_type3A_5 : vector<256x1000xf32> to vector<256x1000xbf16>
    %get3A_7 = arith.constant 0 : index
    %get3A_8 = arith.constant 0 : index
    %get3A_9 = vector.load %arg4[%get3A_7, %get3A_8] : memref<1000x1024xf32, #tpu.memory_space<vmem>>, vector<1000x1024xf32>
    %convert_element_type3A_10 = arith.truncf %get3A_9 : vector<1000x1024xf32> to vector<1000x1024xbf16>
    %dot_general3A = arith.constant dense<0.000000e+00> : vector<256x1024xf32>
    %dot_general3A_11 = tpu.matmul %convert_element_type3A_6, %convert_element_type3A_10, %dot_general3A {dimension_numbers = #tpu.dot_dimension_numbers<[1], [0], [0], [1], [0, 0, 1, 1], [], []>, transpose_lhs_hint = false} : vector<256x1000xbf16>, vector<1000x1024xbf16>, vector<256x1024xf32> -> vector<256x1024xf32>
    %get3A_12 = arith.constant 0 : index
    %get3A_13 = arith.constant 0 : index
    %get3A_14 = vector.load %arg2[%get3A_12, %get3A_13] : memref<256x1024xf32, #tpu.memory_space<vmem>>, vector<256x1024xf32>
    %add3A = arith.addf %get3A_14, %dot_general3A_11 : vector<256x1024xf32>
    %get3A_15 = arith.constant 0 : index
    %get3A_16 = arith.constant 0 : index
    %get3A_17 = vector.load %arg5[%get3A_15, %get3A_16] : memref<256x1024xf32, #tpu.memory_space<vmem>>, vector<256x1024xf32>
    %add3A_18 = arith.addf %add3A, %get3A_17 : vector<256x1024xf32>
    %reduce_sum3A = arith.constant dense<0.000000e+00> : vector<256xf32>
    %reduce_sum3A_19 = vector.multi_reduction <add>, %add3A_18, %reduce_sum3A [1] : vector<256x1024xf32> to vector<256xf32>
    %broadcast_in_dim3A_20 = vector.shape_cast %reduce_sum3A_19 : vector<256xf32> to vector<256x1xf32>
    %div3A = arith.constant 1.024000e+03 : f32
    %div3A_21 = vector.broadcast %div3A : f32 to vector<256x1xf32>
    %div3A_22 = arith.divf %broadcast_in_dim3A_20, %div3A_21 : vector<256x1xf32>
    %sub3A = vector.broadcast %div3A_22 : vector<256x1xf32> to vector<256x1024xf32>
    %sub3A_23 = arith.subf %add3A_18, %sub3A : vector<256x1024xf32>
    %mul3A = arith.mulf %sub3A_23, %sub3A_23 : vector<256x1024xf32>
    %reduce_sum3A_24 = arith.constant dense<0.000000e+00> : vector<256xf32>
    %reduce_sum3A_25 = vector.multi_reduction <add>, %mul3A, %reduce_sum3A_24 [1] : vector<256x1024xf32> to vector<256xf32>
    %broadcast_in_dim3A_26 = vector.shape_cast %reduce_sum3A_25 : vector<256xf32> to vector<256x1xf32>
    %mul3A_27 = arith.constant 9.77517105E-4 : f32
    %mul3A_28 = vector.broadcast %mul3A_27 : f32 to vector<256x1xf32>
    %mul3A_29 = arith.mulf %broadcast_in_dim3A_26, %mul3A_28 : vector<256x1xf32>
    %add3A_30 = arith.constant 1.000000e-30 : f32
    %add3A_31 = vector.broadcast %add3A_30 : f32 to vector<256x1xf32>
    %add3A_32 = arith.addf %mul3A_29, %add3A_31 : vector<256x1xf32>
    %rsqrt3A = math.rsqrt %add3A_32 : vector<256x1xf32>
    %mul3A_33 = arith.constant 5.000000e-01 : f32
    %mul3A_34 = vector.broadcast %mul3A_33 : f32 to vector<256x1xf32>
    %mul3A_35 = arith.mulf %mul3A_34, %mul3A_29 : vector<256x1xf32>
    %mul3A_36 = arith.mulf %mul3A_35, %rsqrt3A : vector<256x1xf32>
    %mul3A_37 = arith.mulf %mul3A_36, %rsqrt3A : vector<256x1xf32>
    %sub3A_38 = arith.constant 1.500000e+00 : f32
    %sub3A_39 = vector.broadcast %sub3A_38 : f32 to vector<256x1xf32>
    %sub3A_40 = arith.subf %sub3A_39, %mul3A_37 : vector<256x1xf32>
    %mul3A_41 = arith.mulf %rsqrt3A, %sub3A_40 : vector<256x1xf32>
    %mul3A_42 = arith.constant 5.000000e-01 : f32
    %mul3A_43 = vector.broadcast %mul3A_42 : f32 to vector<256x1xf32>
    %mul3A_44 = arith.mulf %mul3A_43, %mul3A_29 : vector<256x1xf32>
    %mul3A_45 = arith.mulf %mul3A_44, %mul3A_41 : vector<256x1xf32>
    %mul3A_46 = arith.mulf %mul3A_45, %mul3A_41 : vector<256x1xf32>
    %sub3A_47 = arith.constant 1.500000e+00 : f32
    %sub3A_48 = vector.broadcast %sub3A_47 : f32 to vector<256x1xf32>
    %sub3A_49 = arith.subf %sub3A_48, %mul3A_46 : vector<256x1xf32>
    %mul3A_50 = arith.mulf %mul3A_41, %sub3A_49 : vector<256x1xf32>
    %mul3A_51 = arith.constant 5.000000e-01 : f32
    %mul3A_52 = vector.broadcast %mul3A_51 : f32 to vector<256x1xf32>
    %mul3A_53 = arith.mulf %mul3A_52, %mul3A_29 : vector<256x1xf32>
    %mul3A_54 = arith.mulf %mul3A_53, %mul3A_50 : vector<256x1xf32>
    %mul3A_55 = arith.mulf %mul3A_54, %mul3A_50 : vector<256x1xf32>
    %sub3A_56 = arith.constant 1.500000e+00 : f32
    %sub3A_57 = vector.broadcast %sub3A_56 : f32 to vector<256x1xf32>
    %sub3A_58 = arith.subf %sub3A_57, %mul3A_55 : vector<256x1xf32>
    %mul3A_59 = arith.mulf %mul3A_50, %sub3A_58 : vector<256x1xf32>
    %mul3A_60 = arith.mulf %mul3A_29, %mul3A_59 : vector<256x1xf32>
    %add3A_61 = arith.constant 1.000000e-03 : f32
    %add3A_62 = vector.broadcast %add3A_61 : f32 to vector<256x1xf32>
    %add3A_63 = arith.addf %mul3A_60, %add3A_62 : vector<256x1xf32>
    %div3A_64 = arith.constant 1.000000e+00 : f32
    %div3A_65 = vector.broadcast %div3A_64 : f32 to vector<256x1xf32>
    %div3A_66 = arith.divf %div3A_65, %add3A_63 : vector<256x1xf32>
    %mul3A_67 = arith.mulf %add3A_63, %div3A_66 : vector<256x1xf32>
    %sub3A_68 = arith.constant 2.000000e+00 : f32
    %sub3A_69 = vector.broadcast %sub3A_68 : f32 to vector<256x1xf32>
    %sub3A_70 = arith.subf %sub3A_69, %mul3A_67 : vector<256x1xf32>
    %mul3A_71 = arith.mulf %div3A_66, %sub3A_70 : vector<256x1xf32>
    %mul3A_72 = arith.mulf %add3A_63, %mul3A_71 : vector<256x1xf32>
    %sub3A_73 = arith.constant 2.000000e+00 : f32
    %sub3A_74 = vector.broadcast %sub3A_73 : f32 to vector<256x1xf32>
    %sub3A_75 = arith.subf %sub3A_74, %mul3A_72 : vector<256x1xf32>
    %mul3A_76 = arith.mulf %mul3A_71, %sub3A_75 : vector<256x1xf32>
    %mul3A_77 = arith.mulf %add3A_63, %mul3A_76 : vector<256x1xf32>
    %sub3A_78 = arith.constant 2.000000e+00 : f32
    %sub3A_79 = vector.broadcast %sub3A_78 : f32 to vector<256x1xf32>
    %sub3A_80 = arith.subf %sub3A_79, %mul3A_77 : vector<256x1xf32>
    %mul3A_81 = arith.mulf %mul3A_76, %sub3A_80 : vector<256x1xf32>
    %mul3A_82 = vector.broadcast %mul3A_81 : vector<256x1xf32> to vector<256x1024xf32>
    %mul3A_83 = arith.mulf %sub3A_23, %mul3A_82 : vector<256x1024xf32>
    %get3A_84 = arith.constant 0 : index
    %get3A_85 = vector.load %arg6[%get3A_84] : memref<1024xf32, #tpu.memory_space<vmem>>, vector<1024xf32>
    %broadcast_in_dim3A_86 = vector.shape_cast %get3A_85 : vector<1024xf32> to vector<1x1024xf32>
    %mul3A_87 = vector.broadcast %broadcast_in_dim3A_86 : vector<1x1024xf32> to vector<256x1024xf32>
    %mul3A_88 = arith.mulf %mul3A_83, %mul3A_87 : vector<256x1024xf32>
    %get3A_89 = arith.constant 0 : index
    %get3A_90 = vector.load %arg7[%get3A_89] : memref<1024xf32, #tpu.memory_space<vmem>>, vector<1024xf32>
    %broadcast_in_dim3A_91 = vector.shape_cast %get3A_90 : vector<1024xf32> to vector<1x1024xf32>
    %add3A_92 = vector.broadcast %broadcast_in_dim3A_91 : vector<1x1024xf32> to vector<256x1024xf32>
    %add3A_93 = arith.addf %mul3A_88, %add3A_92 : vector<256x1024xf32>
    %swap3A = arith.constant 0 : index
    %swap3A_94 = arith.constant 0 : index
    %swap3A_95 = vector.load %arg8[%swap3A, %swap3A_94] : memref<256x1024xf32, #tpu.memory_space<vmem>>, vector<256x1024xf32>
    tpu.vector_store %arg8[%swap3A, %swap3A_94], %add3A_93 {strides = array<i32>} : memref<256x1024xf32, #tpu.memory_space<vmem>>, vector<256x1024xf32>,
    return
  }
  func.func @transform_1(%arg0: i32) -> (i32, i32) {
    %c0_i32 = arith.constant 0 : i32
    %c0_i32_0 = arith.constant 0 : i32
    return %arg0, %c0_i32 : i32, i32
  }
  func.func @transform_2(%arg0: i32) -> (i32, i32, i32) {
    %add3A = arith.constant 16 : i32
    %add3A_0 = arith.addi %add3A, %arg0 : i32
    %c0_i32 = arith.constant 0 : i32
    %c0_i32_1 = arith.constant 0 : i32
    %c0_i32_2 = arith.constant 0 : i32
    return %add3A_0, %c0_i32, %c0_i32_1 : i32, i32, i32
  }
  func.func @transform_3(%arg0: i32) -> (i32, i32) {
    %c0_i32 = arith.constant 0 : i32
    %c0_i32_0 = arith.constant 0 : i32
    %c0_i32_1 = arith.constant 0 : i32
    return %c0_i32, %c0_i32_0 : i32, i32
  }
  func.func @transform_4(%arg0: i32) -> (i32, i32) {
    %c0_i32 = arith.constant 0 : i32
    %c0_i32_0 = arith.constant 0 : i32
    %c0_i32_1 = arith.constant 0 : i32
    return %c0_i32, %c0_i32_0 : i32, i32
  }
  func.func @transform_5(%arg0: i32) -> i32 {
    %c0_i32 = arith.constant 0 : i32
    %c0_i32_0 = arith.constant 0 : i32
    return %c0_i32 : i32
  }
  func.func @transform_6(%arg0: i32) -> i32 {
    %c0_i32 = arith.constant 0 : i32
    %c0_i32_0 = arith.constant 0 : i32
    return %c0_i32 : i32
  }
  func.func @transform_7(%arg0: i32) -> (i32, i32) {
    %add3A = arith.constant 16 : i32
    %add3A_0 = arith.addi %add3A, %arg0 : i32
    %c0_i32 = arith.constant 0 : i32
    %c0_i32_1 = arith.constant 0 : i32
    return %add3A_0, %c0_i32 : i32, i32
  }
}

module attributes {stable_mosaic.version = 14 : i64} {
  func.func @_ln_body(%arg0: i32, %arg1: memref<8192x1024xf32, #tpu.memory_space<any>>, %arg2: memref<256x1024xf32, #tpu.memory_space<vmem>>, %arg3: memref<1x1x256xi32, #tpu.memory_space<vmem>>, %arg4: memref<1000x1024xf32, #tpu.memory_space<vmem>>, %arg5: memref<256x1024xf32, #tpu.memory_space<vmem>>, %arg6: memref<1024xf32, #tpu.memory_space<vmem>>, %arg7: memref<1024xf32, #tpu.memory_space<vmem>>, %arg8: memref<256x1024xf32, #tpu.memory_space<vmem>>) attributes {dimension_semantics = [#tpu.dimension_semantics<arbitrary>], iteration_bounds = array<i64: 8>, scalar_prefetch = 0 : i64, scratch_operands = 0 : i64, tpu.core_type = #tpu.core_type<tc>, window_params = [{}, {transform_indices = @transform_1, window_bounds = array<i64: 256, 1024>}, {transform_indices = @transform_2, window_bounds = array<i64: 1, 1, 256>}, {pipeline_mode = #tpu.pipeline_mode<synchronous>, transform_indices = @transform_3, window_bounds = array<i64: 1000, 1024>}, {pipeline_mode = #tpu.pipeline_mode<synchronous>, transform_indices = @transform_4, window_bounds = array<i64: 256, 1024>}, {pipeline_mode = #tpu.pipeline_mode<synchronous>, transform_indices = @transform_5, window_bounds = array<i64: 1024>}, {pipeline_mode = #tpu.pipeline_mode<synchronous>, transform_indices = @transform_6, window_bounds = array<i64: 1024>}, {transform_indices = @transform_7, window_bounds = array<i64: 256, 1024>}]} {
    %get3A = arith.constant 0 : index
    %get3A_0 = arith.constant 0 : index
    %get3A_1 = arith.constant 0 : index
    %get3A_2 = vector.load %arg3[%get3A, %get3A_0, %get3A_1] : memref<1x1x256xi32, #tpu.memory_space<vmem>>, vector<1x1x256xi32>
    %get3A_3 = vector.shape_cast %get3A_2 : vector<1x1x256xi32> to vector<256xi32>
    %iota3A = tpu.iota {dimensions = array<i32: 1>} : vector<256x1000xi32>
    %broadcast_in_dim3A = vector.shape_cast %get3A_3 : vector<256xi32> to vector<256x1xi32>
    %eq3A = vector.broadcast %broadcast_in_dim3A : vector<256x1xi32> to vector<256x1000xi32>
    %eq3A_4 = arith.cmpi eq, %eq3A, %iota3A : vector<256x1000xi32>
    %convert_element_type3A = arith.extui %eq3A_4 : vector<256x1000xi1> to vector<256x1000xi32>
    %convert_element_type3A_5 = arith.sitofp %convert_element_type3A : vector<256x1000xi32> to vector<256x1000xf32>
    %convert_element_type3A_6 = arith.truncf %convert_element_type3A_5 : vector<256x1000xf32> to vector<256x1000xbf16>
    %get3A_7 = arith.constant 0 : index
    %get3A_8 = arith.constant 0 : index
    %get3A_9 = vector.load %arg4[%get3A_7, %get3A_8] : memref<1000x1024xf32, #tpu.memory_space<vmem>>, vector<1000x1024xf32>
    %convert_element_type3A_10 = arith.truncf %get3A_9 : vector<1000x1024xf32> to vector<1000x1024xbf16>
    %dot_general3A = arith.constant dense<0.000000e+00> : vector<256x1024xf32>
    %dot_general3A_11 = tpu.matmul %convert_element_type3A_6, %convert_element_type3A_10, %dot_general3A {dimension_numbers = #tpu.dot_dimension_numbers<[1], [0], [0], [1], [0, 0, 1, 1], [], []>, transpose_lhs_hint = false} : vector<256x1000xbf16>, vector<1000x1024xbf16>, vector<256x1024xf32> -> vector<256x1024xf32>
    %get3A_12 = arith.constant 0 : index
    %get3A_13 = arith.constant 0 : index
    %get3A_14 = vector.load %arg2[%get3A_12, %get3A_13] : memref<256x1024xf32, #tpu.memory_space<vmem>>, vector<256x1024xf32>
    %add3A = arith.addf %get3A_14, %dot_general3A_11 : vector<256x1024xf32>
    %get3A_15 = arith.constant 0 : index
    %get3A_16 = arith.constant 0 : index
    %get3A_17 = vector.load %arg5[%get3A_15, %get3A_16] : memref<256x1024xf32, #tpu.memory_space<vmem>>, vector<256x1024xf32>
    %add3A_18 = arith.addf %add3A, %get3A_17 : vector<256x1024xf32>
    %reduce_sum3A = arith.constant dense<0.000000e+00> : vector<256xf32>
    %reduce_sum3A_19 = vector.multi_reduction <add>, %add3A_18, %reduce_sum3A [1] : vector<256x1024xf32> to vector<256xf32>
    %broadcast_in_dim3A_20 = vector.shape_cast %reduce_sum3A_19 : vector<256xf32> to vector<256x1xf32>
    %div3A = arith.constant 1.024000e+03 : f32
    %div3A_21 = vector.broadcast %div3A : f32 to vector<256x1xf32>
    %div3A_22 = arith.divf %broadcast_in_dim3A_20, %div3A_21 : vector<256x1xf32>
    %sub3A = vector.broadcast %div3A_22 : vector<256x1xf32> to vector<256x1024xf32>
    %sub3A_23 = arith.subf %add3A_18, %sub3A : vector<256x1024xf32>
    %mul3A = arith.mulf %sub3A_23, %sub3A_23 : vector<256x1024xf32>
    %reduce_sum3A_24 = arith.constant dense<0.000000e+00> : vector<256xf32>
    %reduce_sum3A_25 = vector.multi_reduction <add>, %mul3A, %reduce_sum3A_24 [1] : vector<256x1024xf32> to vector<256xf32>
    %broadcast_in_dim3A_26 = vector.shape_cast %reduce_sum3A_25 : vector<256xf32> to vector<256x1xf32>
    %mul3A_27 = arith.constant 9.77517105E-4 : f32
    %mul3A_28 = vector.broadcast %mul3A_27 : f32 to vector<256x1xf32>
    %mul3A_29 = arith.mulf %broadcast_in_dim3A_26, %mul3A_28 : vector<256x1xf32>
    %add3A_30 = arith.constant 1.000000e-30 : f32
    %add3A_31 = vector.broadcast %add3A_30 : f32 to vector<256x1xf32>
    %add3A_32 = arith.addf %mul3A_29, %add3A_31 : vector<256x1xf32>
    %rsqrt3A = math.rsqrt %add3A_32 : vector<256x1xf32>
    %mul3A_33 = arith.constant 5.000000e-01 : f32
    %mul3A_34 = vector.broadcast %mul3A_33 : f32 to vector<256x1xf32>
    %mul3A_35 = arith.mulf %mul3A_34, %mul3A_29 : vector<256x1xf32>
    %mul3A_36 = arith.mulf %mul3A_35, %rsqrt3A : vector<256x1xf32>
    %mul3A_37 = arith.mulf %mul3A_36, %rsqrt3A : vector<256x1xf32>
    %sub3A_38 = arith.constant 1.500000e+00 : f32
    %sub3A_39 = vector.broadcast %sub3A_38 : f32 to vector<256x1xf32>
    %sub3A_40 = arith.subf %sub3A_39, %mul3A_37 : vector<256x1xf32>
    %mul3A_41 = arith.mulf %rsqrt3A, %sub3A_40 : vector<256x1xf32>
    %mul3A_42 = arith.constant 5.000000e-01 : f32
    %mul3A_43 = vector.broadcast %mul3A_42 : f32 to vector<256x1xf32>
    %mul3A_44 = arith.mulf %mul3A_43, %mul3A_29 : vector<256x1xf32>
    %mul3A_45 = arith.mulf %mul3A_44, %mul3A_41 : vector<256x1xf32>
    %mul3A_46 = arith.mulf %mul3A_45, %mul3A_41 : vector<256x1xf32>
    %sub3A_47 = arith.constant 1.500000e+00 : f32
    %sub3A_48 = vector.broadcast %sub3A_47 : f32 to vector<256x1xf32>
    %sub3A_49 = arith.subf %sub3A_48, %mul3A_46 : vector<256x1xf32>
    %mul3A_50 = arith.mulf %mul3A_41, %sub3A_49 : vector<256x1xf32>
    %mul3A_51 = arith.constant 5.000000e-01 : f32
    %mul3A_52 = vector.broadcast %mul3A_51 : f32 to vector<256x1xf32>
    %mul3A_53 = arith.mulf %mul3A_52, %mul3A_29 : vector<256x1xf32>
    %mul3A_54 = arith.mulf %mul3A_53, %mul3A_50 : vector<256x1xf32>
    %mul3A_55 = arith.mulf %mul3A_54, %mul3A_50 : vector<256x1xf32>
    %sub3A_56 = arith.constant 1.500000e+00 : f32
    %sub3A_57 = vector.broadcast %sub3A_56 : f32 to vector<256x1xf32>
    %sub3A_58 = arith.subf %sub3A_57, %mul3A_55 : vector<256x1xf32>
    %mul3A_59 = arith.mulf %mul3A_50, %sub3A_58 : vector<256x1xf32>
    %mul3A_60 = arith.mulf %mul3A_29, %mul3A_59 : vector<256x1xf32>
    %add3A_61 = arith.constant 1.000000e-03 : f32
    %add3A_62 = vector.broadcast %add3A_61 : f32 to vector<256x1xf32>
    %add3A_63 = arith.addf %mul3A_60, %add3A_62 : vector<256x1xf32>
    %div3A_64 = arith.constant 1.000000e+00 : f32
    %div3A_65 = vector.broadcast %div3A_64 : f32 to vector<256x1xf32>
    %div3A_66 = arith.divf %div3A_65, %add3A_63 : vector<256x1xf32>
    %mul3A_67 = arith.mulf %add3A_63, %div3A_66 : vector<256x1xf32>
    %sub3A_68 = arith.constant 2.000000e+00 : f32
    %sub3A_69 = vector.broadcast %sub3A_68 : f32 to vector<256x1xf32>
    %sub3A_70 = arith.subf %sub3A_69, %mul3A_67 : vector<256x1xf32>
    %mul3A_71 = arith.mulf %div3A_66, %sub3A_70 : vector<256x1xf32>
    %mul3A_72 = arith.mulf %add3A_63, %mul3A_71 : vector<256x1xf32>
    %sub3A_73 = arith.constant 2.000000e+00 : f32
    %sub3A_74 = vector.broadcast %sub3A_73 : f32 to vector<256x1xf32>
    %sub3A_75 = arith.subf %sub3A_74, %mul3A_72 : vector<256x1xf32>
    %mul3A_76 = arith.mulf %mul3A_71, %sub3A_75 : vector<256x1xf32>
    %mul3A_77 = arith.mulf %add3A_63, %mul3A_76 : vector<256x1xf32>
    %sub3A_78 = arith.constant 2.000000e+00 : f32
    %sub3A_79 = vector.broadcast %sub3A_78 : f32 to vector<256x1xf32>
    %sub3A_80 = arith.subf %sub3A_79, %mul3A_77 : vector<256x1xf32>
    %mul3A_81 = arith.mulf %mul3A_76, %sub3A_80 : vector<256x1xf32>
    %mul3A_82 = vector.broadcast %mul3A_81 : vector<256x1xf32> to vector<256x1024xf32>
    %mul3A_83 = arith.mulf %sub3A_23, %mul3A_82 : vector<256x1024xf32>
    %get3A_84 = arith.constant 0 : index
    %get3A_85 = vector.load %arg6[%get3A_84] : memref<1024xf32, #tpu.memory_space<vmem>>, vector<1024xf32>
    %broadcast_in_dim3A_86 = vector.shape_cast %get3A_85 : vector<1024xf32> to vector<1x1024xf32>
    %mul3A_87 = vector.broadcast %broadcast_in_dim3A_86 : vector<1x1024xf32> to vector<256x1024xf32>
    %mul3A_88 = arith.mulf %mul3A_83, %mul3A_87 : vector<256x1024xf32>
    %get3A_89 = arith.constant 0 : index
    %get3A_90 = vector.load %arg7[%get3A_89] : memref<1024xf32, #tpu.memory_space<vmem>>, vector<1024xf32>
    %broadcast_in_dim3A_91 = vector.shape_cast %get3A_90 : vector<1024xf32> to vector<1x1024xf32>
    %add3A_92 = vector.broadcast %broadcast_in_dim3A_91 : vector<1x1024xf32> to vector<256x1024xf32>
    %add3A_93 = arith.addf %mul3A_88, %add3A_92 : vector<256x1024xf32>
    %swap3A = arith.constant 0 : index
    %swap3A_94 = arith.constant 0 : index
    %swap3A_95 = vector.load %arg8[%swap3A, %swap3A_94] : memref<256x1024xf32, #tpu.memory_space<vmem>>, vector<256x1024xf32>
    tpu.vector_store %arg8[%swap3A, %swap3A_94], %add3A_93 {strides = array<i32>} : memref<256x1024xf32, #tpu.memory_space<vmem>>, vector<256x1024xf32>,
    return
  }
  func.func @transform_1(%arg0: i32) -> (i32, i32) {
    %c0_i32 = arith.constant 0 : i32
    %c0_i32_0 = arith.constant 0 : i32
    return %arg0, %c0_i32 : i32, i32
  }
  func.func @transform_2(%arg0: i32) -> (i32, i32, i32) {
    %add3A = arith.constant 24 : i32
    %add3A_0 = arith.addi %add3A, %arg0 : i32
    %c0_i32 = arith.constant 0 : i32
    %c0_i32_1 = arith.constant 0 : i32
    %c0_i32_2 = arith.constant 0 : i32
    return %add3A_0, %c0_i32, %c0_i32_1 : i32, i32, i32
  }
  func.func @transform_3(%arg0: i32) -> (i32, i32) {
    %c0_i32 = arith.constant 0 : i32
    %c0_i32_0 = arith.constant 0 : i32
    %c0_i32_1 = arith.constant 0 : i32
    return %c0_i32, %c0_i32_0 : i32, i32
  }
  func.func @transform_4(%arg0: i32) -> (i32, i32) {
    %c0_i32 = arith.constant 0 : i32
    %c0_i32_0 = arith.constant 0 : i32
    %c0_i32_1 = arith.constant 0 : i32
    return %c0_i32, %c0_i32_0 : i32, i32
  }
  func.func @transform_5(%arg0: i32) -> i32 {
    %c0_i32 = arith.constant 0 : i32
    %c0_i32_0 = arith.constant 0 : i32
    return %c0_i32 : i32
  }
  func.func @transform_6(%arg0: i32) -> i32 {
    %c0_i32 = arith.constant 0 : i32
    %c0_i32_0 = arith.constant 0 : i32
    return %c0_i32 : i32
  }
  func.func @transform_7(%arg0: i32) -> (i32, i32) {
    %add3A = arith.constant 24 : i32
    %add3A_0 = arith.addi %add3A, %arg0 : i32
    %c0_i32 = arith.constant 0 : i32
    %c0_i32_1 = arith.constant 0 : i32
    return %add3A_0, %c0_i32 : i32, i32
  }
}

</mosaic_0001>

<sc_bundles>
// kernel: kernel.11.cloned.1.call-start
scs
__scs_entry_jumppad:
0x0: {  	(pc) =	sbr.rel $0x88, $3  }
0x1: {  	(tag) =	ssettag $0x0;
	lr =	simm.s32 $0x1  }
0x2: {  	[smem:$0x3F9A] =	sst lr;
	_ =	strace $0xD0000000  }
0x3: {  	_ = 	snop  }
0x4: {  	_ = 	snop  }
0x5: {  	_ = 	snop  }
0x6: {  	_ = 	snop  }
0x7: {  	_ = 	snop  }
__scs_overlays_trampoline_lowered:
0x8: {  	[smem:$0x3FA9] =	sst s0  }
0x9: {  	[smem:$0x3FAA] =	sst s1  }
0xa: {  	[smem:$0x3FAB] =	sst s2  }
0xb: {  	[smem:$0x3FAC] =	sst s3  }
0xc: {  	[smem:$0x3FAD] =	sst s4  }
0xd: {  	[smem:$0x3FAE] =	sst s5  }
0xe: {  	[smem:$0x3FAF] =	sst s6  }
0xf: {  	[smem:$0x3FB0] =	sst s7  }
0x10: {  	[smem:$0x3FB1] =	sst s8  }
0x11: {  	[smem:$0x3FB2] =	sst s9;
	s0 =	simm.s32 @!p0 $0x0  }
0x12: {  	s1 =	sld [smem:$0x3F98];
	s0 =	simm.s32 @p0 $0x1  }
0x13: {  	[smem:$0x3FB3] =	sst s0;
	s0 =	simm.s32 @!p1 $0x0  }
0x14: {  	s2 =	sld [smem:$0x3F97];
	s0 =	simm.s32 @p1 $0x1  }
0x15: {  	[smem:$0x3FB4] =	sst s0;
	s0 =	simm.s32 @!p2 $0x0  }
0x16: {  	s3 =	sld [smem:$0x3FDB];
	s0 =	simm.s32 @p2 $0x1  }
0x17: {  	s4 =	simm.s32 $0x1BF5;
	[smem:$0x3FB6] =	sst s0  }
0x18: {  	s0 =	sld [smem:$0x3F99];
	_ =	swait.ge [sflag:s4], $0x0  }
0x19: {  	s7 =	sld [smem:$0x3F9A]  }
0x1a: {  	s8 =	sadd.s32 $0xFFFFE003, lr  }
0x1b: {  	s9 =	sadd.s32 $0xFFFFFEF7, lr;
	s5 =	simm.s32 $0xFFFFFFFF;
	p2 =	slt.u32 s8, $0xFFFFF086  }
0x1c: {  	p1 =	slt.u32 s9, $0xF7A;
	s5 =	simm.s32 @!p2 $0x0  }
0x1d: {  	s5 =	simm.s32 @p1 $0x1;
	p0 =	seq.s32 s7, s2  }
0x1e: {  	s7 =	smul.u32 @!p0 $0xF7A, s2;
	p2 =	seq.s32 @!p0 s5, $0x0  }
0x1f: {  	s9 =	smul.u32 $0xF7A, s1;
	s8 =	simm.s32 @!p0 $0x1BF5;
	p2 =	por !p2, p0  }
0x20: {  	[sflag:s8] =	ssyncset.s32 @!p0 $0xFFFFF086;
	s6 =	sadd.s32 @!p0 s3, s7;
	s7 =	simm.s32 @!p0 $0x108  }
0x21: {  	s3 =	sadd.s32 s3, s9;
	s6 =	sadd.s32 @!p0 $0x88, s6;
	s7 =	simm.s32 @p2 $0x1082  }
0x22: {  	[simem:s7], [sflag:s8] =	dma.local @!p0 [hbm:s6], $0xF7A  }
0x23: {  	s9 =	sor.u32 $0xD0000000, s2;
	s6 =	simm.s32 $0x108;
	_ =	swait.ge @!p0 [sflag:s8], $0x0  }
0x24: {  	s3 =	sadd.s32 $0x88, s3;
	s6 =	simm.s32 @!p1 $0x1082;
	[sflag:s4] =	ssyncset.s32 $0xFFFFF086  }
0x25: {  	[simem:s6], [sflag:s4] =	dma.local [hbm:s3], $0xF7A  }
0x26: {  	[smem:$0x3F9A] =	sst s1;
	(tag) =	ssettag s2;
	_ =	strace s9  }
0x27: {  	s1 =	sld [smem:$0x3FAA]  }
0x28: {  	s2 =	sld [smem:$0x3FAB]  }
0x29: {  	s4 =	sld [smem:$0x3FAD]  }
0x2a: {  	p0 =	seq.s32 s5, $0x0;
	s5 =	sld [smem:$0x3FAE]  }
0x2b: {  	s6 =	sld [smem:$0x3FAF]  }
0x2c: {  	s7 =	sld [smem:$0x3FB0]  }
0x2d: {  	s3 =	simm.s32 $0x108;
	s8 =	sld [smem:$0x3FB1]  }
0x2e: {  	s3 =	simm.s32 @!p0 $0x1082;
	s9 =	sld [smem:$0x3FB2]  }
0x2f: {  	lr =	sadd.s32 s0, s3;
	s0 =	sld [smem:$0x3FA9]  }
0x30: {  	s3 =	sld [smem:$0x3FAC]  }
0x31: {  	[smem:$0x3FB5] =	sst s10  }
0x32: {  	s10 =	sld [smem:$0x3FB3];
	_ =	sdelay $0x3  }
0x33: {  	p0 =	seq.s32 s10, $0x1;
	s10 =	sld [smem:$0x3FB5];
	_ =	sdelay $0x3  }
0x34: {  	[smem:$0x3FB5] =	sst s10  }
0x35: {  	s10 =	sld [smem:$0x3FB4];
	_ =	sdelay $0x3  }
0x36: {  	p1 =	seq.s32 s10, $0x1;
	s10 =	sld [smem:$0x3FB5];
	_ =	sdelay $0x3  }
0x37: {  	[smem:$0x3FB5] =	sst s10  }
0x38: {  	s10 =	sld [smem:$0x3FB6]  }
0x39: {  	_ = 	snop;
	(pc) =	sbr.ind lr, $3  }
0x3a: {  	_ = 	snop  }
0x3b: {  	_ = 	snop  }
0x3c: {  	p2 =	seq.s32 s10, $0x1;
	s10 =	sld [smem:$0x3FB5]  }
0x3d: {  	_ =	shalt  }
0x3e: {  	_ =	shalt  }
0x3f: {  	_ =	shalt  }
0x40: {  	_ =	shalt  }
0x41: {  	_ =	shalt  }
0x42: {  	_ =	shalt  }
0x43: {  	_ =	shalt  }
0x44: {  	_ =	shalt  }
0x45: {  	_ =	shalt  }
0x46: {  	_ =	shalt  }
0x47: {  	_ =	shalt  }
0x48: {  	_ =	shalt  }
0x49: {  	_ =	shalt  }
0x4a: {  	_ =	shalt  }
0x4b: {  	_ =	shalt  }
0x4c: {  	_ =	shalt  }
0x4d: {  	_ =	shalt  }
0x4e: {  	_ =	shalt  }
0x4f: {  	_ =	shalt  }
0x50: {  	_ =	shalt  }
0x51: {  	_ =	shalt  }
0x52: {  	_ =	shalt  }
0x53: {  	_ =	shalt  }
0x54: {  	_ =	shalt  }
0x55: {  	_ =	shalt  }
0x56: {  	_ =	shalt  }
0x57: {  	_ =	shalt  }
0x58: {  	_ =	shalt  }
0x59: {  	_ =	shalt  }
0x5a: {  	_ =	shalt  }
0x5b: {  	_ =	shalt  }
0x5c: {  	_ =	shalt  }
0x5d: {  	_ =	shalt  }
0x5e: {  	_ =	shalt  }
0x5f: {  	_ =	shalt  }
0x60: {  	_ =	shalt  }
0x61: {  	_ =	shalt  }
0x62: {  	_ =	shalt  }
0x63: {  	_ =	shalt  }
0x64: {  	_ =	shalt  }
0x65: {  	_ =	shalt  }
0x66: {  	_ =	shalt  }
0x67: {  	_ =	shalt  }
0x68: {  	_ =	shalt  }
0x69: {  	_ =	shalt  }
0x6a: {  	_ =	shalt  }
0x6b: {  	_ =	shalt  }
0x6c: {  	_ =	shalt  }
0x6d: {  	_ =	shalt  }
0x6e: {  	_ =	shalt  }
0x6f: {  	_ =	shalt  }
0x70: {  	_ =	shalt  }
0x71: {  	_ =	shalt  }
0x72: {  	_ =	shalt  }
0x73: {  	_ =	shalt  }
0x74: {  	_ =	shalt  }
0x75: {  	_ =	shalt  }
0x76: {  	_ =	shalt  }
0x77: {  	_ =	shalt  }
0x78: {  	_ =	shalt  }
0x79: {  	_ =	shalt  }
0x7a: {  	_ =	shalt  }
0x7b: {  	_ =	shalt  }
0x7c: {  	_ =	shalt  }
0x7d: {  	_ =	shalt  }
0x7e: {  	_ =	shalt  }
0x7f: {  	_ =	shalt  }
0x80: {  	_ =	shalt  }
0x81: {  	_ =	shalt  }
0x82: {  	_ =	shalt  }
0x83: {  	_ =	shalt  }
0x84: {  	_ =	shalt  }
0x85: {  	_ =	shalt  }
0x86: {  	_ =	shalt  }
0x87: {  	_ =	shalt  }
.Lfunc_end0:
.L_simem_size_0:
called_computation_lowered:
.L_overlay_start_0:
0x88: {  	s2 =	sld [smem:$0x3FD9]  }
0x89: {  	s3 =	sld [smem:$0x3FFE];
	_ =	sdelay $0x1  }
0x8a: {  	s1 =	srdreg.scid  }
0x8b: {  	s0 =	sand.u32 $0x1, s1  }
0x8c: {  	s14 =	sshll.u32 s0, $0xA;
	s2 =	sadd.s32 s3, s2  }
0x8d: {  	s2 =	sadd.s32 s2, s14  }
0x8e: {  	[smem:$0x3FC1] =	sst s2  }
0x8f: {  	_ = 	snop  }
0x90: {  	s2 =	sld [smem:$0x3FD0];
	_ =	sdelay $0x2  }
0x91: {  	s4 =	simm.s32 $0xD;
	s5 =	simm.s32 $0x10;
	s15 =	sld [smem:$0x3FC7]  }
0x92: {  	[smem:s5], [sflag:s4] =	dma.local [hbm:s2], $0x1  }
0x93: {  	_ =	swait.eq [sflag:s4], $0x1  }
0x94: {  	[sflag:s4] =	ssyncset.done $0x0  }
0x95: {  	[sflag:s4] =	ssyncadd.s32 $0xFFFFFFFF  }
0x96: {  	s16 =	sld [smem:$0x10];
	(tm) =	ssettm $0x1  }
0x97: {  	s17 =	sld [smem:$0x3FFB];
	_ =	sdelay $0x3  }
0x98: {  	_ =	strace s17  }
0x99: {  	s4 =	sld [smem:$0x3FFC];
	_ =	sdelay $0x3  }
0x9a: {  	_ =	strace s4  }
0x9b: {  	s4 =	sld [smem:$0x3FFD];
	_ =	sdelay $0x3  }
0x9c: {  	_ =	strace s4  }
0x9d: {  	_ =	strace $0x8FFFFFFF  }
0x9e: {  	s18 =	sld [smem:$0x3FDB];
	_ =	sdelay $0x1  }
0x9f: {  	s19 =	simm.s32 $_scs_section_size  }
0xa0: {  	s6 =	simm.s32 $_size__tile_overlayer_lowered;
	s7 =	simm.s32 $_tile_overlayer_lowered  }
0xa1: {  	s22 =	simm.s32 $0x1BFF;
	s21 =	sshll.u32 s7, $0x1;
	s4 =	sadd.s32 s19, s18  }
0xa2: {  	s8 =	simm.s32 $0x0;
	s20 =	sshll.u32 s6, $0x1;
	s6 =	sadd.s32 s21, s4  }
0xa3: {  	[timem:s8], [sflag:s22] =	dma.local [hbm:s6], s20  }
0xa4: {  	_ =	swait.ge [sflag:s22], s20  }
0xa5: {  	s5 =	ssub.s32 $0x0, s20;
	[sflag:s22] =	ssyncset.done $0x0  }
0xa6: {  	[sflag:s22] =	ssyncadd.s32 s5;
	_ =	sdelay $0x1  }
0xa7: {  	s23 =	simm.s32 $0x1B8B  }
0xa8: {  	_ =	swait.ge [sflag:s23], $0x1  }
0xa9: {  	[sflag:s23] =	ssyncset.done $0x0  }
0xaa: {  	s25 =	simm.s32 $0x1B8E;
	s24 =	sld [smem:$0x3FFE];
	[sflag:s23] =	ssyncadd.s32 $0xFFFFFFFF  }
0xab: {  	s26 =	simm.s32 $execute0_lowered;
	[smem:$0x3FD2] =	sst s25  }
0xac: {  	s6 =	sshll.u32 s26, $0x1;
	_ =	strace $0x80000046;
	[dreg:$0x1] =	wrdreg $0xFFFFFFFF  }
0xad: {  	s28 =	simm.s32 $_size_execute0_lowered;
	s4 =	sadd.s32 s4, s6;
	[dreg:$0x0] =	wrdreg $0x0  }
0xae: {  	s6 =	sshll.u32 s28, $0x1;
	[dreg:$0x2] =	wrdreg s4  }
0xaf: {  	[dreg:$0x3] =	wrdreg s6  }
0xb0: {  	[dreg:$0x4] =	wrdreg $0xC0  }
0xb1: {  	_ =	task [dreg:s8], $0x5FFFF  }
0xb2: {  	[dreg:$0x1] =	wrdreg $0xFFFFFFFF  }
0xb3: {  	[dreg:$0x0] =	wrdreg $0x60  }
0xb4: {  	[dreg:$0x2] =	wrdreg s24  }
0xb5: {  	[dreg:$0x3] =	wrdreg s15  }
0xb6: {  	[dreg:$0x4] =	wrdreg s16  }
0xb7: {  	[dreg:$0x5] =	wrdreg $0x9  }
0xb8: {  	_ =	task.clear_ibuf [dreg:s8], $0x6FFFF;
	_ =	strace $0x90000046  }
0xb9: {  	s29 =	simm.s32 $0x9;
	_ =	strace $0x80000048  }
0xba: {  	_ =	swait.ge [sflag:s29], $0x1  }
0xbb: {  	[sflag:s29] =	ssyncadd.s32 $0xFFFFFFFF  }
0xbc: {  	_ =	strace $0x90000048  }
0xbd: {  	_ =	sfence  }
0xbe: {  	s30 =	sld [smem:$0x0];
	_ =	sdelay $0x2  }
0xbf: {  	s31 =	sshll.u32 s1, $0xD;
	s1 =	sshrl.u32 s1, $0x2  }
0xc0: {  	s3 =	sand.u32 $0x4000, s31;
	s1 =	sadd.s32 s1, s30  }
0xc1: {  	s0 =	sor.u32 s3, s0;
	s1 =	sshll.u32 s1, $0x11  }
0xc2: {  	s0 =	sor.u32 s1, s0  }
0xc3: {  	s0 =	sadd.s32 $0x8F2B, s0  }
0xc4: {  	[sflag:s0] =	ssyncadd.remote.s32 $0x1  }
0xc5: {  	_ =	sfence.sel $0xFFFF  }
0xc6: {  	[dreg:$0x0] =	wrdreg $0xFFFFFFFF;
	(pc) =	sbr.abs _section_cstart, $3  }
0xc7: {  	[dreg:$0x1] =	wrdreg $0xFFFFFFFF  }
0xc8: {  	_ =	task.clear_ibuf [dreg:s8], $0x2FFFF;
	_ =	strace $0x9FFFFFFF  }
0xc9: {  	(tm) =	ssettm $0x7FFFFFFF  }
tec
execute0_lowered:
.L_overlay_start_1:
0x0: {  	(tag) =	ssettag $0x1  }
0x1: {  	s1 =	srdreg.scid;
	s4 =	rddreg [dreg:$0x0]  }
0x2: {  	s0 =	stileid.u32;
	s2 =	rddreg [dreg:$0x1];
	s1 =	sand.u32 $0x1, s1  }
0x3: {  	s6 =	rddreg [dreg:$0x2];
	s3 =	sshll.u32 s0, $0x7;
	s5 =	sshll.u32 s1, $0x6  }
0x4: {  	s14 =	simm.s32 $0x880;
	s5 =	sor.u32 s5, s3;
	s3 =	simm.s32 $0x0  }
0x5: {  	s15 =	simm.s32 $0x1080;
	s16 =	simm.s32 $0x1880;
	[smem:$0x7FF] =	sst s3  }
0x6: {  	s17 =	simm.s32 $0x2080;
	_ =	strace $0x80000047;
	[dreg:$0x6] =	wrdreg s14  }
0x7: {  	s18 =	simm.s32 $0x2880;
	s19 =	simm.s32 $0x3080;
	[dreg:$0x7] =	wrdreg s15  }
0x8: {  	s20 =	simm.s32 $0x3880;
	s21 =	simm.s32 $0x4080;
	[dreg:$0x8] =	wrdreg s16  }
0x9: {  	s23 =	simm.s32 $0x4880;
	s24 =	simm.s32 $0x5080;
	[dreg:$0x9] =	wrdreg s17  }
0xa: {  	s25 =	simm.s32 $0x5880;
	s8 =	simm.s32 $0x6080;
	[dreg:$0xa] =	wrdreg s18  }
0xb: {  	s9 =	simm.s32 $0x6880;
	s26 =	simm.s32 $0x7080;
	[dreg:$0xb] =	wrdreg s19  }
0xc: {  	s10 =	simm.s32 $0x80;
	s12 =	simm.s32 $0x8080;
	[dreg:$0xc] =	wrdreg s20  }
0xd: {  	s13 =	simm.s32 $0x8880;
	s28 =	simm.s32 $0xF880;
	[dreg:$0xd] =	wrdreg s21  }
0xe: {  	s29 =	simm.s32 $0x1;
	s30 =	simm.s32 $0x2;
	[dreg:$0xe] =	wrdreg s23  }
0xf: {  	s31 =	simm.s32 $0x3;
	s1 =	ssub.s32 $0x2, s1;
	[dreg:$0xf] =	wrdreg s24  }
0x10: {  	s22 =	sshrl.u32 s1, $0x1;
	s7 =	sshrl.u32 s5, $0x3;
	[dreg:$0x10] =	wrdreg s25  }
0x11: {  	s5 =	sshll.u32 s5, $0x7;
	s1 =	ssub.s32 s1, s22;
	[dreg:$0x11] =	wrdreg s8  }
0x12: {  	s22 =	simm.s32 $0xD080;
	s4 =	sadd.s32 s7, s4;
	[dreg:$0x12] =	wrdreg s9  }
0x13: {  	s8 =	smax.u32 s1, $0x1;
	s9 =	simm.s32 $0x5;
	[dreg:$0x13] =	wrdreg s26  }
0x14: {  	s14 =	simm.s32 $0x9080;
	s15 =	simm.s32 $0x9880;
	s16 =	simm.s32 $0xA080  }
0x15: {  	s17 =	simm.s32 $0xA880;
	s18 =	simm.s32 $0xB080;
	s19 =	simm.s32 $0xB880  }
0x16: {  	s20 =	simm.s32 $0xC080;
	s21 =	simm.s32 $0xC880;
	s23 =	simm.s32 $0xD880  }
0x17: {  	s24 =	simm.s32 $0xE080;
	s25 =	simm.s32 $0xE880;
	s26 =	simm.s32 $0xF080  }
0x18: {  	v2 =	vlaneseq.u32;
	s1 =	simm.s32 $0x4;
	s7 =	sadd.s32 $0x2400, s4;
	s4 =	sadd.s32 s6, s5  }
0x19: {  	vm0 =	vmmov $0xffff;
	v1 =	vshrl.u32 v2, $0x3;
	s6 =	sadd.s32 $0x200, s2;
	[dreg:$0x4] =	wrdreg s7;
	s5 =	sadd.s32 $0x1000, s4  }
0x1a: {  	v0 =	vand.u32 $0x7, v2;
	v2 =	vor.u32 $0x8, v2;
	v1 =	vmul.u32 $0x8, v1;
	s7 =	sadd.s32 $0x300, s2;
	[dreg:$0x5] =	wrdreg s5;
	s5 =	sadd.s32 $0x100, s2  }
.LBB2_1:
0x1b: {  	s0 =	rddreg [dreg:$0x4]  }
0x1c: {  	[tilespmem:s3], [sflag:$0x5] =	stream.linear.gather [hbm4b:s0+s3], $0x40, $0x38;
	[tilespmem:$0x18080] =	vst v63  }
0x1d: {  	_ =	swait.ge [sflag:s9], $0x40  }
0x1e: {  	[sflag:s9] =	ssyncset.done $0x0  }
0x1f: {  	[sflag:s9] =	ssyncadd.s32 $0xFFFFFFC0  }
0x20: {  	v3 =	vld [tilespmem:$0x0];
	_ =	sdelay $0x4  }
0x21: {  	v4 =	vshll.u32 v3, $0x3  }
0x22: {  	v3 =	vand.u32 $0x7, v3;
	v4 =	vand.u32 $0xFFFFFFC0, v4  }
0x23: {  	v3 =	vor.u32 v3, v4  }
0x24: {  	v4 =	vperm.xlane v3, v0;
	_ =	sdelay $0x1  }
0x25: {  	v4 =	vadd.s32 v1, v4;
	_ =	sdelay $0x4  }
0x26: {  	[tilespmem:s10], [sflag:$0x1] =	stream.indirect_vreg.gather [hbm4b:s2+s3], $0x80, v4, vm0, $0xb8;
	[tilespmem:$0x18080] =	vst v63  }
0x27: {  	s0 =	rddreg [dreg:$0x6];
	v3 =	vperm.xlane v3, v2  }
0x28: {  	[tilespmem:s0], [sflag:$0x1] =	stream.indirect_vreg.gather [hbm4b:s5+s3], $0x80, v4, vm0, $0xb8;
	[tilespmem:$0x18080] =	vst v63  }
0x29: {  	s11 =	rddreg [dreg:$0x7];
	v3 =	vadd.s32 v1, v3  }
0x2a: {  	[tilespmem:s11], [sflag:$0x1] =	stream.indirect_vreg.gather [hbm4b:s6+s3], $0x80, v4, vm0, $0xb8;
	[tilespmem:$0x18080] =	vst v63  }
0x2b: {  	s0 =	rddreg [dreg:$0x8]  }
0x2c: {  	[tilespmem:s0], [sflag:$0x1] =	stream.indirect_vreg.gather [hbm4b:s7+s3], $0x80, v4, vm0, $0xb8;
	[tilespmem:$0x18080] =	vst v63  }
0x2d: {  	s11 =	rddreg [dreg:$0x9]  }
0x2e: {  	[tilespmem:s11], [sflag:$0x1] =	stream.indirect_vreg.gather [hbm4b:s2+s3], $0x80, v3, vm0, $0xb8;
	[tilespmem:$0x18080] =	vst v63  }
0x2f: {  	s0 =	rddreg [dreg:$0xa]  }
0x30: {  	[tilespmem:s0], [sflag:$0x1] =	stream.indirect_vreg.gather [hbm4b:s5+s3], $0x80, v3, vm0, $0xb8;
	[tilespmem:$0x18080] =	vst v63  }
0x31: {  	s11 =	rddreg [dreg:$0xb]  }
0x32: {  	[tilespmem:s11], [sflag:$0x1] =	stream.indirect_vreg.gather [hbm4b:s6+s3], $0x80, v3, vm0, $0xb8;
	[tilespmem:$0x18080] =	vst v63  }
0x33: {  	s0 =	rddreg [dreg:$0xc]  }
0x34: {  	[tilespmem:s0], [sflag:$0x1] =	stream.indirect_vreg.gather [hbm4b:s7+s3], $0x80, v3, vm0, $0xb8;
	[tilespmem:$0x18080] =	vst v63  }
0x35: {  	v3 =	vld [tilespmem:$0x10];
	_ =	sdelay $0x4  }
0x36: {  	v61 =	vshll.u32 v3, $0x3  }
0x37: {  	v3 =	vand.u32 $0x7, v3;
	v4 =	vand.u32 $0xFFFFFFC0, v61  }
0x38: {  	v3 =	vor.u32 v3, v4  }
0x39: {  	v4 =	vperm.xlane v3, v0;
	_ =	sdelay $0x1  }
0x3a: {  	v4 =	vadd.s32 v1, v4;
	_ =	sdelay $0x3  }
0x3b: {  	s0 =	rddreg [dreg:$0xd]  }
0x3c: {  	[tilespmem:s0], [sflag:$0x1] =	stream.indirect_vreg.gather [hbm4b:s2+s3], $0x80, v4, vm0, $0xb8;
	[tilespmem:$0x18080] =	vst v63  }
0x3d: {  	s11 =	rddreg [dreg:$0xe];
	v3 =	vperm.xlane v3, v2  }
0x3e: {  	[tilespmem:s11], [sflag:$0x1] =	stream.indirect_vreg.gather [hbm4b:s5+s3], $0x80, v4, vm0, $0xb8;
	[tilespmem:$0x18080] =	vst v63  }
0x3f: {  	v3 =	vadd.s32 v1, v3;
	s0 =	rddreg [dreg:$0xf]  }
0x40: {  	[tilespmem:s0], [sflag:$0x1] =	stream.indirect_vreg.gather [hbm4b:s6+s3], $0x80, v4, vm0, $0xb8;
	[tilespmem:$0x18080] =	vst v63  }
0x41: {  	s11 =	rddreg [dreg:$0x10]  }
0x42: {  	[tilespmem:s11], [sflag:$0x1] =	stream.indirect_vreg.gather [hbm4b:s7+s3], $0x80, v4, vm0, $0xb8;
	[tilespmem:$0x18080] =	vst v63  }
0x43: {  	s0 =	rddreg [dreg:$0x11]  }
0x44: {  	[tilespmem:s0], [sflag:$0x1] =	stream.indirect_vreg.gather [hbm4b:s2+s3], $0x80, v3, vm0, $0xb8;
	[tilespmem:$0x18080] =	vst v63  }
0x45: {  	s11 =	rddreg [dreg:$0x12]  }
0x46: {  	[tilespmem:s11], [sflag:$0x1] =	stream.indirect_vreg.gather [hbm4b:s5+s3], $0x80, v3, vm0, $0xb8;
	[tilespmem:$0x18080] =	vst v63  }
0x47: {  	s0 =	rddreg [dreg:$0x13]  }
0x48: {  	[tilespmem:s0], [sflag:$0x1] =	stream.indirect_vreg.gather [hbm4b:s6+s3], $0x80, v3, vm0, $0xb8;
	[tilespmem:$0x18080] =	vst v63  }
0x49: {  	s11 =	simm.s32 $0x7880  }
0x4a: {  	[tilespmem:s11], [sflag:$0x1] =	stream.indirect_vreg.gather [hbm4b:s7+s3], $0x80, v3, vm0, $0xb8;
	[tilespmem:$0x18080] =	vst v63  }
0x4b: {  	v3 =	vld [tilespmem:$0x20];
	_ =	sdelay $0x4  }
0x4c: {  	v62 =	vshll.u32 v3, $0x3  }
0x4d: {  	v3 =	vand.u32 $0x7, v3;
	v4 =	vand.u32 $0xFFFFFFC0, v62  }
0x4e: {  	v3 =	vor.u32 v3, v4  }
0x4f: {  	v4 =	vperm.xlane v3, v0;
	_ =	sdelay $0x1  }
0x50: {  	v4 =	vadd.s32 v1, v4;
	_ =	sdelay $0x4  }
0x51: {  	[tilespmem:s12], [sflag:$0x2] =	stream.indirect_vreg.gather [hbm4b:s2+s3], $0x80, v4, vm0, $0xb8;
	[tilespmem:$0x18080] =	vst v63  }
0x52: {  	v3 =	vperm.xlane v3, v2  }
0x53: {  	[tilespmem:s13], [sflag:$0x2] =	stream.indirect_vreg.gather [hbm4b:s5+s3], $0x80, v4, vm0, $0xb8;
	[tilespmem:$0x18080] =	vst v63  }
0x54: {  	v3 =	vadd.s32 v1, v3  }
0x55: {  	[tilespmem:s14], [sflag:$0x2] =	stream.indirect_vreg.gather [hbm4b:s6+s3], $0x80, v4, vm0, $0xb8;
	[tilespmem:$0x18080] =	vst v63  }
0x56: {  	_ = 	snop  }
0x57: {  	[tilespmem:s15], [sflag:$0x2] =	stream.indirect_vreg.gather [hbm4b:s7+s3], $0x80, v4, vm0, $0xb8;
	[tilespmem:$0x18080] =	vst v63  }
0x58: {  	_ = 	snop  }
0x59: {  	[tilespmem:s16], [sflag:$0x2] =	stream.indirect_vreg.gather [hbm4b:s2+s3], $0x80, v3, vm0, $0xb8;
	[tilespmem:$0x18080] =	vst v63  }
0x5a: {  	_ = 	snop  }
0x5b: {  	[tilespmem:s17], [sflag:$0x2] =	stream.indirect_vreg.gather [hbm4b:s5+s3], $0x80, v3, vm0, $0xb8;
	[tilespmem:$0x18080] =	vst v63  }
0x5c: {  	_ = 	snop  }
0x5d: {  	[tilespmem:s18], [sflag:$0x2] =	stream.indirect_vreg.gather [hbm4b:s6+s3], $0x80, v3, vm0, $0xb8;
	[tilespmem:$0x18080] =	vst v63  }
0x5e: {  	_ = 	snop  }
0x5f: {  	[tilespmem:s19], [sflag:$0x2] =	stream.indirect_vreg.gather [hbm4b:s7+s3], $0x80, v3, vm0, $0xb8;
	[tilespmem:$0x18080] =	vst v63  }
0x60: {  	v3 =	vld [tilespmem:$0x30];
	_ =	sdelay $0x4  }
0x61: {  	v63 =	vshll.u32 v3, $0x3  }
0x62: {  	v3 =	vand.u32 $0x7, v3;
	v4 =	vand.u32 $0xFFFFFFC0, v63  }
0x63: {  	v3 =	vor.u32 v3, v4  }
0x64: {  	v4 =	vperm.xlane v3, v0;
	_ =	sdelay $0x1  }
0x65: {  	v4 =	vadd.s32 v1, v4;
	_ =	sdelay $0x4  }
0x66: {  	[tilespmem:s20], [sflag:$0x2] =	stream.indirect_vreg.gather [hbm4b:s2+s3], $0x80, v4, vm0, $0xb8;
	[tilespmem:$0x18080] =	vst v63  }
0x67: {  	v3 =	vperm.xlane v3, v2  }
0x68: {  	[tilespmem:s21], [sflag:$0x2] =	stream.indirect_vreg.gather [hbm4b:s5+s3], $0x80, v4, vm0, $0xb8;
	[tilespmem:$0x18080] =	vst v63  }
0x69: {  	v3 =	vadd.s32 v1, v3  }
0x6a: {  	[tilespmem:s22], [sflag:$0x2] =	stream.indirect_vreg.gather [hbm4b:s6+s3], $0x80, v4, vm0, $0xb8;
	[tilespmem:$0x18080] =	vst v63  }
0x6b: {  	_ = 	snop  }
0x6c: {  	[tilespmem:s23], [sflag:$0x2] =	stream.indirect_vreg.gather [hbm4b:s7+s3], $0x80, v4, vm0, $0xb8;
	[tilespmem:$0x18080] =	vst v63  }
0x6d: {  	_ = 	snop  }
0x6e: {  	[tilespmem:s24], [sflag:$0x2] =	stream.indirect_vreg.gather [hbm4b:s2+s3], $0x80, v3, vm0, $0xb8;
	[tilespmem:$0x18080] =	vst v63  }
0x6f: {  	_ = 	snop  }
0x70: {  	[tilespmem:s25], [sflag:$0x2] =	stream.indirect_vreg.gather [hbm4b:s5+s3], $0x80, v3, vm0, $0xb8;
	[tilespmem:$0x18080] =	vst v63  }
0x71: {  	_ = 	snop  }
0x72: {  	[tilespmem:s26], [sflag:$0x2] =	stream.indirect_vreg.gather [hbm4b:s6+s3], $0x80, v3, vm0, $0xb8;
	[tilespmem:$0x18080] =	vst v63  }
0x73: {  	_ = 	snop  }
0x74: {  	[tilespmem:s28], [sflag:$0x2] =	stream.indirect_vreg.gather [hbm4b:s7+s3], $0x80, v3, vm0, $0xb8;
	[tilespmem:$0x18080] =	vst v63  }
0x75: {  	_ =	swait.ge [sflag:s29], $0x8000  }
0x76: {  	[sflag:s29] =	ssyncset.done $0x0  }
0x77: {  	[sflag:s29] =	ssyncadd.s32 $0xFFFF8000  }
0x78: {  	[hbm4b:s4+s3] =	stream.linear.scatter [tilespmem:s10], [sflag:$0x3], $0x8000, $0x38;
	[tilespmem:$0x18080] =	vst v63  }
0x79: {  	_ =	swait.ge [sflag:s30], $0x8000  }
0x7a: {  	[sflag:s30] =	ssyncset.done $0x0  }
0x7b: {  	s11 =	rddreg [dreg:$0x5];
	[sflag:s30] =	ssyncadd.s32 $0xFFFF8000  }
0x7c: {  	[hbm4b:s11+s3] =	stream.linear.scatter [tilespmem:s12], [sflag:$0x4], $0x8000, $0x38;
	[tilespmem:$0x18080] =	vst v63  }
0x7d: {  	p0 =	sne.s32 s8, $0x1;
	_ =	swait.ge [sflag:s31], $0x8000  }
.Ltmp0:
0x7e: {  	[sflag:s31] =	ssyncset.done $0x0;
	(pc) =	sbr.rel @p0 .LBB2_1-.Ltmp0, $4  }
0x7f: {  	[sflag:s31] =	ssyncadd.s32 $0xFFFF8000  }
0x80: {  	_ =	swait.ge [sflag:s1], $0x8000  }
0x81: {  	[sflag:s1] =	ssyncset.done $0x0  }
0x82: {  	s8 =	sadd.s32 $0xFFFFFFFF, s8;
	[sflag:s1] =	ssyncadd.s32 $0xFFFF8000  }
0x83: {  	_ =	sfence.sel $0x180000  }
0x84: {  	[bflag:$0x0] =	sbarrier.arrive $0xFFFF  }
0x85: {  	_ =	strace $0x90000047  }
0x86: {  	s0 =	stileid.u32;
	[bflag:$0x2] =	sbarrier.arrive $0xFFFF  }
0x87: {  	p0 =	sne.s32 s0, $0x0;
	s0 =	rddreg [dreg:$0x3]  }
0x88: {  	s0 =	sadd.s32 @!p0 $0x100000, s0  }
0x89: {  	[sflag:s0] =	ssyncadd.tile.s32 @!p0 $0x1;
	_ =	shalt  }
.Lfunc_end2:
_tile_overlayer_lowered:
.L_overlay_start_2:
0x8a: {  	(tag) =	ssettag $0x2  }
0x8b: {  	s0 =	rddreg [dreg:$0x0];
	s2 =	stileid.u32  }
0x8c: {  	s1 =	rddreg [dreg:$0x1];
	p0 =	sne.s32 s2, $0x0  }
0x8d: {  	s3 =	rddreg [dreg:$0x2];
	[bflag:$0x3] =	sbarrier.arrive $0xFFFF;
	s2 =	simm.s32 @!p0 $0x1C05  }
0x8e: {  	[timem:s3], [sflag:s2] =	dma.local @!p0 [hbm:s0], s1  }
0x8f: {  	s0 =	simm.s32 @!p0 $0x5  }
0x90: {  	_ =	swait.ge @!p0 [sflag:s0], s1  }
0x91: {  	s1 =	ssub.s32 @!p0 $0x0, s1;
	[sflag:s0] =	ssyncset.done @!p0 $0x0  }
0x92: {  	[sflag:s0] =	ssyncadd.s32 @!p0 s1  }
0x93: {  	[bflag:$0x3] =	sbarrier.arrive $0xFFFF  }
0x94: {  	_ =	shalt  }

// kernel: kernel.14.cloned.1.call-start
scs
__scs_entry_jumppad:
0x0: {  	(pc) =	sbr.rel $0x88, $3  }
0x1: {  	(tag) =	ssettag $0x0;
	lr =	simm.s32 $0x1  }
0x2: {  	[smem:$0x3F9A] =	sst lr;
	_ =	strace $0xD0000000  }
0x3: {  	_ = 	snop  }
0x4: {  	_ = 	snop  }
0x5: {  	_ = 	snop  }
0x6: {  	_ = 	snop  }
0x7: {  	_ = 	snop  }
__scs_overlays_trampoline_lowered:
0x8: {  	[smem:$0x3FA9] =	sst s0  }
0x9: {  	[smem:$0x3FAA] =	sst s1  }
0xa: {  	[smem:$0x3FAB] =	sst s2  }
0xb: {  	[smem:$0x3FAC] =	sst s3  }
0xc: {  	[smem:$0x3FAD] =	sst s4  }
0xd: {  	[smem:$0x3FAE] =	sst s5  }
0xe: {  	[smem:$0x3FAF] =	sst s6  }
0xf: {  	[smem:$0x3FB0] =	sst s7  }
0x10: {  	[smem:$0x3FB1] =	sst s8  }
0x11: {  	[smem:$0x3FB2] =	sst s9;
	s0 =	simm.s32 @!p0 $0x0  }
0x12: {  	s1 =	sld [smem:$0x3F98];
	s0 =	simm.s32 @p0 $0x1  }
0x13: {  	[smem:$0x3FB3] =	sst s0;
	s0 =	simm.s32 @!p1 $0x0  }
0x14: {  	s2 =	sld [smem:$0x3F97];
	s0 =	simm.s32 @p1 $0x1  }
0x15: {  	[smem:$0x3FB4] =	sst s0;
	s0 =	simm.s32 @!p2 $0x0  }
0x16: {  	s3 =	sld [smem:$0x3FDB];
	s0 =	simm.s32 @p2 $0x1  }
0x17: {  	s4 =	simm.s32 $0x1BF5;
	[smem:$0x3FB6] =	sst s0  }
0x18: {  	s0 =	sld [smem:$0x3F99];
	_ =	swait.ge [sflag:s4], $0x0  }
0x19: {  	s7 =	sld [smem:$0x3F9A]  }
0x1a: {  	s8 =	sadd.s32 $0xFFFFE003, lr  }
0x1b: {  	s9 =	sadd.s32 $0xFFFFFEF7, lr;
	s5 =	simm.s32 $0xFFFFFFFF;
	p2 =	slt.u32 s8, $0xFFFFF086  }
0x1c: {  	p1 =	slt.u32 s9, $0xF7A;
	s5 =	simm.s32 @!p2 $0x0  }
0x1d: {  	s5 =	simm.s32 @p1 $0x1;
	p0 =	seq.s32 s7, s2  }
0x1e: {  	s7 =	smul.u32 @!p0 $0xF7A, s2;
	p2 =	seq.s32 @!p0 s5, $0x0  }
0x1f: {  	s9 =	smul.u32 $0xF7A, s1;
	s8 =	simm.s32 @!p0 $0x1BF5;
	p2 =	por !p2, p0  }
0x20: {  	[sflag:s8] =	ssyncset.s32 @!p0 $0xFFFFF086;
	s6 =	sadd.s32 @!p0 s3, s7;
	s7 =	simm.s32 @!p0 $0x108  }
0x21: {  	s3 =	sadd.s32 s3, s9;
	s6 =	sadd.s32 @!p0 $0x88, s6;
	s7 =	simm.s32 @p2 $0x1082  }
0x22: {  	[simem:s7], [sflag:s8] =	dma.local @!p0 [hbm:s6], $0xF7A  }
0x23: {  	s9 =	sor.u32 $0xD0000000, s2;
	s6 =	simm.s32 $0x108;
	_ =	swait.ge @!p0 [sflag:s8], $0x0  }
0x24: {  	s3 =	sadd.s32 $0x88, s3;
	s6 =	simm.s32 @!p1 $0x1082;
	[sflag:s4] =	ssyncset.s32 $0xFFFFF086  }
0x25: {  	[simem:s6], [sflag:s4] =	dma.local [hbm:s3], $0xF7A  }
0x26: {  	[smem:$0x3F9A] =	sst s1;
	(tag) =	ssettag s2;
	_ =	strace s9  }
0x27: {  	s1 =	sld [smem:$0x3FAA]  }
0x28: {  	s2 =	sld [smem:$0x3FAB]  }
0x29: {  	s4 =	sld [smem:$0x3FAD]  }
0x2a: {  	p0 =	seq.s32 s5, $0x0;
	s5 =	sld [smem:$0x3FAE]  }
0x2b: {  	s6 =	sld [smem:$0x3FAF]  }
0x2c: {  	s7 =	sld [smem:$0x3FB0]  }
0x2d: {  	s3 =	simm.s32 $0x108;
	s8 =	sld [smem:$0x3FB1]  }
0x2e: {  	s3 =	simm.s32 @!p0 $0x1082;
	s9 =	sld [smem:$0x3FB2]  }
0x2f: {  	lr =	sadd.s32 s0, s3;
	s0 =	sld [smem:$0x3FA9]  }
0x30: {  	s3 =	sld [smem:$0x3FAC]  }
0x31: {  	[smem:$0x3FB5] =	sst s10  }
0x32: {  	s10 =	sld [smem:$0x3FB3];
	_ =	sdelay $0x3  }
0x33: {  	p0 =	seq.s32 s10, $0x1;
	s10 =	sld [smem:$0x3FB5];
	_ =	sdelay $0x3  }
0x34: {  	[smem:$0x3FB5] =	sst s10  }
0x35: {  	s10 =	sld [smem:$0x3FB4];
	_ =	sdelay $0x3  }
0x36: {  	p1 =	seq.s32 s10, $0x1;
	s10 =	sld [smem:$0x3FB5];
	_ =	sdelay $0x3  }
0x37: {  	[smem:$0x3FB5] =	sst s10  }
0x38: {  	s10 =	sld [smem:$0x3FB6]  }
0x39: {  	_ = 	snop;
	(pc) =	sbr.ind lr, $3  }
0x3a: {  	_ = 	snop  }
0x3b: {  	_ = 	snop  }
0x3c: {  	p2 =	seq.s32 s10, $0x1;
	s10 =	sld [smem:$0x3FB5]  }
0x3d: {  	_ =	shalt  }
0x3e: {  	_ =	shalt  }
0x3f: {  	_ =	shalt  }
0x40: {  	_ =	shalt  }
0x41: {  	_ =	shalt  }
0x42: {  	_ =	shalt  }
0x43: {  	_ =	shalt  }
0x44: {  	_ =	shalt  }
0x45: {  	_ =	shalt  }
0x46: {  	_ =	shalt  }
0x47: {  	_ =	shalt  }
0x48: {  	_ =	shalt  }
0x49: {  	_ =	shalt  }
0x4a: {  	_ =	shalt  }
0x4b: {  	_ =	shalt  }
0x4c: {  	_ =	shalt  }
0x4d: {  	_ =	shalt  }
0x4e: {  	_ =	shalt  }
0x4f: {  	_ =	shalt  }
0x50: {  	_ =	shalt  }
0x51: {  	_ =	shalt  }
0x52: {  	_ =	shalt  }
0x53: {  	_ =	shalt  }
0x54: {  	_ =	shalt  }
0x55: {  	_ =	shalt  }
0x56: {  	_ =	shalt  }
0x57: {  	_ =	shalt  }
0x58: {  	_ =	shalt  }
0x59: {  	_ =	shalt  }
0x5a: {  	_ =	shalt  }
0x5b: {  	_ =	shalt  }
0x5c: {  	_ =	shalt  }
0x5d: {  	_ =	shalt  }
0x5e: {  	_ =	shalt  }
0x5f: {  	_ =	shalt  }
0x60: {  	_ =	shalt  }
0x61: {  	_ =	shalt  }
0x62: {  	_ =	shalt  }
0x63: {  	_ =	shalt  }
0x64: {  	_ =	shalt  }
0x65: {  	_ =	shalt  }
0x66: {  	_ =	shalt  }
0x67: {  	_ =	shalt  }
0x68: {  	_ =	shalt  }
0x69: {  	_ =	shalt  }
0x6a: {  	_ =	shalt  }
0x6b: {  	_ =	shalt  }
0x6c: {  	_ =	shalt  }
0x6d: {  	_ =	shalt  }
0x6e: {  	_ =	shalt  }
0x6f: {  	_ =	shalt  }
0x70: {  	_ =	shalt  }
0x71: {  	_ =	shalt  }
0x72: {  	_ =	shalt  }
0x73: {  	_ =	shalt  }
0x74: {  	_ =	shalt  }
0x75: {  	_ =	shalt  }
0x76: {  	_ =	shalt  }
0x77: {  	_ =	shalt  }
0x78: {  	_ =	shalt  }
0x79: {  	_ =	shalt  }
0x7a: {  	_ =	shalt  }
0x7b: {  	_ =	shalt  }
0x7c: {  	_ =	shalt  }
0x7d: {  	_ =	shalt  }
0x7e: {  	_ =	shalt  }
0x7f: {  	_ =	shalt  }
0x80: {  	_ =	shalt  }
0x81: {  	_ =	shalt  }
0x82: {  	_ =	shalt  }
0x83: {  	_ =	shalt  }
0x84: {  	_ =	shalt  }
0x85: {  	_ =	shalt  }
0x86: {  	_ =	shalt  }
0x87: {  	_ =	shalt  }
.Lfunc_end0:
.L_simem_size_0:
called_computation.1_lowered:
.L_overlay_start_0:
0x88: {  	s2 =	sld [smem:$0x3FD9]  }
0x89: {  	s3 =	sld [smem:$0x3FFE];
	_ =	sdelay $0x1  }
0x8a: {  	s1 =	srdreg.scid  }
0x8b: {  	s0 =	sand.u32 $0x1, s1  }
0x8c: {  	s17 =	sshll.u32 s0, $0xA;
	s2 =	sadd.s32 s3, s2  }
0x8d: {  	s2 =	sadd.s32 s2, s17  }
0x8e: {  	[smem:$0x3FC1] =	sst s2  }
0x8f: {  	_ = 	snop  }
0x90: {  	s18 =	sld [smem:$0x3FC7];
	(tm) =	ssettm $0x1  }
0x91: {  	s19 =	sld [smem:$0x3FFB];
	_ =	sdelay $0x3  }
0x92: {  	_ =	strace s19  }
0x93: {  	s2 =	sld [smem:$0x3FFC];
	_ =	sdelay $0x3  }
0x94: {  	_ =	strace s2  }
0x95: {  	s2 =	sld [smem:$0x3FFD];
	_ =	sdelay $0x3  }
0x96: {  	_ =	strace s2  }
0x97: {  	_ =	strace $0x8FFFFFFF  }
0x98: {  	s20 =	sld [smem:$0x3FDB];
	_ =	sdelay $0x1  }
0x99: {  	s4 =	simm.s32 $_scs_section_size  }
0x9a: {  	s5 =	simm.s32 $_size__tile_overlayer_lowered;
	s6 =	simm.s32 $_tile_overlayer_lowered  }
0x9b: {  	s7 =	simm.s32 $0x1BFF;
	s21 =	sshll.u32 s6, $0x1;
	s4 =	sadd.s32 s4, s20  }
0x9c: {  	s22 =	simm.s32 $0x0;
	s5 =	sshll.u32 s5, $0x1;
	s6 =	sadd.s32 s21, s4  }
0x9d: {  	[timem:s22], [sflag:s7] =	dma.local [hbm:s6], s5  }
0x9e: {  	_ =	swait.ge [sflag:s7], s5  }
0x9f: {  	s5 =	ssub.s32 $0x0, s5;
	[sflag:s7] =	ssyncset.done $0x0  }
0xa0: {  	[sflag:s7] =	ssyncadd.s32 s5;
	_ =	sdelay $0x1  }
0xa1: {  	s23 =	simm.s32 $0x1B8B  }
0xa2: {  	_ =	swait.ge [sflag:s23], $0x1  }
0xa3: {  	[sflag:s23] =	ssyncset.done $0x0  }
0xa4: {  	[sflag:s23] =	ssyncadd.s32 $0xFFFFFFFF  }
0xa5: {  	s5 =	sld [smem:$0x0]  }
0xa6: {  	s6 =	sand.u32 $0xFFFFFFFE, s1  }
0xa7: {  	p0 =	sne.s32 s1, s6  }
0xa8: {  	s6 =	sshll.u32 @p0 s6, $0xE  }
0xa9: {  	s6 =	sadd.s32 @p0 $0x11B8D, s6;
	s7 =	sshll.u32 @p0 s5, $0x11  }
0xaa: {  	s6 =	sor.u32 @p0 s7, s6  }
0xab: {  	[sflag:s6] =	ssyncadd.remote.s32 @p0 $0x1;
	_ =	sdelay $0x1  }
0xac: {  	s6 =	simm.s32 @p0 $0x1B8D  }
0xad: {  	_ =	swait.eq @p0 [sflag:s6], $0x1  }
0xae: {  	[sflag:s6] =	ssyncadd.s32 @p0 $0xFFFFFFFF  }
0xaf: {  	s7 =	sshll.u32 @!p0 s1, $0xE  }
0xb0: {  	s7 =	sor.u32 @!p0 $0x4000, s7;
	s6 =	simm.s32 @!p0 $0x1B8D  }
0xb1: {  	s5 =	sshll.u32 @!p0 s5, $0x11;
	s7 =	sadd.s32 @!p0 $0x11B8D, s7;
	_ =	swait.eq @!p0 [sflag:s6], $0x1  }
0xb2: {  	s5 =	sor.u32 @!p0 s5, s7;
	[sflag:s6] =	ssyncadd.s32 @!p0 $0xFFFFFFFF  }
0xb3: {  	s25 =	simm.s32 $0x1B8E;
	s24 =	sld [smem:$0x3FFE];
	[sflag:s5] =	ssyncadd.remote.s32 @!p0 $0x1  }
0xb4: {  	s26 =	simm.s32 $execute0_lowered;
	[smem:$0x3FD2] =	sst s25  }
0xb5: {  	s6 =	sshll.u32 s26, $0x1;
	_ =	strace $0x80000049;
	[dreg:$0x1] =	wrdreg $0xFFFFFFFF  }
0xb6: {  	s28 =	simm.s32 $_size_execute0_lowered;
	s4 =	sadd.s32 s4, s6;
	[dreg:$0x0] =	wrdreg $0x0  }
0xb7: {  	s6 =	sshll.u32 s28, $0x1;
	[dreg:$0x2] =	wrdreg s4  }
0xb8: {  	[dreg:$0x3] =	wrdreg s6  }
0xb9: {  	[dreg:$0x4] =	wrdreg $0xC0  }
0xba: {  	_ =	task [dreg:s22], $0x5FFFF  }
0xbb: {  	[dreg:$0x1] =	wrdreg $0xFFFFFFFF  }
0xbc: {  	[dreg:$0x0] =	wrdreg $0x60  }
0xbd: {  	[dreg:$0x2] =	wrdreg s24  }
0xbe: {  	[dreg:$0x3] =	wrdreg s18  }
0xbf: {  	[dreg:$0x4] =	wrdreg $0xA  }
0xc0: {  	_ =	task.clear_ibuf [dreg:s22], $0x5FFFF;
	_ =	strace $0x90000049  }
0xc1: {  	s29 =	simm.s32 $0xA;
	_ =	strace $0x8000004B  }
0xc2: {  	_ =	swait.ge [sflag:s29], $0x1  }
0xc3: {  	[sflag:s29] =	ssyncadd.s32 $0xFFFFFFFF  }
0xc4: {  	_ =	strace $0x9000004B  }
0xc5: {  	_ =	sfence  }
0xc6: {  	s30 =	sld [smem:$0x0];
	_ =	sdelay $0x2  }
0xc7: {  	s31 =	sshll.u32 s1, $0xD;
	s1 =	sshrl.u32 s1, $0x2  }
0xc8: {  	s4 =	sand.u32 $0x4000, s31;
	s1 =	sadd.s32 s1, s30  }
0xc9: {  	s0 =	sor.u32 s4, s0;
	s1 =	sshll.u32 s1, $0x11  }
0xca: {  	s0 =	sor.u32 s1, s0  }
0xcb: {  	s0 =	sadd.s32 $0x8F2B, s0  }
0xcc: {  	[sflag:s0] =	ssyncadd.remote.s32 $0x1  }
0xcd: {  	_ =	sfence.sel $0xFFFF  }
0xce: {  	[dreg:$0x0] =	wrdreg $0xFFFFFFFF;
	(pc) =	sbr.abs _section_cstart, $3  }
0xcf: {  	[dreg:$0x1] =	wrdreg $0xFFFFFFFF  }
0xd0: {  	_ =	task.clear_ibuf [dreg:s22], $0x2FFFF;
	_ =	strace $0x9FFFFFFF  }
0xd1: {  	(tm) =	ssettm $0x7FFFFFFF  }
tec
execute0_lowered:
.L_overlay_start_1:
0x0: {  	(tag) =	ssettag $0x1  }
0x1: {  	s1 =	srdreg.scid;
	s4 =	rddreg [dreg:$0x0]  }
0x2: {  	s0 =	stileid.u32;
	s2 =	rddreg [dreg:$0x1];
	s15 =	simm.s32 $0x880  }
0x3: {  	s16 =	simm.s32 $0x1080;
	s17 =	simm.s32 $0x1880;
	s1 =	sand.u32 $0x1, s1  }
0x4: {  	s18 =	simm.s32 $0x2080;
	s3 =	sshll.u32 s0, $0x7;
	s5 =	sshll.u32 s1, $0x6  }
0x5: {  	s19 =	simm.s32 $0x2880;
	s5 =	sor.u32 s5, s3;
	s3 =	simm.s32 $0x0  }
0x6: {  	s20 =	simm.s32 $0x3080;
	s22 =	simm.s32 $0x3880;
	[smem:$0x7FF] =	sst s3  }
0x7: {  	s23 =	simm.s32 $0x4080;
	_ =	strace $0x8000004A;
	[dreg:$0x6] =	wrdreg s15  }
0x8: {  	s24 =	simm.s32 $0x4880;
	s7 =	simm.s32 $0x5080;
	[dreg:$0x7] =	wrdreg s16  }
0x9: {  	s8 =	simm.s32 $0x5880;
	s25 =	simm.s32 $0x6080;
	[dreg:$0x8] =	wrdreg s17  }
0xa: {  	s26 =	simm.s32 $0x6880;
	s9 =	simm.s32 $0x80;
	[dreg:$0x9] =	wrdreg s18  }
0xb: {  	s11 =	simm.s32 $0x7880;
	s12 =	simm.s32 $0x8080;
	[dreg:$0xa] =	wrdreg s19  }
0xc: {  	s28 =	simm.s32 $0xF880;
	s29 =	simm.s32 $0x1;
	[dreg:$0xb] =	wrdreg s20  }
0xd: {  	s30 =	simm.s32 $0x2;
	s1 =	ssub.s32 $0x2, s1;
	[dreg:$0xc] =	wrdreg s22  }
0xe: {  	s31 =	simm.s32 $0x3;
	s21 =	sshrl.u32 s1, $0x1;
	[dreg:$0xd] =	wrdreg s23  }
0xf: {  	s6 =	sshrl.u32 s5, $0x3;
	s5 =	sshll.u32 s5, $0x7;
	[dreg:$0xe] =	wrdreg s24  }
0x10: {  	s1 =	ssub.s32 s1, s21;
	s21 =	simm.s32 $0xC880;
	[dreg:$0xf] =	wrdreg s7  }
0x11: {  	s6 =	sadd.s32 s6, s4;
	s4 =	sadd.s32 s5, s4;
	[dreg:$0x10] =	wrdreg s8  }
0x12: {  	s5 =	sadd.s32 $0x200, s2;
	s7 =	smax.u32 s1, $0x1;
	[dreg:$0x11] =	wrdreg s25  }
0x13: {  	s8 =	simm.s32 $0x5;
	[dreg:$0x12] =	wrdreg s26;
	s15 =	simm.s32 $0x9880  }
0x14: {  	s16 =	simm.s32 $0xA080;
	s17 =	simm.s32 $0xA880;
	s18 =	simm.s32 $0xB080  }
0x15: {  	s19 =	simm.s32 $0xB880;
	s20 =	simm.s32 $0xC080;
	s22 =	simm.s32 $0xD080  }
0x16: {  	s23 =	simm.s32 $0xD880;
	s24 =	simm.s32 $0xE080;
	s13 =	sadd.s32 $0x2600, s6  }
0x17: {  	s25 =	simm.s32 $0xE880;
	s14 =	sadd.s32 $0x2C00, s4;
	[dreg:$0x3] =	wrdreg s13  }
0x18: {  	v2 =	vlaneseq.u32;
	s26 =	simm.s32 $0xF080;
	s4 =	sadd.s32 $0x3C00, s4;
	[dreg:$0x4] =	wrdreg s14  }
0x19: {  	vm0 =	vmmov $0xffff;
	v1 =	vshrl.u32 v2, $0x3;
	s1 =	simm.s32 $0x4;
	s6 =	sadd.s32 $0x300, s2;
	[dreg:$0x5] =	wrdreg s4  }
0x1a: {  	v0 =	vand.u32 $0x7, v2;
	v2 =	vor.u32 $0x8, v2;
	v1 =	vmul.u32 $0x8, v1;
	s4 =	sadd.s32 $0x100, s2;
	s13 =	simm.s32 $0x8880;
	s14 =	simm.s32 $0x9080  }
.LBB2_1:
0x1b: {  	s0 =	rddreg [dreg:$0x3]  }
0x1c: {  	[tilespmem:s3], [sflag:$0x5] =	stream.linear.gather [hbm4b:s0+s3], $0x40, $0x38;
	[tilespmem:$0x18080] =	vst v63  }
0x1d: {  	_ =	swait.ge [sflag:s8], $0x40  }
0x1e: {  	[sflag:s8] =	ssyncset.done $0x0  }
0x1f: {  	[sflag:s8] =	ssyncadd.s32 $0xFFFFFFC0  }
0x20: {  	v3 =	vld [tilespmem:$0x0];
	_ =	sdelay $0x4  }
0x21: {  	v4 =	vshll.u32 v3, $0x3  }
0x22: {  	v3 =	vand.u32 $0x7, v3;
	v4 =	vand.u32 $0xFFFFFFC0, v4  }
0x23: {  	v3 =	vor.u32 v3, v4  }
0x24: {  	v4 =	vperm.xlane v3, v0;
	_ =	sdelay $0x1  }
0x25: {  	v4 =	vadd.s32 v1, v4;
	_ =	sdelay $0x4  }
0x26: {  	[tilespmem:s9], [sflag:$0x1] =	stream.indirect_vreg.gather [hbm4b:s2+s3], $0x80, v4, vm0, $0xb8;
	[tilespmem:$0x18080] =	vst v63  }
0x27: {  	s0 =	rddreg [dreg:$0x6];
	v3 =	vperm.xlane v3, v2  }
0x28: {  	[tilespmem:s0], [sflag:$0x1] =	stream.indirect_vreg.gather [hbm4b:s4+s3], $0x80, v4, vm0, $0xb8;
	[tilespmem:$0x18080] =	vst v63  }
0x29: {  	s10 =	rddreg [dreg:$0x7];
	v3 =	vadd.s32 v1, v3  }
0x2a: {  	[tilespmem:s10], [sflag:$0x1] =	stream.indirect_vreg.gather [hbm4b:s5+s3], $0x80, v4, vm0, $0xb8;
	[tilespmem:$0x18080] =	vst v63  }
0x2b: {  	s0 =	rddreg [dreg:$0x8]  }
0x2c: {  	[tilespmem:s0], [sflag:$0x1] =	stream.indirect_vreg.gather [hbm4b:s6+s3], $0x80, v4, vm0, $0xb8;
	[tilespmem:$0x18080] =	vst v63  }
0x2d: {  	s10 =	rddreg [dreg:$0x9]  }
0x2e: {  	[tilespmem:s10], [sflag:$0x1] =	stream.indirect_vreg.gather [hbm4b:s2+s3], $0x80, v3, vm0, $0xb8;
	[tilespmem:$0x18080] =	vst v63  }
0x2f: {  	s0 =	rddreg [dreg:$0xa]  }
0x30: {  	[tilespmem:s0], [sflag:$0x1] =	stream.indirect_vreg.gather [hbm4b:s4+s3], $0x80, v3, vm0, $0xb8;
	[tilespmem:$0x18080] =	vst v63  }
0x31: {  	s10 =	rddreg [dreg:$0xb]  }
0x32: {  	[tilespmem:s10], [sflag:$0x1] =	stream.indirect_vreg.gather [hbm4b:s5+s3], $0x80, v3, vm0, $0xb8;
	[tilespmem:$0x18080] =	vst v63  }
0x33: {  	s0 =	rddreg [dreg:$0xc]  }
0x34: {  	[tilespmem:s0], [sflag:$0x1] =	stream.indirect_vreg.gather [hbm4b:s6+s3], $0x80, v3, vm0, $0xb8;
	[tilespmem:$0x18080] =	vst v63  }
0x35: {  	v3 =	vld [tilespmem:$0x10];
	_ =	sdelay $0x4  }
0x36: {  	v61 =	vshll.u32 v3, $0x3  }
0x37: {  	v3 =	vand.u32 $0x7, v3;
	v4 =	vand.u32 $0xFFFFFFC0, v61  }
0x38: {  	v3 =	vor.u32 v3, v4  }
0x39: {  	v4 =	vperm.xlane v3, v0;
	_ =	sdelay $0x1  }
0x3a: {  	v4 =	vadd.s32 v1, v4;
	_ =	sdelay $0x3  }
0x3b: {  	s0 =	rddreg [dreg:$0xd]  }
0x3c: {  	[tilespmem:s0], [sflag:$0x1] =	stream.indirect_vreg.gather [hbm4b:s2+s3], $0x80, v4, vm0, $0xb8;
	[tilespmem:$0x18080] =	vst v63  }
0x3d: {  	s10 =	rddreg [dreg:$0xe];
	v3 =	vperm.xlane v3, v2  }
0x3e: {  	[tilespmem:s10], [sflag:$0x1] =	stream.indirect_vreg.gather [hbm4b:s4+s3], $0x80, v4, vm0, $0xb8;
	[tilespmem:$0x18080] =	vst v63  }
0x3f: {  	v3 =	vadd.s32 v1, v3;
	s0 =	rddreg [dreg:$0xf]  }
0x40: {  	[tilespmem:s0], [sflag:$0x1] =	stream.indirect_vreg.gather [hbm4b:s5+s3], $0x80, v4, vm0, $0xb8;
	[tilespmem:$0x18080] =	vst v63  }
0x41: {  	s10 =	rddreg [dreg:$0x10]  }
0x42: {  	[tilespmem:s10], [sflag:$0x1] =	stream.indirect_vreg.gather [hbm4b:s6+s3], $0x80, v4, vm0, $0xb8;
	[tilespmem:$0x18080] =	vst v63  }
0x43: {  	s0 =	rddreg [dreg:$0x11]  }
0x44: {  	[tilespmem:s0], [sflag:$0x1] =	stream.indirect_vreg.gather [hbm4b:s2+s3], $0x80, v3, vm0, $0xb8;
	[tilespmem:$0x18080] =	vst v63  }
0x45: {  	s10 =	rddreg [dreg:$0x12]  }
0x46: {  	[tilespmem:s10], [sflag:$0x1] =	stream.indirect_vreg.gather [hbm4b:s4+s3], $0x80, v3, vm0, $0xb8;
	[tilespmem:$0x18080] =	vst v63  }
0x47: {  	s10 =	simm.s32 $0x7080  }
0x48: {  	[tilespmem:s10], [sflag:$0x1] =	stream.indirect_vreg.gather [hbm4b:s5+s3], $0x80, v3, vm0, $0xb8;
	[tilespmem:$0x18080] =	vst v63  }
0x49: {  	_ = 	snop  }
0x4a: {  	[tilespmem:s11], [sflag:$0x1] =	stream.indirect_vreg.gather [hbm4b:s6+s3], $0x80, v3, vm0, $0xb8;
	[tilespmem:$0x18080] =	vst v63  }
0x4b: {  	v3 =	vld [tilespmem:$0x20];
	_ =	sdelay $0x4  }
0x4c: {  	v62 =	vshll.u32 v3, $0x3  }
0x4d: {  	v3 =	vand.u32 $0x7, v3;
	v4 =	vand.u32 $0xFFFFFFC0, v62  }
0x4e: {  	v3 =	vor.u32 v3, v4  }
0x4f: {  	v4 =	vperm.xlane v3, v0;
	_ =	sdelay $0x1  }
0x50: {  	v4 =	vadd.s32 v1, v4;
	_ =	sdelay $0x4  }
0x51: {  	[tilespmem:s12], [sflag:$0x2] =	stream.indirect_vreg.gather [hbm4b:s2+s3], $0x80, v4, vm0, $0xb8;
	[tilespmem:$0x18080] =	vst v63  }
0x52: {  	v3 =	vperm.xlane v3, v2  }
0x53: {  	[tilespmem:s13], [sflag:$0x2] =	stream.indirect_vreg.gather [hbm4b:s4+s3], $0x80, v4, vm0, $0xb8;
	[tilespmem:$0x18080] =	vst v63  }
0x54: {  	v3 =	vadd.s32 v1, v3  }
0x55: {  	[tilespmem:s14], [sflag:$0x2] =	stream.indirect_vreg.gather [hbm4b:s5+s3], $0x80, v4, vm0, $0xb8;
	[tilespmem:$0x18080] =	vst v63  }
0x56: {  	_ = 	snop  }
0x57: {  	[tilespmem:s15], [sflag:$0x2] =	stream.indirect_vreg.gather [hbm4b:s6+s3], $0x80, v4, vm0, $0xb8;
	[tilespmem:$0x18080] =	vst v63  }
0x58: {  	_ = 	snop  }
0x59: {  	[tilespmem:s16], [sflag:$0x2] =	stream.indirect_vreg.gather [hbm4b:s2+s3], $0x80, v3, vm0, $0xb8;
	[tilespmem:$0x18080] =	vst v63  }
0x5a: {  	_ = 	snop  }
0x5b: {  	[tilespmem:s17], [sflag:$0x2] =	stream.indirect_vreg.gather [hbm4b:s4+s3], $0x80, v3, vm0, $0xb8;
	[tilespmem:$0x18080] =	vst v63  }
0x5c: {  	_ = 	snop  }
0x5d: {  	[tilespmem:s18], [sflag:$0x2] =	stream.indirect_vreg.gather [hbm4b:s5+s3], $0x80, v3, vm0, $0xb8;
	[tilespmem:$0x18080] =	vst v63  }
0x5e: {  	_ = 	snop  }
0x5f: {  	[tilespmem:s19], [sflag:$0x2] =	stream.indirect_vreg.gather [hbm4b:s6+s3], $0x80, v3, vm0, $0xb8;
	[tilespmem:$0x18080] =	vst v63  }
0x60: {  	v3 =	vld [tilespmem:$0x30];
	_ =	sdelay $0x4  }
0x61: {  	v63 =	vshll.u32 v3, $0x3  }
0x62: {  	v3 =	vand.u32 $0x7, v3;
	v4 =	vand.u32 $0xFFFFFFC0, v63  }
0x63: {  	v3 =	vor.u32 v3, v4  }
0x64: {  	v4 =	vperm.xlane v3, v0;
	_ =	sdelay $0x1  }
0x65: {  	v4 =	vadd.s32 v1, v4;
	_ =	sdelay $0x4  }
0x66: {  	[tilespmem:s20], [sflag:$0x2] =	stream.indirect_vreg.gather [hbm4b:s2+s3], $0x80, v4, vm0, $0xb8;
	[tilespmem:$0x18080] =	vst v63  }
0x67: {  	v3 =	vperm.xlane v3, v2  }
0x68: {  	[tilespmem:s21], [sflag:$0x2] =	stream.indirect_vreg.gather [hbm4b:s4+s3], $0x80, v4, vm0, $0xb8;
	[tilespmem:$0x18080] =	vst v63  }
0x69: {  	v3 =	vadd.s32 v1, v3  }
0x6a: {  	[tilespmem:s22], [sflag:$0x2] =	stream.indirect_vreg.gather [hbm4b:s5+s3], $0x80, v4, vm0, $0xb8;
	[tilespmem:$0x18080] =	vst v63  }
0x6b: {  	_ = 	snop  }
0x6c: {  	[tilespmem:s23], [sflag:$0x2] =	stream.indirect_vreg.gather [hbm4b:s6+s3], $0x80, v4, vm0, $0xb8;
	[tilespmem:$0x18080] =	vst v63  }
0x6d: {  	_ = 	snop  }
0x6e: {  	[tilespmem:s24], [sflag:$0x2] =	stream.indirect_vreg.gather [hbm4b:s2+s3], $0x80, v3, vm0, $0xb8;
	[tilespmem:$0x18080] =	vst v63  }
0x6f: {  	_ = 	snop  }
0x70: {  	[tilespmem:s25], [sflag:$0x2] =	stream.indirect_vreg.gather [hbm4b:s4+s3], $0x80, v3, vm0, $0xb8;
	[tilespmem:$0x18080] =	vst v63  }
0x71: {  	_ = 	snop  }
0x72: {  	[tilespmem:s26], [sflag:$0x2] =	stream.indirect_vreg.gather [hbm4b:s5+s3], $0x80, v3, vm0, $0xb8;
	[tilespmem:$0x18080] =	vst v63  }
0x73: {  	_ = 	snop  }
0x74: {  	[tilespmem:s28], [sflag:$0x2] =	stream.indirect_vreg.gather [hbm4b:s6+s3], $0x80, v3, vm0, $0xb8;
	[tilespmem:$0x18080] =	vst v63  }
0x75: {  	_ =	swait.ge [sflag:s29], $0x8000  }
0x76: {  	[sflag:s29] =	ssyncset.done $0x0  }
0x77: {  	s10 =	rddreg [dreg:$0x4];
	[sflag:s29] =	ssyncadd.s32 $0xFFFF8000  }
0x78: {  	[hbm4b:s10+s3] =	stream.linear.scatter [tilespmem:s9], [sflag:$0x3], $0x8000, $0x38;
	[tilespmem:$0x18080] =	vst v63  }
0x79: {  	_ =	swait.ge [sflag:s30], $0x8000  }
0x7a: {  	[sflag:s30] =	ssyncset.done $0x0  }
0x7b: {  	s10 =	rddreg [dreg:$0x5];
	[sflag:s30] =	ssyncadd.s32 $0xFFFF8000  }
0x7c: {  	[hbm4b:s10+s3] =	stream.linear.scatter [tilespmem:s12], [sflag:$0x4], $0x8000, $0x38;
	[tilespmem:$0x18080] =	vst v63  }
0x7d: {  	p0 =	sne.s32 s7, $0x1;
	_ =	swait.ge [sflag:s31], $0x8000  }
.Ltmp0:
0x7e: {  	[sflag:s31] =	ssyncset.done $0x0;
	(pc) =	sbr.rel @p0 .LBB2_1-.Ltmp0, $4  }
0x7f: {  	[sflag:s31] =	ssyncadd.s32 $0xFFFF8000  }
0x80: {  	_ =	swait.ge [sflag:s1], $0x8000  }
0x81: {  	[sflag:s1] =	ssyncset.done $0x0  }
0x82: {  	s7 =	sadd.s32 $0xFFFFFFFF, s7;
	[sflag:s1] =	ssyncadd.s32 $0xFFFF8000  }
0x83: {  	_ =	sfence.sel $0x180000  }
0x84: {  	[bflag:$0x0] =	sbarrier.arrive $0xFFFF  }
0x85: {  	_ =	strace $0x9000004A  }
0x86: {  	s0 =	stileid.u32;
	[bflag:$0x2] =	sbarrier.arrive $0xFFFF  }
0x87: {  	p0 =	sne.s32 s0, $0x0;
	s0 =	rddreg [dreg:$0x2]  }
0x88: {  	s0 =	sadd.s32 @!p0 $0x100000, s0  }
0x89: {  	[sflag:s0] =	ssyncadd.tile.s32 @!p0 $0x1;
	_ =	shalt  }
.Lfunc_end2:
_tile_overlayer_lowered:
.L_overlay_start_2:
0x8a: {  	(tag) =	ssettag $0x2  }
0x8b: {  	s0 =	rddreg [dreg:$0x0];
	s2 =	stileid.u32  }
0x8c: {  	s1 =	rddreg [dreg:$0x1];
	p0 =	sne.s32 s2, $0x0  }
0x8d: {  	s3 =	rddreg [dreg:$0x2];
	[bflag:$0x3] =	sbarrier.arrive $0xFFFF;
	s2 =	simm.s32 @!p0 $0x1C05  }
0x8e: {  	[timem:s3], [sflag:s2] =	dma.local @!p0 [hbm:s0], s1  }
0x8f: {  	s0 =	simm.s32 @!p0 $0x5  }
0x90: {  	_ =	swait.ge @!p0 [sflag:s0], s1  }
0x91: {  	s1 =	ssub.s32 @!p0 $0x0, s1;
	[sflag:s0] =	ssyncset.done @!p0 $0x0  }
0x92: {  	[sflag:s0] =	ssyncadd.s32 @!p0 s1  }
0x93: {  	[bflag:$0x3] =	sbarrier.arrive $0xFFFF  }
0x94: {  	_ =	shalt  }

// kernel: kernel.17.cloned.1.call-start
scs
__scs_entry_jumppad:
0x0: {  	(pc) =	sbr.rel $0x88, $3  }
0x1: {  	(tag) =	ssettag $0x0;
	lr =	simm.s32 $0x1  }
0x2: {  	[smem:$0x3F9A] =	sst lr;
	_ =	strace $0xD0000000  }
0x3: {  	_ = 	snop  }
0x4: {  	_ = 	snop  }
0x5: {  	_ = 	snop  }
0x6: {  	_ = 	snop  }
0x7: {  	_ = 	snop  }
__scs_overlays_trampoline_lowered:
0x8: {  	[smem:$0x3FA9] =	sst s0  }
0x9: {  	[smem:$0x3FAA] =	sst s1  }
0xa: {  	[smem:$0x3FAB] =	sst s2  }
0xb: {  	[smem:$0x3FAC] =	sst s3  }
0xc: {  	[smem:$0x3FAD] =	sst s4  }
0xd: {  	[smem:$0x3FAE] =	sst s5  }
0xe: {  	[smem:$0x3FAF] =	sst s6  }
0xf: {  	[smem:$0x3FB0] =	sst s7  }
0x10: {  	[smem:$0x3FB1] =	sst s8  }
0x11: {  	[smem:$0x3FB2] =	sst s9;
	s0 =	simm.s32 @!p0 $0x0  }
0x12: {  	s1 =	sld [smem:$0x3F98];
	s0 =	simm.s32 @p0 $0x1  }
0x13: {  	[smem:$0x3FB3] =	sst s0;
	s0 =	simm.s32 @!p1 $0x0  }
0x14: {  	s2 =	sld [smem:$0x3F97];
	s0 =	simm.s32 @p1 $0x1  }
0x15: {  	[smem:$0x3FB4] =	sst s0;
	s0 =	simm.s32 @!p2 $0x0  }
0x16: {  	s3 =	sld [smem:$0x3FDB];
	s0 =	simm.s32 @p2 $0x1  }
0x17: {  	s4 =	simm.s32 $0x1BF5;
	[smem:$0x3FB6] =	sst s0  }
0x18: {  	s0 =	sld [smem:$0x3F99];
	_ =	swait.ge [sflag:s4], $0x0  }
0x19: {  	s7 =	sld [smem:$0x3F9A]  }
0x1a: {  	s8 =	sadd.s32 $0xFFFFE003, lr  }
0x1b: {  	s9 =	sadd.s32 $0xFFFFFEF7, lr;
	s5 =	simm.s32 $0xFFFFFFFF;
	p2 =	slt.u32 s8, $0xFFFFF086  }
0x1c: {  	p1 =	slt.u32 s9, $0xF7A;
	s5 =	simm.s32 @!p2 $0x0  }
0x1d: {  	s5 =	simm.s32 @p1 $0x1;
	p0 =	seq.s32 s7, s2  }
0x1e: {  	s7 =	smul.u32 @!p0 $0xF7A, s2;
	p2 =	seq.s32 @!p0 s5, $0x0  }
0x1f: {  	s9 =	smul.u32 $0xF7A, s1;
	s8 =	simm.s32 @!p0 $0x1BF5;
	p2 =	por !p2, p0  }
0x20: {  	[sflag:s8] =	ssyncset.s32 @!p0 $0xFFFFF086;
	s6 =	sadd.s32 @!p0 s3, s7;
	s7 =	simm.s32 @!p0 $0x108  }
0x21: {  	s3 =	sadd.s32 s3, s9;
	s6 =	sadd.s32 @!p0 $0x88, s6;
	s7 =	simm.s32 @p2 $0x1082  }
0x22: {  	[simem:s7], [sflag:s8] =	dma.local @!p0 [hbm:s6], $0xF7A  }
0x23: {  	s9 =	sor.u32 $0xD0000000, s2;
	s6 =	simm.s32 $0x108;
	_ =	swait.ge @!p0 [sflag:s8], $0x0  }
0x24: {  	s3 =	sadd.s32 $0x88, s3;
	s6 =	simm.s32 @!p1 $0x1082;
	[sflag:s4] =	ssyncset.s32 $0xFFFFF086  }
0x25: {  	[simem:s6], [sflag:s4] =	dma.local [hbm:s3], $0xF7A  }
0x26: {  	[smem:$0x3F9A] =	sst s1;
	(tag) =	ssettag s2;
	_ =	strace s9  }
0x27: {  	s1 =	sld [smem:$0x3FAA]  }
0x28: {  	s2 =	sld [smem:$0x3FAB]  }
0x29: {  	s4 =	sld [smem:$0x3FAD]  }
0x2a: {  	p0 =	seq.s32 s5, $0x0;
	s5 =	sld [smem:$0x3FAE]  }
0x2b: {  	s6 =	sld [smem:$0x3FAF]  }
0x2c: {  	s7 =	sld [smem:$0x3FB0]  }
0x2d: {  	s3 =	simm.s32 $0x108;
	s8 =	sld [smem:$0x3FB1]  }
0x2e: {  	s3 =	simm.s32 @!p0 $0x1082;
	s9 =	sld [smem:$0x3FB2]  }
0x2f: {  	lr =	sadd.s32 s0, s3;
	s0 =	sld [smem:$0x3FA9]  }
0x30: {  	s3 =	sld [smem:$0x3FAC]  }
0x31: {  	[smem:$0x3FB5] =	sst s10  }
0x32: {  	s10 =	sld [smem:$0x3FB3];
	_ =	sdelay $0x3  }
0x33: {  	p0 =	seq.s32 s10, $0x1;
	s10 =	sld [smem:$0x3FB5];
	_ =	sdelay $0x3  }
0x34: {  	[smem:$0x3FB5] =	sst s10  }
0x35: {  	s10 =	sld [smem:$0x3FB4];
	_ =	sdelay $0x3  }
0x36: {  	p1 =	seq.s32 s10, $0x1;
	s10 =	sld [smem:$0x3FB5];
	_ =	sdelay $0x3  }
0x37: {  	[smem:$0x3FB5] =	sst s10  }
0x38: {  	s10 =	sld [smem:$0x3FB6]  }
0x39: {  	_ = 	snop;
	(pc) =	sbr.ind lr, $3  }
0x3a: {  	_ = 	snop  }
0x3b: {  	_ = 	snop  }
0x3c: {  	p2 =	seq.s32 s10, $0x1;
	s10 =	sld [smem:$0x3FB5]  }
0x3d: {  	_ =	shalt  }
0x3e: {  	_ =	shalt  }
0x3f: {  	_ =	shalt  }
0x40: {  	_ =	shalt  }
0x41: {  	_ =	shalt  }
0x42: {  	_ =	shalt  }
0x43: {  	_ =	shalt  }
0x44: {  	_ =	shalt  }
0x45: {  	_ =	shalt  }
0x46: {  	_ =	shalt  }
0x47: {  	_ =	shalt  }
0x48: {  	_ =	shalt  }
0x49: {  	_ =	shalt  }
0x4a: {  	_ =	shalt  }
0x4b: {  	_ =	shalt  }
0x4c: {  	_ =	shalt  }
0x4d: {  	_ =	shalt  }
0x4e: {  	_ =	shalt  }
0x4f: {  	_ =	shalt  }
0x50: {  	_ =	shalt  }
0x51: {  	_ =	shalt  }
0x52: {  	_ =	shalt  }
0x53: {  	_ =	shalt  }
0x54: {  	_ =	shalt  }
0x55: {  	_ =	shalt  }
0x56: {  	_ =	shalt  }
0x57: {  	_ =	shalt  }
0x58: {  	_ =	shalt  }
0x59: {  	_ =	shalt  }
0x5a: {  	_ =	shalt  }
0x5b: {  	_ =	shalt  }
0x5c: {  	_ =	shalt  }
0x5d: {  	_ =	shalt  }
0x5e: {  	_ =	shalt  }
0x5f: {  	_ =	shalt  }
0x60: {  	_ =	shalt  }
0x61: {  	_ =	shalt  }
0x62: {  	_ =	shalt  }
0x63: {  	_ =	shalt  }
0x64: {  	_ =	shalt  }
0x65: {  	_ =	shalt  }
0x66: {  	_ =	shalt  }
0x67: {  	_ =	shalt  }
0x68: {  	_ =	shalt  }
0x69: {  	_ =	shalt  }
0x6a: {  	_ =	shalt  }
0x6b: {  	_ =	shalt  }
0x6c: {  	_ =	shalt  }
0x6d: {  	_ =	shalt  }
0x6e: {  	_ =	shalt  }
0x6f: {  	_ =	shalt  }
0x70: {  	_ =	shalt  }
0x71: {  	_ =	shalt  }
0x72: {  	_ =	shalt  }
0x73: {  	_ =	shalt  }
0x74: {  	_ =	shalt  }
0x75: {  	_ =	shalt  }
0x76: {  	_ =	shalt  }
0x77: {  	_ =	shalt  }
0x78: {  	_ =	shalt  }
0x79: {  	_ =	shalt  }
0x7a: {  	_ =	shalt  }
0x7b: {  	_ =	shalt  }
0x7c: {  	_ =	shalt  }
0x7d: {  	_ =	shalt  }
0x7e: {  	_ =	shalt  }
0x7f: {  	_ =	shalt  }
0x80: {  	_ =	shalt  }
0x81: {  	_ =	shalt  }
0x82: {  	_ =	shalt  }
0x83: {  	_ =	shalt  }
0x84: {  	_ =	shalt  }
0x85: {  	_ =	shalt  }
0x86: {  	_ =	shalt  }
0x87: {  	_ =	shalt  }
.Lfunc_end0:
.L_simem_size_0:
called_computation.2_lowered:
.L_overlay_start_0:
0x88: {  	s2 =	sld [smem:$0x3FD9]  }
0x89: {  	s3 =	sld [smem:$0x3FFE];
	_ =	sdelay $0x1  }
0x8a: {  	s1 =	srdreg.scid  }
0x8b: {  	s0 =	sand.u32 $0x1, s1  }
0x8c: {  	s17 =	sshll.u32 s0, $0xA;
	s2 =	sadd.s32 s3, s2  }
0x8d: {  	s2 =	sadd.s32 s2, s17  }
0x8e: {  	[smem:$0x3FC1] =	sst s2  }
0x8f: {  	_ = 	snop  }
0x90: {  	s18 =	sld [smem:$0x3FC7];
	(tm) =	ssettm $0x1  }
0x91: {  	s19 =	sld [smem:$0x3FFB];
	_ =	sdelay $0x3  }
0x92: {  	_ =	strace s19  }
0x93: {  	s2 =	sld [smem:$0x3FFC];
	_ =	sdelay $0x3  }
0x94: {  	_ =	strace s2  }
0x95: {  	s2 =	sld [smem:$0x3FFD];
	_ =	sdelay $0x3  }
0x96: {  	_ =	strace s2  }
0x97: {  	_ =	strace $0x8FFFFFFF  }
0x98: {  	s20 =	sld [smem:$0x3FDB];
	_ =	sdelay $0x1  }
0x99: {  	s4 =	simm.s32 $_scs_section_size  }
0x9a: {  	s5 =	simm.s32 $_size__tile_overlayer_lowered;
	s6 =	simm.s32 $_tile_overlayer_lowered  }
0x9b: {  	s7 =	simm.s32 $0x1BFF;
	s21 =	sshll.u32 s6, $0x1;
	s4 =	sadd.s32 s4, s20  }
0x9c: {  	s22 =	simm.s32 $0x0;
	s5 =	sshll.u32 s5, $0x1;
	s6 =	sadd.s32 s21, s4  }
0x9d: {  	[timem:s22], [sflag:s7] =	dma.local [hbm:s6], s5  }
0x9e: {  	_ =	swait.ge [sflag:s7], s5  }
0x9f: {  	s5 =	ssub.s32 $0x0, s5;
	[sflag:s7] =	ssyncset.done $0x0  }
0xa0: {  	[sflag:s7] =	ssyncadd.s32 s5;
	_ =	sdelay $0x1  }
0xa1: {  	s23 =	simm.s32 $0x1B8B  }
0xa2: {  	_ =	swait.ge [sflag:s23], $0x1  }
0xa3: {  	[sflag:s23] =	ssyncset.done $0x0  }
0xa4: {  	[sflag:s23] =	ssyncadd.s32 $0xFFFFFFFF  }
0xa5: {  	s5 =	sld [smem:$0x0]  }
0xa6: {  	s6 =	sand.u32 $0xFFFFFFFE, s1  }
0xa7: {  	p0 =	sne.s32 s1, s6  }
0xa8: {  	s6 =	sshll.u32 @p0 s6, $0xE  }
0xa9: {  	s6 =	sadd.s32 @p0 $0x11B8D, s6;
	s7 =	sshll.u32 @p0 s5, $0x11  }
0xaa: {  	s6 =	sor.u32 @p0 s7, s6  }
0xab: {  	[sflag:s6] =	ssyncadd.remote.s32 @p0 $0x1;
	_ =	sdelay $0x1  }
0xac: {  	s6 =	simm.s32 @p0 $0x1B8D  }
0xad: {  	_ =	swait.eq @p0 [sflag:s6], $0x1  }
0xae: {  	[sflag:s6] =	ssyncadd.s32 @p0 $0xFFFFFFFF  }
0xaf: {  	s7 =	sshll.u32 @!p0 s1, $0xE  }
0xb0: {  	s7 =	sor.u32 @!p0 $0x4000, s7;
	s6 =	simm.s32 @!p0 $0x1B8D  }
0xb1: {  	s5 =	sshll.u32 @!p0 s5, $0x11;
	s7 =	sadd.s32 @!p0 $0x11B8D, s7;
	_ =	swait.eq @!p0 [sflag:s6], $0x1  }
0xb2: {  	s5 =	sor.u32 @!p0 s5, s7;
	[sflag:s6] =	ssyncadd.s32 @!p0 $0xFFFFFFFF  }
0xb3: {  	s25 =	simm.s32 $0x1B8E;
	s24 =	sld [smem:$0x3FFE];
	[sflag:s5] =	ssyncadd.remote.s32 @!p0 $0x1  }
0xb4: {  	s26 =	simm.s32 $execute0_lowered;
	[smem:$0x3FD2] =	sst s25  }
0xb5: {  	s6 =	sshll.u32 s26, $0x1;
	_ =	strace $0x8000004C;
	[dreg:$0x1] =	wrdreg $0xFFFFFFFF  }
0xb6: {  	s28 =	simm.s32 $_size_execute0_lowered;
	s4 =	sadd.s32 s4, s6;
	[dreg:$0x0] =	wrdreg $0x0  }
0xb7: {  	s6 =	sshll.u32 s28, $0x1;
	[dreg:$0x2] =	wrdreg s4  }
0xb8: {  	[dreg:$0x3] =	wrdreg s6  }
0xb9: {  	[dreg:$0x4] =	wrdreg $0xC0  }
0xba: {  	_ =	task [dreg:s22], $0x5FFFF  }
0xbb: {  	[dreg:$0x1] =	wrdreg $0xFFFFFFFF  }
0xbc: {  	[dreg:$0x0] =	wrdreg $0x60  }
0xbd: {  	[dreg:$0x2] =	wrdreg s24  }
0xbe: {  	[dreg:$0x3] =	wrdreg s18  }
0xbf: {  	[dreg:$0x4] =	wrdreg $0xB  }
0xc0: {  	_ =	task.clear_ibuf [dreg:s22], $0x5FFFF;
	_ =	strace $0x9000004C  }
0xc1: {  	s29 =	simm.s32 $0xB;
	_ =	strace $0x8000004E  }
0xc2: {  	_ =	swait.ge [sflag:s29], $0x1  }
0xc3: {  	[sflag:s29] =	ssyncadd.s32 $0xFFFFFFFF  }
0xc4: {  	_ =	strace $0x9000004E  }
0xc5: {  	_ =	sfence  }
0xc6: {  	s30 =	sld [smem:$0x0];
	_ =	sdelay $0x2  }
0xc7: {  	s31 =	sshll.u32 s1, $0xD;
	s1 =	sshrl.u32 s1, $0x2  }
0xc8: {  	s4 =	sand.u32 $0x4000, s31;
	s1 =	sadd.s32 s1, s30  }
0xc9: {  	s0 =	sor.u32 s4, s0;
	s1 =	sshll.u32 s1, $0x11  }
0xca: {  	s0 =	sor.u32 s1, s0  }
0xcb: {  	s0 =	sadd.s32 $0x8F2B, s0  }
0xcc: {  	[sflag:s0] =	ssyncadd.remote.s32 $0x1  }
0xcd: {  	_ =	sfence.sel $0xFFFF  }
0xce: {  	[dreg:$0x0] =	wrdreg $0xFFFFFFFF;
	(pc) =	sbr.abs _section_cstart, $3  }
0xcf: {  	[dreg:$0x1] =	wrdreg $0xFFFFFFFF  }
0xd0: {  	_ =	task.clear_ibuf [dreg:s22], $0x2FFFF;
	_ =	strace $0x9FFFFFFF  }
0xd1: {  	(tm) =	ssettm $0x7FFFFFFF  }
tec
execute0_lowered:
.L_overlay_start_1:
0x0: {  	(tag) =	ssettag $0x1  }
0x1: {  	s1 =	srdreg.scid;
	s4 =	rddreg [dreg:$0x0]  }
0x2: {  	s0 =	stileid.u32;
	s2 =	rddreg [dreg:$0x1];
	s15 =	simm.s32 $0x880  }
0x3: {  	s16 =	simm.s32 $0x1080;
	s17 =	simm.s32 $0x1880;
	s1 =	sand.u32 $0x1, s1  }
0x4: {  	s18 =	simm.s32 $0x2080;
	s3 =	sshll.u32 s0, $0x7;
	s5 =	sshll.u32 s1, $0x6  }
0x5: {  	s19 =	simm.s32 $0x2880;
	s5 =	sor.u32 s5, s3;
	s3 =	simm.s32 $0x0  }
0x6: {  	s20 =	simm.s32 $0x3080;
	s22 =	simm.s32 $0x3880;
	[smem:$0x7FF] =	sst s3  }
0x7: {  	s23 =	simm.s32 $0x4080;
	_ =	strace $0x8000004D;
	[dreg:$0x6] =	wrdreg s15  }
0x8: {  	s24 =	simm.s32 $0x4880;
	s7 =	simm.s32 $0x5080;
	[dreg:$0x7] =	wrdreg s16  }
0x9: {  	s8 =	simm.s32 $0x5880;
	s25 =	simm.s32 $0x6080;
	[dreg:$0x8] =	wrdreg s17  }
0xa: {  	s26 =	simm.s32 $0x6880;
	s9 =	simm.s32 $0x80;
	[dreg:$0x9] =	wrdreg s18  }
0xb: {  	s11 =	simm.s32 $0x7880;
	s12 =	simm.s32 $0x8080;
	[dreg:$0xa] =	wrdreg s19  }
0xc: {  	s28 =	simm.s32 $0xF880;
	s29 =	simm.s32 $0x1;
	[dreg:$0xb] =	wrdreg s20  }
0xd: {  	s30 =	simm.s32 $0x2;
	s1 =	ssub.s32 $0x2, s1;
	[dreg:$0xc] =	wrdreg s22  }
0xe: {  	s31 =	simm.s32 $0x3;
	s21 =	sshrl.u32 s1, $0x1;
	[dreg:$0xd] =	wrdreg s23  }
0xf: {  	s6 =	sshrl.u32 s5, $0x3;
	s5 =	sshll.u32 s5, $0x7;
	[dreg:$0xe] =	wrdreg s24  }
0x10: {  	s1 =	ssub.s32 s1, s21;
	s21 =	simm.s32 $0xC880;
	[dreg:$0xf] =	wrdreg s7  }
0x11: {  	s6 =	sadd.s32 s6, s4;
	s4 =	sadd.s32 s5, s4;
	[dreg:$0x10] =	wrdreg s8  }
0x12: {  	s5 =	sadd.s32 $0x200, s2;
	s7 =	smax.u32 s1, $0x1;
	[dreg:$0x11] =	wrdreg s25  }
0x13: {  	s8 =	simm.s32 $0x5;
	[dreg:$0x12] =	wrdreg s26;
	s15 =	simm.s32 $0x9880  }
0x14: {  	s16 =	simm.s32 $0xA080;
	s17 =	simm.s32 $0xA880;
	s18 =	simm.s32 $0xB080  }
0x15: {  	s19 =	simm.s32 $0xB880;
	s20 =	simm.s32 $0xC080;
	s22 =	simm.s32 $0xD080  }
0x16: {  	s23 =	simm.s32 $0xD880;
	s24 =	simm.s32 $0xE080;
	s13 =	sadd.s32 $0x2800, s6  }
0x17: {  	s25 =	simm.s32 $0xE880;
	s14 =	sadd.s32 $0x42C00, s4;
	[dreg:$0x3] =	wrdreg s13  }
0x18: {  	v2 =	vlaneseq.u32;
	s26 =	simm.s32 $0xF080;
	s4 =	sadd.s32 $0x43C00, s4;
	[dreg:$0x4] =	wrdreg s14  }
0x19: {  	vm0 =	vmmov $0xffff;
	v1 =	vshrl.u32 v2, $0x3;
	s1 =	simm.s32 $0x4;
	s6 =	sadd.s32 $0x300, s2;
	[dreg:$0x5] =	wrdreg s4  }
0x1a: {  	v0 =	vand.u32 $0x7, v2;
	v2 =	vor.u32 $0x8, v2;
	v1 =	vmul.u32 $0x8, v1;
	s4 =	sadd.s32 $0x100, s2;
	s13 =	simm.s32 $0x8880;
	s14 =	simm.s32 $0x9080  }
.LBB2_1:
0x1b: {  	s0 =	rddreg [dreg:$0x3]  }
0x1c: {  	[tilespmem:s3], [sflag:$0x5] =	stream.linear.gather [hbm4b:s0+s3], $0x40, $0x38;
	[tilespmem:$0x18080] =	vst v63  }
0x1d: {  	_ =	swait.ge [sflag:s8], $0x40  }
0x1e: {  	[sflag:s8] =	ssyncset.done $0x0  }
0x1f: {  	[sflag:s8] =	ssyncadd.s32 $0xFFFFFFC0  }
0x20: {  	v3 =	vld [tilespmem:$0x0];
	_ =	sdelay $0x4  }
0x21: {  	v4 =	vshll.u32 v3, $0x3  }
0x22: {  	v3 =	vand.u32 $0x7, v3;
	v4 =	vand.u32 $0xFFFFFFC0, v4  }
0x23: {  	v3 =	vor.u32 v3, v4  }
0x24: {  	v4 =	vperm.xlane v3, v0;
	_ =	sdelay $0x1  }
0x25: {  	v4 =	vadd.s32 v1, v4;
	_ =	sdelay $0x4  }
0x26: {  	[tilespmem:s9], [sflag:$0x1] =	stream.indirect_vreg.gather [hbm4b:s2+s3], $0x80, v4, vm0, $0xb8;
	[tilespmem:$0x18080] =	vst v63  }
0x27: {  	s0 =	rddreg [dreg:$0x6];
	v3 =	vperm.xlane v3, v2  }
0x28: {  	[tilespmem:s0], [sflag:$0x1] =	stream.indirect_vreg.gather [hbm4b:s4+s3], $0x80, v4, vm0, $0xb8;
	[tilespmem:$0x18080] =	vst v63  }
0x29: {  	s10 =	rddreg [dreg:$0x7];
	v3 =	vadd.s32 v1, v3  }
0x2a: {  	[tilespmem:s10], [sflag:$0x1] =	stream.indirect_vreg.gather [hbm4b:s5+s3], $0x80, v4, vm0, $0xb8;
	[tilespmem:$0x18080] =	vst v63  }
0x2b: {  	s0 =	rddreg [dreg:$0x8]  }
0x2c: {  	[tilespmem:s0], [sflag:$0x1] =	stream.indirect_vreg.gather [hbm4b:s6+s3], $0x80, v4, vm0, $0xb8;
	[tilespmem:$0x18080] =	vst v63  }
0x2d: {  	s10 =	rddreg [dreg:$0x9]  }
0x2e: {  	[tilespmem:s10], [sflag:$0x1] =	stream.indirect_vreg.gather [hbm4b:s2+s3], $0x80, v3, vm0, $0xb8;
	[tilespmem:$0x18080] =	vst v63  }
0x2f: {  	s0 =	rddreg [dreg:$0xa]  }
0x30: {  	[tilespmem:s0], [sflag:$0x1] =	stream.indirect_vreg.gather [hbm4b:s4+s3], $0x80, v3, vm0, $0xb8;
	[tilespmem:$0x18080] =	vst v63  }
0x31: {  	s10 =	rddreg [dreg:$0xb]  }
0x32: {  	[tilespmem:s10], [sflag:$0x1] =	stream.indirect_vreg.gather [hbm4b:s5+s3], $0x80, v3, vm0, $0xb8;
	[tilespmem:$0x18080] =	vst v63  }
0x33: {  	s0 =	rddreg [dreg:$0xc]  }
0x34: {  	[tilespmem:s0], [sflag:$0x1] =	stream.indirect_vreg.gather [hbm4b:s6+s3], $0x80, v3, vm0, $0xb8;
	[tilespmem:$0x18080] =	vst v63  }
0x35: {  	v3 =	vld [tilespmem:$0x10];
	_ =	sdelay $0x4  }
0x36: {  	v61 =	vshll.u32 v3, $0x3  }
0x37: {  	v3 =	vand.u32 $0x7, v3;
	v4 =	vand.u32 $0xFFFFFFC0, v61  }
0x38: {  	v3 =	vor.u32 v3, v4  }
0x39: {  	v4 =	vperm.xlane v3, v0;
	_ =	sdelay $0x1  }
0x3a: {  	v4 =	vadd.s32 v1, v4;
	_ =	sdelay $0x3  }
0x3b: {  	s0 =	rddreg [dreg:$0xd]  }
0x3c: {  	[tilespmem:s0], [sflag:$0x1] =	stream.indirect_vreg.gather [hbm4b:s2+s3], $0x80, v4, vm0, $0xb8;
	[tilespmem:$0x18080] =	vst v63  }
0x3d: {  	s10 =	rddreg [dreg:$0xe];
	v3 =	vperm.xlane v3, v2  }
0x3e: {  	[tilespmem:s10], [sflag:$0x1] =	stream.indirect_vreg.gather [hbm4b:s4+s3], $0x80, v4, vm0, $0xb8;
	[tilespmem:$0x18080] =	vst v63  }
0x3f: {  	v3 =	vadd.s32 v1, v3;
	s0 =	rddreg [dreg:$0xf]  }
0x40: {  	[tilespmem:s0], [sflag:$0x1] =	stream.indirect_vreg.gather [hbm4b:s5+s3], $0x80, v4, vm0, $0xb8;
	[tilespmem:$0x18080] =	vst v63  }
0x41: {  	s10 =	rddreg [dreg:$0x10]  }
0x42: {  	[tilespmem:s10], [sflag:$0x1] =	stream.indirect_vreg.gather [hbm4b:s6+s3], $0x80, v4, vm0, $0xb8;
	[tilespmem:$0x18080] =	vst v63  }
0x43: {  	s0 =	rddreg [dreg:$0x11]  }
0x44: {  	[tilespmem:s0], [sflag:$0x1] =	stream.indirect_vreg.gather [hbm4b:s2+s3], $0x80, v3, vm0, $0xb8;
	[tilespmem:$0x18080] =	vst v63  }
0x45: {  	s10 =	rddreg [dreg:$0x12]  }
0x46: {  	[tilespmem:s10], [sflag:$0x1] =	stream.indirect_vreg.gather [hbm4b:s4+s3], $0x80, v3, vm0, $0xb8;
	[tilespmem:$0x18080] =	vst v63  }
0x47: {  	s10 =	simm.s32 $0x7080  }
0x48: {  	[tilespmem:s10], [sflag:$0x1] =	stream.indirect_vreg.gather [hbm4b:s5+s3], $0x80, v3, vm0, $0xb8;
	[tilespmem:$0x18080] =	vst v63  }
0x49: {  	_ = 	snop  }
0x4a: {  	[tilespmem:s11], [sflag:$0x1] =	stream.indirect_vreg.gather [hbm4b:s6+s3], $0x80, v3, vm0, $0xb8;
	[tilespmem:$0x18080] =	vst v63  }
0x4b: {  	v3 =	vld [tilespmem:$0x20];
	_ =	sdelay $0x4  }
0x4c: {  	v62 =	vshll.u32 v3, $0x3  }
0x4d: {  	v3 =	vand.u32 $0x7, v3;
	v4 =	vand.u32 $0xFFFFFFC0, v62  }
0x4e: {  	v3 =	vor.u32 v3, v4  }
0x4f: {  	v4 =	vperm.xlane v3, v0;
	_ =	sdelay $0x1  }
0x50: {  	v4 =	vadd.s32 v1, v4;
	_ =	sdelay $0x4  }
0x51: {  	[tilespmem:s12], [sflag:$0x2] =	stream.indirect_vreg.gather [hbm4b:s2+s3], $0x80, v4, vm0, $0xb8;
	[tilespmem:$0x18080] =	vst v63  }
0x52: {  	v3 =	vperm.xlane v3, v2  }
0x53: {  	[tilespmem:s13], [sflag:$0x2] =	stream.indirect_vreg.gather [hbm4b:s4+s3], $0x80, v4, vm0, $0xb8;
	[tilespmem:$0x18080] =	vst v63  }
0x54: {  	v3 =	vadd.s32 v1, v3  }
0x55: {  	[tilespmem:s14], [sflag:$0x2] =	stream.indirect_vreg.gather [hbm4b:s5+s3], $0x80, v4, vm0, $0xb8;
	[tilespmem:$0x18080] =	vst v63  }
0x56: {  	_ = 	snop  }
0x57: {  	[tilespmem:s15], [sflag:$0x2] =	stream.indirect_vreg.gather [hbm4b:s6+s3], $0x80, v4, vm0, $0xb8;
	[tilespmem:$0x18080] =	vst v63  }
0x58: {  	_ = 	snop  }
0x59: {  	[tilespmem:s16], [sflag:$0x2] =	stream.indirect_vreg.gather [hbm4b:s2+s3], $0x80, v3, vm0, $0xb8;
	[tilespmem:$0x18080] =	vst v63  }
0x5a: {  	_ = 	snop  }
0x5b: {  	[tilespmem:s17], [sflag:$0x2] =	stream.indirect_vreg.gather [hbm4b:s4+s3], $0x80, v3, vm0, $0xb8;
	[tilespmem:$0x18080] =	vst v63  }
0x5c: {  	_ = 	snop  }
0x5d: {  	[tilespmem:s18], [sflag:$0x2] =	stream.indirect_vreg.gather [hbm4b:s5+s3], $0x80, v3, vm0, $0xb8;
	[tilespmem:$0x18080] =	vst v63  }
0x5e: {  	_ = 	snop  }
0x5f: {  	[tilespmem:s19], [sflag:$0x2] =	stream.indirect_vreg.gather [hbm4b:s6+s3], $0x80, v3, vm0, $0xb8;
	[tilespmem:$0x18080] =	vst v63  }
0x60: {  	v3 =	vld [tilespmem:$0x30];
	_ =	sdelay $0x4  }
0x61: {  	v63 =	vshll.u32 v3, $0x3  }
0x62: {  	v3 =	vand.u32 $0x7, v3;
	v4 =	vand.u32 $0xFFFFFFC0, v63  }
0x63: {  	v3 =	vor.u32 v3, v4  }
0x64: {  	v4 =	vperm.xlane v3, v0;
	_ =	sdelay $0x1  }
0x65: {  	v4 =	vadd.s32 v1, v4;
	_ =	sdelay $0x4  }
0x66: {  	[tilespmem:s20], [sflag:$0x2] =	stream.indirect_vreg.gather [hbm4b:s2+s3], $0x80, v4, vm0, $0xb8;
	[tilespmem:$0x18080] =	vst v63  }
0x67: {  	v3 =	vperm.xlane v3, v2  }
0x68: {  	[tilespmem:s21], [sflag:$0x2] =	stream.indirect_vreg.gather [hbm4b:s4+s3], $0x80, v4, vm0, $0xb8;
	[tilespmem:$0x18080] =	vst v63  }
0x69: {  	v3 =	vadd.s32 v1, v3  }
0x6a: {  	[tilespmem:s22], [sflag:$0x2] =	stream.indirect_vreg.gather [hbm4b:s5+s3], $0x80, v4, vm0, $0xb8;
	[tilespmem:$0x18080] =	vst v63  }
0x6b: {  	_ = 	snop  }
0x6c: {  	[tilespmem:s23], [sflag:$0x2] =	stream.indirect_vreg.gather [hbm4b:s6+s3], $0x80, v4, vm0, $0xb8;
	[tilespmem:$0x18080] =	vst v63  }
0x6d: {  	_ = 	snop  }
0x6e: {  	[tilespmem:s24], [sflag:$0x2] =	stream.indirect_vreg.gather [hbm4b:s2+s3], $0x80, v3, vm0, $0xb8;
	[tilespmem:$0x18080] =	vst v63  }
0x6f: {  	_ = 	snop  }
0x70: {  	[tilespmem:s25], [sflag:$0x2] =	stream.indirect_vreg.gather [hbm4b:s4+s3], $0x80, v3, vm0, $0xb8;
	[tilespmem:$0x18080] =	vst v63  }
0x71: {  	_ = 	snop  }
0x72: {  	[tilespmem:s26], [sflag:$0x2] =	stream.indirect_vreg.gather [hbm4b:s5+s3], $0x80, v3, vm0, $0xb8;
	[tilespmem:$0x18080] =	vst v63  }
0x73: {  	_ = 	snop  }
0x74: {  	[tilespmem:s28], [sflag:$0x2] =	stream.indirect_vreg.gather [hbm4b:s6+s3], $0x80, v3, vm0, $0xb8;
	[tilespmem:$0x18080] =	vst v63  }
0x75: {  	_ =	swait.ge [sflag:s29], $0x8000  }
0x76: {  	[sflag:s29] =	ssyncset.done $0x0  }
0x77: {  	s10 =	rddreg [dreg:$0x4];
	[sflag:s29] =	ssyncadd.s32 $0xFFFF8000  }
0x78: {  	[hbm4b:s10+s3] =	stream.linear.scatter [tilespmem:s9], [sflag:$0x3], $0x8000, $0x38;
	[tilespmem:$0x18080] =	vst v63  }
0x79: {  	_ =	swait.ge [sflag:s30], $0x8000  }
0x7a: {  	[sflag:s30] =	ssyncset.done $0x0  }
0x7b: {  	s10 =	rddreg [dreg:$0x5];
	[sflag:s30] =	ssyncadd.s32 $0xFFFF8000  }
0x7c: {  	[hbm4b:s10+s3] =	stream.linear.scatter [tilespmem:s12], [sflag:$0x4], $0x8000, $0x38;
	[tilespmem:$0x18080] =	vst v63  }
0x7d: {  	p0 =	sne.s32 s7, $0x1;
	_ =	swait.ge [sflag:s31], $0x8000  }
.Ltmp0:
0x7e: {  	[sflag:s31] =	ssyncset.done $0x0;
	(pc) =	sbr.rel @p0 .LBB2_1-.Ltmp0, $4  }
0x7f: {  	[sflag:s31] =	ssyncadd.s32 $0xFFFF8000  }
0x80: {  	_ =	swait.ge [sflag:s1], $0x8000  }
0x81: {  	[sflag:s1] =	ssyncset.done $0x0  }
0x82: {  	s7 =	sadd.s32 $0xFFFFFFFF, s7;
	[sflag:s1] =	ssyncadd.s32 $0xFFFF8000  }
0x83: {  	_ =	sfence.sel $0x180000  }
0x84: {  	[bflag:$0x0] =	sbarrier.arrive $0xFFFF  }
0x85: {  	_ =	strace $0x9000004D  }
0x86: {  	s0 =	stileid.u32;
	[bflag:$0x2] =	sbarrier.arrive $0xFFFF  }
0x87: {  	p0 =	sne.s32 s0, $0x0;
	s0 =	rddreg [dreg:$0x2]  }
0x88: {  	s0 =	sadd.s32 @!p0 $0x100000, s0  }
0x89: {  	[sflag:s0] =	ssyncadd.tile.s32 @!p0 $0x1;
	_ =	shalt  }
.Lfunc_end2:
_tile_overlayer_lowered:
.L_overlay_start_2:
0x8a: {  	(tag) =	ssettag $0x2  }
0x8b: {  	s0 =	rddreg [dreg:$0x0];
	s2 =	stileid.u32  }
0x8c: {  	s1 =	rddreg [dreg:$0x1];
	p0 =	sne.s32 s2, $0x0  }
0x8d: {  	s3 =	rddreg [dreg:$0x2];
	[bflag:$0x3] =	sbarrier.arrive $0xFFFF;
	s2 =	simm.s32 @!p0 $0x1C05  }
0x8e: {  	[timem:s3], [sflag:s2] =	dma.local @!p0 [hbm:s0], s1  }
0x8f: {  	s0 =	simm.s32 @!p0 $0x5  }
0x90: {  	_ =	swait.ge @!p0 [sflag:s0], s1  }
0x91: {  	s1 =	ssub.s32 @!p0 $0x0, s1;
	[sflag:s0] =	ssyncset.done @!p0 $0x0  }
0x92: {  	[sflag:s0] =	ssyncadd.s32 @!p0 s1  }
0x93: {  	[bflag:$0x3] =	sbarrier.arrive $0xFFFF  }
0x94: {  	_ =	shalt  }

// kernel: kernel.20.cloned.1.call-start
scs
__scs_entry_jumppad:
0x0: {  	(pc) =	sbr.rel $0x88, $3  }
0x1: {  	(tag) =	ssettag $0x0;
	lr =	simm.s32 $0x1  }
0x2: {  	[smem:$0x3F9A] =	sst lr;
	_ =	strace $0xD0000000  }
0x3: {  	_ = 	snop  }
0x4: {  	_ = 	snop  }
0x5: {  	_ = 	snop  }
0x6: {  	_ = 	snop  }
0x7: {  	_ = 	snop  }
__scs_overlays_trampoline_lowered:
0x8: {  	[smem:$0x3FA9] =	sst s0  }
0x9: {  	[smem:$0x3FAA] =	sst s1  }
0xa: {  	[smem:$0x3FAB] =	sst s2  }
0xb: {  	[smem:$0x3FAC] =	sst s3  }
0xc: {  	[smem:$0x3FAD] =	sst s4  }
0xd: {  	[smem:$0x3FAE] =	sst s5  }
0xe: {  	[smem:$0x3FAF] =	sst s6  }
0xf: {  	[smem:$0x3FB0] =	sst s7  }
0x10: {  	[smem:$0x3FB1] =	sst s8  }
0x11: {  	[smem:$0x3FB2] =	sst s9;
	s0 =	simm.s32 @!p0 $0x0  }
0x12: {  	s1 =	sld [smem:$0x3F98];
	s0 =	simm.s32 @p0 $0x1  }
0x13: {  	[smem:$0x3FB3] =	sst s0;
	s0 =	simm.s32 @!p1 $0x0  }
0x14: {  	s2 =	sld [smem:$0x3F97];
	s0 =	simm.s32 @p1 $0x1  }
0x15: {  	[smem:$0x3FB4] =	sst s0;
	s0 =	simm.s32 @!p2 $0x0  }
0x16: {  	s3 =	sld [smem:$0x3FDB];
	s0 =	simm.s32 @p2 $0x1  }
0x17: {  	s4 =	simm.s32 $0x1BF5;
	[smem:$0x3FB6] =	sst s0  }
0x18: {  	s0 =	sld [smem:$0x3F99];
	_ =	swait.ge [sflag:s4], $0x0  }
0x19: {  	s7 =	sld [smem:$0x3F9A]  }
0x1a: {  	s8 =	sadd.s32 $0xFFFFE003, lr  }
0x1b: {  	s9 =	sadd.s32 $0xFFFFFEF7, lr;
	s5 =	simm.s32 $0xFFFFFFFF;
	p2 =	slt.u32 s8, $0xFFFFF086  }
0x1c: {  	p1 =	slt.u32 s9, $0xF7A;
	s5 =	simm.s32 @!p2 $0x0  }
0x1d: {  	s5 =	simm.s32 @p1 $0x1;
	p0 =	seq.s32 s7, s2  }
0x1e: {  	s7 =	smul.u32 @!p0 $0xF7A, s2;
	p2 =	seq.s32 @!p0 s5, $0x0  }
0x1f: {  	s9 =	smul.u32 $0xF7A, s1;
	s8 =	simm.s32 @!p0 $0x1BF5;
	p2 =	por !p2, p0  }
0x20: {  	[sflag:s8] =	ssyncset.s32 @!p0 $0xFFFFF086;
	s6 =	sadd.s32 @!p0 s3, s7;
	s7 =	simm.s32 @!p0 $0x108  }
0x21: {  	s3 =	sadd.s32 s3, s9;
	s6 =	sadd.s32 @!p0 $0x88, s6;
	s7 =	simm.s32 @p2 $0x1082  }
0x22: {  	[simem:s7], [sflag:s8] =	dma.local @!p0 [hbm:s6], $0xF7A  }
0x23: {  	s9 =	sor.u32 $0xD0000000, s2;
	s6 =	simm.s32 $0x108;
	_ =	swait.ge @!p0 [sflag:s8], $0x0  }
0x24: {  	s3 =	sadd.s32 $0x88, s3;
	s6 =	simm.s32 @!p1 $0x1082;
	[sflag:s4] =	ssyncset.s32 $0xFFFFF086  }
0x25: {  	[simem:s6], [sflag:s4] =	dma.local [hbm:s3], $0xF7A  }
0x26: {  	[smem:$0x3F9A] =	sst s1;
	(tag) =	ssettag s2;
	_ =	strace s9  }
0x27: {  	s1 =	sld [smem:$0x3FAA]  }
0x28: {  	s2 =	sld [smem:$0x3FAB]  }
0x29: {  	s4 =	sld [smem:$0x3FAD]  }
0x2a: {  	p0 =	seq.s32 s5, $0x0;
	s5 =	sld [smem:$0x3FAE]  }
0x2b: {  	s6 =	sld [smem:$0x3FAF]  }
0x2c: {  	s7 =	sld [smem:$0x3FB0]  }
0x2d: {  	s3 =	simm.s32 $0x108;
	s8 =	sld [smem:$0x3FB1]  }
0x2e: {  	s3 =	simm.s32 @!p0 $0x1082;
	s9 =	sld [smem:$0x3FB2]  }
0x2f: {  	lr =	sadd.s32 s0, s3;
	s0 =	sld [smem:$0x3FA9]  }
0x30: {  	s3 =	sld [smem:$0x3FAC]  }
0x31: {  	[smem:$0x3FB5] =	sst s10  }
0x32: {  	s10 =	sld [smem:$0x3FB3];
	_ =	sdelay $0x3  }
0x33: {  	p0 =	seq.s32 s10, $0x1;
	s10 =	sld [smem:$0x3FB5];
	_ =	sdelay $0x3  }
0x34: {  	[smem:$0x3FB5] =	sst s10  }
0x35: {  	s10 =	sld [smem:$0x3FB4];
	_ =	sdelay $0x3  }
0x36: {  	p1 =	seq.s32 s10, $0x1;
	s10 =	sld [smem:$0x3FB5];
	_ =	sdelay $0x3  }
0x37: {  	[smem:$0x3FB5] =	sst s10  }
0x38: {  	s10 =	sld [smem:$0x3FB6]  }
0x39: {  	_ = 	snop;
	(pc) =	sbr.ind lr, $3  }
0x3a: {  	_ = 	snop  }
0x3b: {  	_ = 	snop  }
0x3c: {  	p2 =	seq.s32 s10, $0x1;
	s10 =	sld [smem:$0x3FB5]  }
0x3d: {  	_ =	shalt  }
0x3e: {  	_ =	shalt  }
0x3f: {  	_ =	shalt  }
0x40: {  	_ =	shalt  }
0x41: {  	_ =	shalt  }
0x42: {  	_ =	shalt  }
0x43: {  	_ =	shalt  }
0x44: {  	_ =	shalt  }
0x45: {  	_ =	shalt  }
0x46: {  	_ =	shalt  }
0x47: {  	_ =	shalt  }
0x48: {  	_ =	shalt  }
0x49: {  	_ =	shalt  }
0x4a: {  	_ =	shalt  }
0x4b: {  	_ =	shalt  }
0x4c: {  	_ =	shalt  }
0x4d: {  	_ =	shalt  }
0x4e: {  	_ =	shalt  }
0x4f: {  	_ =	shalt  }
0x50: {  	_ =	shalt  }
0x51: {  	_ =	shalt  }
0x52: {  	_ =	shalt  }
0x53: {  	_ =	shalt  }
0x54: {  	_ =	shalt  }
0x55: {  	_ =	shalt  }
0x56: {  	_ =	shalt  }
0x57: {  	_ =	shalt  }
0x58: {  	_ =	shalt  }
0x59: {  	_ =	shalt  }
0x5a: {  	_ =	shalt  }
0x5b: {  	_ =	shalt  }
0x5c: {  	_ =	shalt  }
0x5d: {  	_ =	shalt  }
0x5e: {  	_ =	shalt  }
0x5f: {  	_ =	shalt  }
0x60: {  	_ =	shalt  }
0x61: {  	_ =	shalt  }
0x62: {  	_ =	shalt  }
0x63: {  	_ =	shalt  }
0x64: {  	_ =	shalt  }
0x65: {  	_ =	shalt  }
0x66: {  	_ =	shalt  }
0x67: {  	_ =	shalt  }
0x68: {  	_ =	shalt  }
0x69: {  	_ =	shalt  }
0x6a: {  	_ =	shalt  }
0x6b: {  	_ =	shalt  }
0x6c: {  	_ =	shalt  }
0x6d: {  	_ =	shalt  }
0x6e: {  	_ =	shalt  }
0x6f: {  	_ =	shalt  }
0x70: {  	_ =	shalt  }
0x71: {  	_ =	shalt  }
0x72: {  	_ =	shalt  }
0x73: {  	_ =	shalt  }
0x74: {  	_ =	shalt  }
0x75: {  	_ =	shalt  }
0x76: {  	_ =	shalt  }
0x77: {  	_ =	shalt  }
0x78: {  	_ =	shalt  }
0x79: {  	_ =	shalt  }
0x7a: {  	_ =	shalt  }
0x7b: {  	_ =	shalt  }
0x7c: {  	_ =	shalt  }
0x7d: {  	_ =	shalt  }
0x7e: {  	_ =	shalt  }
0x7f: {  	_ =	shalt  }
0x80: {  	_ =	shalt  }
0x81: {  	_ =	shalt  }
0x82: {  	_ =	shalt  }
0x83: {  	_ =	shalt  }
0x84: {  	_ =	shalt  }
0x85: {  	_ =	shalt  }
0x86: {  	_ =	shalt  }
0x87: {  	_ =	shalt  }
.Lfunc_end0:
.L_simem_size_0:
called_computation.3_lowered:
.L_overlay_start_0:
0x88: {  	s2 =	sld [smem:$0x3FD9]  }
0x89: {  	s3 =	sld [smem:$0x3FFE];
	_ =	sdelay $0x1  }
0x8a: {  	s1 =	srdreg.scid  }
0x8b: {  	s0 =	sand.u32 $0x1, s1  }
0x8c: {  	s17 =	sshll.u32 s0, $0xA;
	s2 =	sadd.s32 s3, s2  }
0x8d: {  	s2 =	sadd.s32 s2, s17  }
0x8e: {  	[smem:$0x3FC1] =	sst s2  }
0x8f: {  	_ = 	snop  }
0x90: {  	s18 =	sld [smem:$0x3FC7];
	(tm) =	ssettm $0x1  }
0x91: {  	s19 =	sld [smem:$0x3FFB];
	_ =	sdelay $0x3  }
0x92: {  	_ =	strace s19  }
0x93: {  	s2 =	sld [smem:$0x3FFC];
	_ =	sdelay $0x3  }
0x94: {  	_ =	strace s2  }
0x95: {  	s2 =	sld [smem:$0x3FFD];
	_ =	sdelay $0x3  }
0x96: {  	_ =	strace s2  }
0x97: {  	_ =	strace $0x8FFFFFFF  }
0x98: {  	s20 =	sld [smem:$0x3FDB];
	_ =	sdelay $0x1  }
0x99: {  	s4 =	simm.s32 $_scs_section_size  }
0x9a: {  	s5 =	simm.s32 $_size__tile_overlayer_lowered;
	s6 =	simm.s32 $_tile_overlayer_lowered  }
0x9b: {  	s7 =	simm.s32 $0x1BFF;
	s21 =	sshll.u32 s6, $0x1;
	s4 =	sadd.s32 s4, s20  }
0x9c: {  	s22 =	simm.s32 $0x0;
	s5 =	sshll.u32 s5, $0x1;
	s6 =	sadd.s32 s21, s4  }
0x9d: {  	[timem:s22], [sflag:s7] =	dma.local [hbm:s6], s5  }
0x9e: {  	_ =	swait.ge [sflag:s7], s5  }
0x9f: {  	s5 =	ssub.s32 $0x0, s5;
	[sflag:s7] =	ssyncset.done $0x0  }
0xa0: {  	[sflag:s7] =	ssyncadd.s32 s5;
	_ =	sdelay $0x1  }
0xa1: {  	s23 =	simm.s32 $0x1B8B  }
0xa2: {  	_ =	swait.ge [sflag:s23], $0x1  }
0xa3: {  	[sflag:s23] =	ssyncset.done $0x0  }
0xa4: {  	[sflag:s23] =	ssyncadd.s32 $0xFFFFFFFF  }
0xa5: {  	s5 =	sld [smem:$0x0]  }
0xa6: {  	s6 =	sand.u32 $0xFFFFFFFE, s1  }
0xa7: {  	p0 =	sne.s32 s1, s6  }
0xa8: {  	s6 =	sshll.u32 @p0 s6, $0xE  }
0xa9: {  	s6 =	sadd.s32 @p0 $0x11B8D, s6;
	s7 =	sshll.u32 @p0 s5, $0x11  }
0xaa: {  	s6 =	sor.u32 @p0 s7, s6  }
0xab: {  	[sflag:s6] =	ssyncadd.remote.s32 @p0 $0x1;
	_ =	sdelay $0x1  }
0xac: {  	s6 =	simm.s32 @p0 $0x1B8D  }
0xad: {  	_ =	swait.eq @p0 [sflag:s6], $0x1  }
0xae: {  	[sflag:s6] =	ssyncadd.s32 @p0 $0xFFFFFFFF  }
0xaf: {  	s7 =	sshll.u32 @!p0 s1, $0xE  }
0xb0: {  	s7 =	sor.u32 @!p0 $0x4000, s7;
	s6 =	simm.s32 @!p0 $0x1B8D  }
0xb1: {  	s5 =	sshll.u32 @!p0 s5, $0x11;
	s7 =	sadd.s32 @!p0 $0x11B8D, s7;
	_ =	swait.eq @!p0 [sflag:s6], $0x1  }
0xb2: {  	s5 =	sor.u32 @!p0 s5, s7;
	[sflag:s6] =	ssyncadd.s32 @!p0 $0xFFFFFFFF  }
0xb3: {  	s25 =	simm.s32 $0x1B8E;
	s24 =	sld [smem:$0x3FFE];
	[sflag:s5] =	ssyncadd.remote.s32 @!p0 $0x1  }
0xb4: {  	s26 =	simm.s32 $execute0_lowered;
	[smem:$0x3FD2] =	sst s25  }
0xb5: {  	s6 =	sshll.u32 s26, $0x1;
	_ =	strace $0x8000004F;
	[dreg:$0x1] =	wrdreg $0xFFFFFFFF  }
0xb6: {  	s28 =	simm.s32 $_size_execute0_lowered;
	s4 =	sadd.s32 s4, s6;
	[dreg:$0x0] =	wrdreg $0x0  }
0xb7: {  	s6 =	sshll.u32 s28, $0x1;
	[dreg:$0x2] =	wrdreg s4  }
0xb8: {  	[dreg:$0x3] =	wrdreg s6  }
0xb9: {  	[dreg:$0x4] =	wrdreg $0xC0  }
0xba: {  	_ =	task [dreg:s22], $0x5FFFF  }
0xbb: {  	[dreg:$0x1] =	wrdreg $0xFFFFFFFF  }
0xbc: {  	[dreg:$0x0] =	wrdreg $0x60  }
0xbd: {  	[dreg:$0x2] =	wrdreg s24  }
0xbe: {  	[dreg:$0x3] =	wrdreg s18  }
0xbf: {  	[dreg:$0x4] =	wrdreg $0xC  }
0xc0: {  	_ =	task.clear_ibuf [dreg:s22], $0x5FFFF;
	_ =	strace $0x9000004F  }
0xc1: {  	s29 =	simm.s32 $0xC;
	_ =	strace $0x80000051  }
0xc2: {  	_ =	swait.ge [sflag:s29], $0x1  }
0xc3: {  	[sflag:s29] =	ssyncadd.s32 $0xFFFFFFFF  }
0xc4: {  	_ =	strace $0x90000051  }
0xc5: {  	_ =	sfence  }
0xc6: {  	s30 =	sld [smem:$0x0];
	_ =	sdelay $0x2  }
0xc7: {  	s31 =	sshll.u32 s1, $0xD;
	s1 =	sshrl.u32 s1, $0x2  }
0xc8: {  	s4 =	sand.u32 $0x4000, s31;
	s1 =	sadd.s32 s1, s30  }
0xc9: {  	s0 =	sor.u32 s4, s0;
	s1 =	sshll.u32 s1, $0x11  }
0xca: {  	s0 =	sor.u32 s1, s0  }
0xcb: {  	s0 =	sadd.s32 $0x8F2B, s0  }
0xcc: {  	[sflag:s0] =	ssyncadd.remote.s32 $0x1  }
0xcd: {  	_ =	sfence.sel $0xFFFF  }
0xce: {  	[dreg:$0x0] =	wrdreg $0xFFFFFFFF;
	(pc) =	sbr.abs _section_cstart, $3  }
0xcf: {  	[dreg:$0x1] =	wrdreg $0xFFFFFFFF  }
0xd0: {  	_ =	task.clear_ibuf [dreg:s22], $0x2FFFF;
	_ =	strace $0x9FFFFFFF  }
0xd1: {  	(tm) =	ssettm $0x7FFFFFFF  }
tec
execute0_lowered:
.L_overlay_start_1:
0x0: {  	(tag) =	ssettag $0x1  }
0x1: {  	s1 =	srdreg.scid;
	s4 =	rddreg [dreg:$0x0]  }
0x2: {  	s0 =	stileid.u32;
	s2 =	rddreg [dreg:$0x1];
	s15 =	simm.s32 $0x880  }
0x3: {  	s16 =	simm.s32 $0x1080;
	s17 =	simm.s32 $0x1880;
	s1 =	sand.u32 $0x1, s1  }
0x4: {  	s18 =	simm.s32 $0x2080;
	s3 =	sshll.u32 s0, $0x7;
	s5 =	sshll.u32 s1, $0x6  }
0x5: {  	s19 =	simm.s32 $0x2880;
	s5 =	sor.u32 s5, s3;
	s3 =	simm.s32 $0x0  }
0x6: {  	s20 =	simm.s32 $0x3080;
	s22 =	simm.s32 $0x3880;
	[smem:$0x7FF] =	sst s3  }
0x7: {  	s23 =	simm.s32 $0x4080;
	_ =	strace $0x80000050;
	[dreg:$0x6] =	wrdreg s15  }
0x8: {  	s24 =	simm.s32 $0x4880;
	s7 =	simm.s32 $0x5080;
	[dreg:$0x7] =	wrdreg s16  }
0x9: {  	s8 =	simm.s32 $0x5880;
	s25 =	simm.s32 $0x6080;
	[dreg:$0x8] =	wrdreg s17  }
0xa: {  	s26 =	simm.s32 $0x6880;
	s9 =	simm.s32 $0x80;
	[dreg:$0x9] =	wrdreg s18  }
0xb: {  	s11 =	simm.s32 $0x7880;
	s12 =	simm.s32 $0x8080;
	[dreg:$0xa] =	wrdreg s19  }
0xc: {  	s28 =	simm.s32 $0xF880;
	s29 =	simm.s32 $0x1;
	[dreg:$0xb] =	wrdreg s20  }
0xd: {  	s30 =	simm.s32 $0x2;
	s1 =	ssub.s32 $0x2, s1;
	[dreg:$0xc] =	wrdreg s22  }
0xe: {  	s31 =	simm.s32 $0x3;
	s21 =	sshrl.u32 s1, $0x1;
	[dreg:$0xd] =	wrdreg s23  }
0xf: {  	s6 =	sshrl.u32 s5, $0x3;
	s5 =	sshll.u32 s5, $0x7;
	[dreg:$0xe] =	wrdreg s24  }
0x10: {  	s1 =	ssub.s32 s1, s21;
	s21 =	simm.s32 $0xC880;
	[dreg:$0xf] =	wrdreg s7  }
0x11: {  	s6 =	sadd.s32 s6, s4;
	s4 =	sadd.s32 s5, s4;
	[dreg:$0x10] =	wrdreg s8  }
0x12: {  	s5 =	sadd.s32 $0x200, s2;
	s7 =	smax.u32 s1, $0x1;
	[dreg:$0x11] =	wrdreg s25  }
0x13: {  	s8 =	simm.s32 $0x5;
	[dreg:$0x12] =	wrdreg s26;
	s15 =	simm.s32 $0x9880  }
0x14: {  	s16 =	simm.s32 $0xA080;
	s17 =	simm.s32 $0xA880;
	s18 =	simm.s32 $0xB080  }
0x15: {  	s19 =	simm.s32 $0xB880;
	s20 =	simm.s32 $0xC080;
	s22 =	simm.s32 $0xD080  }
0x16: {  	s23 =	simm.s32 $0xD880;
	s24 =	simm.s32 $0xE080;
	s13 =	sadd.s32 $0x2A00, s6  }
0x17: {  	s25 =	simm.s32 $0xE880;
	s14 =	sadd.s32 $0x82C00, s4;
	[dreg:$0x3] =	wrdreg s13  }
0x18: {  	v2 =	vlaneseq.u32;
	s26 =	simm.s32 $0xF080;
	s4 =	sadd.s32 $0x83C00, s4;
	[dreg:$0x4] =	wrdreg s14  }
0x19: {  	vm0 =	vmmov $0xffff;
	v1 =	vshrl.u32 v2, $0x3;
	s1 =	simm.s32 $0x4;
	s6 =	sadd.s32 $0x300, s2;
	[dreg:$0x5] =	wrdreg s4  }
0x1a: {  	v0 =	vand.u32 $0x7, v2;
	v2 =	vor.u32 $0x8, v2;
	v1 =	vmul.u32 $0x8, v1;
	s4 =	sadd.s32 $0x100, s2;
	s13 =	simm.s32 $0x8880;
	s14 =	simm.s32 $0x9080  }
.LBB2_1:
0x1b: {  	s0 =	rddreg [dreg:$0x3]  }
0x1c: {  	[tilespmem:s3], [sflag:$0x5] =	stream.linear.gather [hbm4b:s0+s3], $0x40, $0x38;
	[tilespmem:$0x18080] =	vst v63  }
0x1d: {  	_ =	swait.ge [sflag:s8], $0x40  }
0x1e: {  	[sflag:s8] =	ssyncset.done $0x0  }
0x1f: {  	[sflag:s8] =	ssyncadd.s32 $0xFFFFFFC0  }
0x20: {  	v3 =	vld [tilespmem:$0x0];
	_ =	sdelay $0x4  }
0x21: {  	v4 =	vshll.u32 v3, $0x3  }
0x22: {  	v3 =	vand.u32 $0x7, v3;
	v4 =	vand.u32 $0xFFFFFFC0, v4  }
0x23: {  	v3 =	vor.u32 v3, v4  }
0x24: {  	v4 =	vperm.xlane v3, v0;
	_ =	sdelay $0x1  }
0x25: {  	v4 =	vadd.s32 v1, v4;
	_ =	sdelay $0x4  }
0x26: {  	[tilespmem:s9], [sflag:$0x1] =	stream.indirect_vreg.gather [hbm4b:s2+s3], $0x80, v4, vm0, $0xb8;
	[tilespmem:$0x18080] =	vst v63  }
0x27: {  	s0 =	rddreg [dreg:$0x6];
	v3 =	vperm.xlane v3, v2  }
0x28: {  	[tilespmem:s0], [sflag:$0x1] =	stream.indirect_vreg.gather [hbm4b:s4+s3], $0x80, v4, vm0, $0xb8;
	[tilespmem:$0x18080] =	vst v63  }
0x29: {  	s10 =	rddreg [dreg:$0x7];
	v3 =	vadd.s32 v1, v3  }
0x2a: {  	[tilespmem:s10], [sflag:$0x1] =	stream.indirect_vreg.gather [hbm4b:s5+s3], $0x80, v4, vm0, $0xb8;
	[tilespmem:$0x18080] =	vst v63  }
0x2b: {  	s0 =	rddreg [dreg:$0x8]  }
0x2c: {  	[tilespmem:s0], [sflag:$0x1] =	stream.indirect_vreg.gather [hbm4b:s6+s3], $0x80, v4, vm0, $0xb8;
	[tilespmem:$0x18080] =	vst v63  }
0x2d: {  	s10 =	rddreg [dreg:$0x9]  }
0x2e: {  	[tilespmem:s10], [sflag:$0x1] =	stream.indirect_vreg.gather [hbm4b:s2+s3], $0x80, v3, vm0, $0xb8;
	[tilespmem:$0x18080] =	vst v63  }
0x2f: {  	s0 =	rddreg [dreg:$0xa]  }
0x30: {  	[tilespmem:s0], [sflag:$0x1] =	stream.indirect_vreg.gather [hbm4b:s4+s3], $0x80, v3, vm0, $0xb8;
	[tilespmem:$0x18080] =	vst v63  }
0x31: {  	s10 =	rddreg [dreg:$0xb]  }
0x32: {  	[tilespmem:s10], [sflag:$0x1] =	stream.indirect_vreg.gather [hbm4b:s5+s3], $0x80, v3, vm0, $0xb8;
	[tilespmem:$0x18080] =	vst v63  }
0x33: {  	s0 =	rddreg [dreg:$0xc]  }
0x34: {  	[tilespmem:s0], [sflag:$0x1] =	stream.indirect_vreg.gather [hbm4b:s6+s3], $0x80, v3, vm0, $0xb8;
	[tilespmem:$0x18080] =	vst v63  }
0x35: {  	v3 =	vld [tilespmem:$0x10];
	_ =	sdelay $0x4  }
0x36: {  	v61 =	vshll.u32 v3, $0x3  }
0x37: {  	v3 =	vand.u32 $0x7, v3;
	v4 =	vand.u32 $0xFFFFFFC0, v61  }
0x38: {  	v3 =	vor.u32 v3, v4  }
0x39: {  	v4 =	vperm.xlane v3, v0;
	_ =	sdelay $0x1  }
0x3a: {  	v4 =	vadd.s32 v1, v4;
	_ =	sdelay $0x3  }
0x3b: {  	s0 =	rddreg [dreg:$0xd]  }
0x3c: {  	[tilespmem:s0], [sflag:$0x1] =	stream.indirect_vreg.gather [hbm4b:s2+s3], $0x80, v4, vm0, $0xb8;
	[tilespmem:$0x18080] =	vst v63  }
0x3d: {  	s10 =	rddreg [dreg:$0xe];
	v3 =	vperm.xlane v3, v2  }
0x3e: {  	[tilespmem:s10], [sflag:$0x1] =	stream.indirect_vreg.gather [hbm4b:s4+s3], $0x80, v4, vm0, $0xb8;
	[tilespmem:$0x18080] =	vst v63  }
0x3f: {  	v3 =	vadd.s32 v1, v3;
	s0 =	rddreg [dreg:$0xf]  }
0x40: {  	[tilespmem:s0], [sflag:$0x1] =	stream.indirect_vreg.gather [hbm4b:s5+s3], $0x80, v4, vm0, $0xb8;
	[tilespmem:$0x18080] =	vst v63  }
0x41: {  	s10 =	rddreg [dreg:$0x10]  }
0x42: {  	[tilespmem:s10], [sflag:$0x1] =	stream.indirect_vreg.gather [hbm4b:s6+s3], $0x80, v4, vm0, $0xb8;
	[tilespmem:$0x18080] =	vst v63  }
0x43: {  	s0 =	rddreg [dreg:$0x11]  }
0x44: {  	[tilespmem:s0], [sflag:$0x1] =	stream.indirect_vreg.gather [hbm4b:s2+s3], $0x80, v3, vm0, $0xb8;
	[tilespmem:$0x18080] =	vst v63  }
0x45: {  	s10 =	rddreg [dreg:$0x12]  }
0x46: {  	[tilespmem:s10], [sflag:$0x1] =	stream.indirect_vreg.gather [hbm4b:s4+s3], $0x80, v3, vm0, $0xb8;
	[tilespmem:$0x18080] =	vst v63  }
0x47: {  	s10 =	simm.s32 $0x7080  }
0x48: {  	[tilespmem:s10], [sflag:$0x1] =	stream.indirect_vreg.gather [hbm4b:s5+s3], $0x80, v3, vm0, $0xb8;
	[tilespmem:$0x18080] =	vst v63  }
0x49: {  	_ = 	snop  }
0x4a: {  	[tilespmem:s11], [sflag:$0x1] =	stream.indirect_vreg.gather [hbm4b:s6+s3], $0x80, v3, vm0, $0xb8;
	[tilespmem:$0x18080] =	vst v63  }
0x4b: {  	v3 =	vld [tilespmem:$0x20];
	_ =	sdelay $0x4  }
0x4c: {  	v62 =	vshll.u32 v3, $0x3  }
0x4d: {  	v3 =	vand.u32 $0x7, v3;
	v4 =	vand.u32 $0xFFFFFFC0, v62  }
0x4e: {  	v3 =	vor.u32 v3, v4  }
0x4f: {  	v4 =	vperm.xlane v3, v0;
	_ =	sdelay $0x1  }
0x50: {  	v4 =	vadd.s32 v1, v4;
	_ =	sdelay $0x4  }
0x51: {  	[tilespmem:s12], [sflag:$0x2] =	stream.indirect_vreg.gather [hbm4b:s2+s3], $0x80, v4, vm0, $0xb8;
	[tilespmem:$0x18080] =	vst v63  }
0x52: {  	v3 =	vperm.xlane v3, v2  }
0x53: {  	[tilespmem:s13], [sflag:$0x2] =	stream.indirect_vreg.gather [hbm4b:s4+s3], $0x80, v4, vm0, $0xb8;
	[tilespmem:$0x18080] =	vst v63  }
0x54: {  	v3 =	vadd.s32 v1, v3  }
0x55: {  	[tilespmem:s14], [sflag:$0x2] =	stream.indirect_vreg.gather [hbm4b:s5+s3], $0x80, v4, vm0, $0xb8;
	[tilespmem:$0x18080] =	vst v63  }
0x56: {  	_ = 	snop  }
0x57: {  	[tilespmem:s15], [sflag:$0x2] =	stream.indirect_vreg.gather [hbm4b:s6+s3], $0x80, v4, vm0, $0xb8;
	[tilespmem:$0x18080] =	vst v63  }
0x58: {  	_ = 	snop  }
0x59: {  	[tilespmem:s16], [sflag:$0x2] =	stream.indirect_vreg.gather [hbm4b:s2+s3], $0x80, v3, vm0, $0xb8;
	[tilespmem:$0x18080] =	vst v63  }
0x5a: {  	_ = 	snop  }
0x5b: {  	[tilespmem:s17], [sflag:$0x2] =	stream.indirect_vreg.gather [hbm4b:s4+s3], $0x80, v3, vm0, $0xb8;
	[tilespmem:$0x18080] =	vst v63  }
0x5c: {  	_ = 	snop  }
0x5d: {  	[tilespmem:s18], [sflag:$0x2] =	stream.indirect_vreg.gather [hbm4b:s5+s3], $0x80, v3, vm0, $0xb8;
	[tilespmem:$0x18080] =	vst v63  }
0x5e: {  	_ = 	snop  }
0x5f: {  	[tilespmem:s19], [sflag:$0x2] =	stream.indirect_vreg.gather [hbm4b:s6+s3], $0x80, v3, vm0, $0xb8;
	[tilespmem:$0x18080] =	vst v63  }
0x60: {  	v3 =	vld [tilespmem:$0x30];
	_ =	sdelay $0x4  }
0x61: {  	v63 =	vshll.u32 v3, $0x3  }
0x62: {  	v3 =	vand.u32 $0x7, v3;
	v4 =	vand.u32 $0xFFFFFFC0, v63  }
0x63: {  	v3 =	vor.u32 v3, v4  }
0x64: {  	v4 =	vperm.xlane v3, v0;
	_ =	sdelay $0x1  }
0x65: {  	v4 =	vadd.s32 v1, v4;
	_ =	sdelay $0x4  }
0x66: {  	[tilespmem:s20], [sflag:$0x2] =	stream.indirect_vreg.gather [hbm4b:s2+s3], $0x80, v4, vm0, $0xb8;
	[tilespmem:$0x18080] =	vst v63  }
0x67: {  	v3 =	vperm.xlane v3, v2  }
0x68: {  	[tilespmem:s21], [sflag:$0x2] =	stream.indirect_vreg.gather [hbm4b:s4+s3], $0x80, v4, vm0, $0xb8;
	[tilespmem:$0x18080] =	vst v63  }
0x69: {  	v3 =	vadd.s32 v1, v3  }
0x6a: {  	[tilespmem:s22], [sflag:$0x2] =	stream.indirect_vreg.gather [hbm4b:s5+s3], $0x80, v4, vm0, $0xb8;
	[tilespmem:$0x18080] =	vst v63  }
0x6b: {  	_ = 	snop  }
0x6c: {  	[tilespmem:s23], [sflag:$0x2] =	stream.indirect_vreg.gather [hbm4b:s6+s3], $0x80, v4, vm0, $0xb8;
	[tilespmem:$0x18080] =	vst v63  }
0x6d: {  	_ = 	snop  }
0x6e: {  	[tilespmem:s24], [sflag:$0x2] =	stream.indirect_vreg.gather [hbm4b:s2+s3], $0x80, v3, vm0, $0xb8;
	[tilespmem:$0x18080] =	vst v63  }
0x6f: {  	_ = 	snop  }
0x70: {  	[tilespmem:s25], [sflag:$0x2] =	stream.indirect_vreg.gather [hbm4b:s4+s3], $0x80, v3, vm0, $0xb8;
	[tilespmem:$0x18080] =	vst v63  }
0x71: {  	_ = 	snop  }
0x72: {  	[tilespmem:s26], [sflag:$0x2] =	stream.indirect_vreg.gather [hbm4b:s5+s3], $0x80, v3, vm0, $0xb8;
	[tilespmem:$0x18080] =	vst v63  }
0x73: {  	_ = 	snop  }
0x74: {  	[tilespmem:s28], [sflag:$0x2] =	stream.indirect_vreg.gather [hbm4b:s6+s3], $0x80, v3, vm0, $0xb8;
	[tilespmem:$0x18080] =	vst v63  }
0x75: {  	_ =	swait.ge [sflag:s29], $0x8000  }
0x76: {  	[sflag:s29] =	ssyncset.done $0x0  }
0x77: {  	s10 =	rddreg [dreg:$0x4];
	[sflag:s29] =	ssyncadd.s32 $0xFFFF8000  }
0x78: {  	[hbm4b:s10+s3] =	stream.linear.scatter [tilespmem:s9], [sflag:$0x3], $0x8000, $0x38;
	[tilespmem:$0x18080] =	vst v63  }
0x79: {  	_ =	swait.ge [sflag:s30], $0x8000  }
0x7a: {  	[sflag:s30] =	ssyncset.done $0x0  }
0x7b: {  	s10 =	rddreg [dreg:$0x5];
	[sflag:s30] =	ssyncadd.s32 $0xFFFF8000  }
0x7c: {  	[hbm4b:s10+s3] =	stream.linear.scatter [tilespmem:s12], [sflag:$0x4], $0x8000, $0x38;
	[tilespmem:$0x18080] =	vst v63  }
0x7d: {  	p0 =	sne.s32 s7, $0x1;
	_ =	swait.ge [sflag:s31], $0x8000  }
.Ltmp0:
0x7e: {  	[sflag:s31] =	ssyncset.done $0x0;
	(pc) =	sbr.rel @p0 .LBB2_1-.Ltmp0, $4  }
0x7f: {  	[sflag:s31] =	ssyncadd.s32 $0xFFFF8000  }
0x80: {  	_ =	swait.ge [sflag:s1], $0x8000  }
0x81: {  	[sflag:s1] =	ssyncset.done $0x0  }
0x82: {  	s7 =	sadd.s32 $0xFFFFFFFF, s7;
	[sflag:s1] =	ssyncadd.s32 $0xFFFF8000  }
0x83: {  	_ =	sfence.sel $0x180000  }
0x84: {  	[bflag:$0x0] =	sbarrier.arrive $0xFFFF  }
0x85: {  	_ =	strace $0x90000050  }
0x86: {  	s0 =	stileid.u32;
	[bflag:$0x2] =	sbarrier.arrive $0xFFFF  }
0x87: {  	p0 =	sne.s32 s0, $0x0;
	s0 =	rddreg [dreg:$0x2]  }
0x88: {  	s0 =	sadd.s32 @!p0 $0x100000, s0  }
0x89: {  	[sflag:s0] =	ssyncadd.tile.s32 @!p0 $0x1;
	_ =	shalt  }
.Lfunc_end2:
_tile_overlayer_lowered:
.L_overlay_start_2:
0x8a: {  	(tag) =	ssettag $0x2  }
0x8b: {  	s0 =	rddreg [dreg:$0x0];
	s2 =	stileid.u32  }
0x8c: {  	s1 =	rddreg [dreg:$0x1];
	p0 =	sne.s32 s2, $0x0  }
0x8d: {  	s3 =	rddreg [dreg:$0x2];
	[bflag:$0x3] =	sbarrier.arrive $0xFFFF;
	s2 =	simm.s32 @!p0 $0x1C05  }
0x8e: {  	[timem:s3], [sflag:s2] =	dma.local @!p0 [hbm:s0], s1  }
0x8f: {  	s0 =	simm.s32 @!p0 $0x5  }
0x90: {  	_ =	swait.ge @!p0 [sflag:s0], s1  }
0x91: {  	s1 =	ssub.s32 @!p0 $0x0, s1;
	[sflag:s0] =	ssyncset.done @!p0 $0x0  }
0x92: {  	[sflag:s0] =	ssyncadd.s32 @!p0 s1  }
0x93: {  	[bflag:$0x3] =	sbarrier.arrive $0xFFFF  }
0x94: {  	_ =	shalt  }

</sc_bundles>
